<compile_context>
chip_gen: v7x
topology: tpu7x:2x2x1
jax: 0.10.2.dev20260603
libtpu: 0.0.44.dev20260713+nightly
codegen_flags: <defaults>
</compile_context>

<pallas_src>
import functools

import jax
import jax.numpy as jnp
from jax import lax
from jax.experimental import pallas as pl
from jax.experimental.pallas import tpu as pltpu
from jax.experimental.pallas import tpu_sc as plsc

_LN2 = 0.6931471805599453


def _ssp(x):
    return jnp.maximum(x, 0.0) + jnp.log1p(jnp.exp(-jnp.abs(x))) - _LN2


def _filters_body(d_ref, c_ref, g_ref, w1_ref, b1_ref, w2_ref, b2_ref, o_ref):
    d = d_ref[...].reshape(-1, 1)
    ex = jnp.exp(-g_ref[...] * (d - c_ref[...]) ** 2)
    h = jnp.dot(ex, w1_ref[...], preferred_element_type=jnp.float32) + b1_ref[...]
    h = _ssp(h)
    f = jnp.dot(h, w2_ref[...], preferred_element_type=jnp.float32) + b2_ref[...]
    o_ref[...] = _ssp(f)


def _compute_filters(dist, centers, gamma, W1, b1, W2, b2):
    E = dist.shape[1]
    R = centers.shape[0]
    D = W1.shape[1]
    BE = next(b for b in range(3328, 127, -128) if E % b == 0)
    return pl.pallas_call(
        _filters_body,
        grid=(E // BE,),
        in_specs=[
            pl.BlockSpec((1, BE), lambda i: (0, i)),
            pl.BlockSpec((1, R), lambda i: (0, 0)),
            pl.BlockSpec((1, R), lambda i: (0, 0)),
            pl.BlockSpec((R, D), lambda i: (0, 0)),
            pl.BlockSpec((1, D), lambda i: (0, 0)),
            pl.BlockSpec((D, D), lambda i: (0, 0)),
            pl.BlockSpec((1, D), lambda i: (0, 0)),
        ],
        out_specs=pl.BlockSpec((BE, D), lambda i: (i, 0)),
        out_shape=jax.ShapeDtypeStruct((E, D), jnp.float32),
    )(
        dist,
        centers.reshape(1, R),
        gamma.reshape(1, R),
        W1,
        b1.reshape(1, D),
        W2,
        b2.reshape(1, D),
    )


def _sc_gather_mult_segsum(af, filters, idx, seg):
    N, D = af.shape
    E = filters.shape[0]
    NC, NS, L = 2, 16, 16
    NW = NC * NS
    EW = E // NW
    C = next(c for c in range(96, 7, -8) if EW % c == 0)
    assert E % (NW * C) == 0 and D % L == 0
    NF = EW // C
    RZ = (N // NS) // 8 * 8
    NREST = N - RZ * NS
    assert EW % 8 == 0
    mesh = plsc.VectorSubcoreMesh(
        core_axis_name="c", subcore_axis_name="s", num_cores=NC, num_subcores=NS
    )

    @functools.partial(
        pl.kernel,
        out_type=jax.ShapeDtypeStruct((NC, N, D), jnp.float32),
        mesh=mesh,
        scratch_types=[
            pltpu.VMEM((C,), jnp.int32),
            pltpu.VMEM((C,), jnp.int32),
            pltpu.VMEM((C,), jnp.int32),
            pltpu.VMEM((C,), jnp.int32),
            pltpu.VMEM((C, D), jnp.float32),
            pltpu.VMEM((C, D), jnp.float32),
            pltpu.VMEM((C, D), jnp.float32),
            pltpu.VMEM((C, D), jnp.float32),
            pltpu.VMEM_SHARED((N, D), jnp.float32),
            pltpu.SemaphoreType.DMA,
            pltpu.SemaphoreType.DMA,
            pltpu.SemaphoreType.DMA,
            pltpu.SemaphoreType.DMA,
            pltpu.SemaphoreType.DMA,
            pltpu.SemaphoreType.DMA,
            pltpu.SemaphoreType.DMA,
            pltpu.SemaphoreType.DMA,
        ],
    )
    def k(af_hbm, filt_hbm, idx_hbm, seg_hbm, out_hbm,
          ibuf0, ibuf1, sbuf0, sbuf1, rows0, rows1, filt0, filt1, acc,
          gsem0, gsem1, fsem0, fsem1, isem0, isem1, ssem0, ssem1):
        ibuf = (ibuf0, ibuf1)
        sbuf = (sbuf0, sbuf1)
        rows = (rows0, rows1)
        filt = (filt0, filt1)
        gsem = (gsem0, gsem1)
        fsem = (fsem0, fsem1)
        isem = (isem0, isem1)
        ssem = (ssem0, ssem1)
        cid = lax.axis_index("c")
        sid = lax.axis_index("s")
        wid = cid * NS + sid
        ebase = wid * EW

        @pl.loop(0, C)
        def _z(r):
            for c8 in range(D // L):
                rows0[r, pl.ds(c8 * L, L)] = jnp.zeros((L,), jnp.float32)

        nz = RZ // C
        rz = RZ - nz * C

        @pl.loop(0, nz)
        def _zc(kk):
            pltpu.sync_copy(rows0, acc.at[pl.ds(sid * RZ + kk * C, C)])

        if rz > 0:
            pltpu.sync_copy(
                rows0.at[pl.ds(0, rz)], acc.at[pl.ds(sid * RZ + nz * C, rz)]
            )
        if NREST > 0:
            @pl.when(sid == 0)
            def _zrest():
                pltpu.sync_copy(
                    rows0.at[pl.ds(0, NREST)], acc.at[pl.ds(RZ * NS, NREST)]
                )
        plsc.subcore_barrier()

        def issue_idx(g, b):
            pltpu.async_copy(idx_hbm.at[pl.ds(ebase + g * C, C)], ibuf[b], isem[b])

        def issue_seg(g, b):
            pltpu.async_copy(seg_hbm.at[pl.ds(ebase + g * C, C)], sbuf[b], ssem[b])

        def issue_data(g, b):
            pltpu.async_copy(af_hbm.at[ibuf[b]], rows[b], gsem[b])
            pltpu.async_copy(
                filt_hbm.at[pl.ds(ebase + g * C, C)], filt[b], fsem[b]
            )

        def wait_idx(b):
            pltpu.make_async_copy(idx_hbm.at[pl.ds(0, C)], ibuf[b], isem[b]).wait()

        def wait_seg(b):
            pltpu.make_async_copy(seg_hbm.at[pl.ds(0, C)], sbuf[b], ssem[b]).wait()

        def wait_data(b):
            pltpu.make_async_copy(af_hbm.at[pl.ds(0, C)], rows[b], gsem[b]).wait()
            pltpu.make_async_copy(filt_hbm.at[pl.ds(0, C)], filt[b], fsem[b]).wait()

        def multiply(b):
            @pl.loop(0, C)
            def _m(r):
                for c8 in range(D // L):
                    sl = pl.ds(c8 * L, L)
                    rows[b][r, sl] = rows[b][r, sl] * filt[b][r, sl]

        for b in range(2):
            issue_idx(b, b)
            issue_seg(b, b)
        for b in range(2):
            wait_idx(b)
            issue_data(b, b)

        NF2 = NF - (NF % 2)

        @pl.loop(0, NF2, step=2)
        def _main(g):
            for b in range(2):
                gg = g + b
                nxt = jnp.minimum(gg + 2, NF - 1)
                wait_data(b)
                issue_idx(nxt, b)
                multiply(b)
                wait_seg(b)
                pltpu.sync_copy(rows[b], acc.at[sbuf[b]], add=True)
                issue_seg(nxt, b)
                wait_idx(b)
                issue_data(nxt, b)

        if NF % 2:
            wait_data(0)
            multiply(0)
            wait_seg(0)
            pltpu.sync_copy(rows[0], acc.at[sbuf[0]], add=True)
            wait_data(1)
            wait_seg(1)
        else:
            for b in range(2):
                wait_data(b)
                wait_seg(b)

        plsc.subcore_barrier()

        pltpu.sync_copy(
            acc.at[pl.ds(sid * RZ, RZ)], out_hbm.at[cid, pl.ds(sid * RZ, RZ)]
        )
        if NREST > 0:
            @pl.when(sid == 0)
            def _rb():
                pltpu.sync_copy(
                    acc.at[pl.ds(RZ * NS, NREST)],
                    out_hbm.at[cid, pl.ds(RZ * NS, NREST)],
                )

    return k(af, filters, idx, seg)


def _add_body(p_ref, q_ref, o_ref):
    o_ref[...] = (p_ref[0] + p_ref[1]) + (q_ref[0] + q_ref[1])


def _add_partials(p, q):
    _, N, D = p.shape
    BN = 2000
    assert N % BN == 0
    spec = pl.BlockSpec((2, BN, D), lambda i: (0, i, 0))
    return pl.pallas_call(
        _add_body,
        grid=(N // BN,),
        in_specs=[spec, spec],
        out_specs=pl.BlockSpec((BN, D), lambda i: (i, 0)),
        out_shape=jax.ShapeDtypeStruct((N, D), jnp.float32),
    )(p, q)


def kernel(atom_features, distances, rbf_centers, rbf_gamma, W1, b1, W2, b2, idx_j, seg_i):
    B, N, D = atom_features.shape
    E = distances.shape[1]
    af = atom_features.reshape(N, D)
    idx = idx_j.astype(jnp.int32)
    seg = seg_i.astype(jnp.int32)

    H = (E * 121 // 250) // 256 * 256
    parts = []
    for k, sl in enumerate((slice(0, H), slice(H, E))):
        f_k = _compute_filters(
            distances[:, sl], rbf_centers, rbf_gamma, W1, b1, W2, b2)
        parts.append(_sc_gather_mult_segsum(af, f_k, idx[sl], seg[sl]))
    out = _add_partials(parts[0], parts[1])
    return out.reshape(B, N, D)

# --- scband reference (transcript-rebuilt; emitter-appended) ---
"""Pipeline reference for scband-continuous-filter-convolution-20332375179742 (READ-ONLY COPY).

The authoritative reference and input builder live on the scoring server;
editing this copy changes nothing except your own understanding.
"""

import jax, jax.numpy as jnp
import numpy as np

N_NODES = 10000
N_EDGES = 320000
D = 128
NUM_RBF = 64
CUTOFF = 15.0
B = 1


def setup_inputs(seed: int = 0) -> dict:
    key = jax.random.key(seed)
    k1, k2, k3, k4, k5, k6, k7, k8 = jax.random.split(key, 8)
    atom_features = jax.random.normal(k1, (B, N_NODES, D), dtype=jnp.float32)
    distances = jax.random.uniform(k2, (B, N_EDGES), dtype=jnp.float32) * CUTOFF
    idx_j = jax.random.randint(k3, (N_EDGES,), 0, N_NODES, dtype=jnp.int64 if jax.config.jax_enable_x64 else jnp.int32)
    seg_i = jnp.sort(jax.random.randint(k4, (N_EDGES,), 0, N_NODES, dtype=jnp.int64 if jax.config.jax_enable_x64 else jnp.int32))
    rbf_centers = jnp.asarray(np.linspace(0.0, CUTOFF, NUM_RBF), dtype=jnp.float32)
    rbf_gamma = jnp.asarray(np.linspace(10.0, 10.0, NUM_RBF), dtype=jnp.float32)
    # Dense layers (glorot-uniform-like init)
    lim1 = float(np.sqrt(6.0 / (NUM_RBF + D)))
    W1 = jax.random.uniform(k5, (NUM_RBF, D), dtype=jnp.float32, minval=-lim1, maxval=lim1)
    b1 = jnp.zeros((D,), dtype=jnp.float32)
    lim2 = float(np.sqrt(6.0 / (D + D)))
    W2 = jax.random.uniform(k6, (D, D), dtype=jnp.float32, minval=-lim2, maxval=lim2)
    b2 = jnp.zeros((D,), dtype=jnp.float32)
    return {
        "atom_features": atom_features,
        "distances": distances,
        "rbf_centers": rbf_centers,
        "rbf_gamma": rbf_gamma,
        "W1": W1,
        "b1": b1,
        "W2": W2,
        "b2": b2,
        "idx_j": idx_j,
        "seg_i": seg_i,
    }


def _shifted_softplus(x):
    return jax.nn.softplus(x) - jnp.log(2.0)


def reference(atom_features, distances, rbf_centers, rbf_gamma, W1, b1, W2, b2, idx_j, seg_i):
    # RBF expansion: [B, E] -> [B, E, NUM_RBF]
    d = jnp.expand_dims(distances, -1)
    expanded = jnp.exp(-rbf_gamma * (d - rbf_centers) ** 2)
    # Filter network
    filters = _shifted_softplus(jnp.dot(expanded, W1) + b1)
    filters = _shifted_softplus(jnp.dot(filters, W2) + b2)
    # Gather neighbor atom features along node axis -> [B, E, D]
    af = jnp.take(atom_features, idx_j, axis=1)
    x = af * filters
    # [B, E, D] -> [E, D, B]
    x = jnp.transpose(x, (1, 2, 0))
    # segment sum over edges -> [N, D, B]
    x = jax.ops.segment_sum(x, seg_i, num_segments=N_NODES)
    # [N, D, B] -> [B, N, D]
    x = jnp.transpose(x, (2, 0, 1))
    return x

if __name__ == "__main__":
    import jax
    _d = setup_inputs()
    print(jax.jit(kernel)(*tuple(_d.values())))

</pallas_src>

<mosaic_0001>
#map = affine_map<(d0, d1) -> (0, 0)>
#map1 = affine_map<(d0, d1) -> (0)>
#map2 = affine_map<(d0, d1) -> (0, 0, 0)>
module attributes {stable_mosaic.version = 14 : i64} {
  func.func @k(%arg0: i32, %arg1: i32, %arg2: memref<10000x128xf32, #tpu.memory_space<hbm>>, %arg3: memref<165120x128xf32, #tpu.memory_space<hbm>>, %arg4: memref<165120xi32, #tpu.memory_space<hbm>>, %arg5: memref<165120xi32, #tpu.memory_space<hbm>>, %arg6: memref<2x10000x128xf32, #tpu.memory_space<hbm>>, %arg7: memref<40xi32, #tpu.memory_space<vmem>>, %arg8: memref<40xi32, #tpu.memory_space<vmem>>, %arg9: memref<40xi32, #tpu.memory_space<vmem>>, %arg10: memref<40xi32, #tpu.memory_space<vmem>>, %arg11: memref<40x128xf32, #tpu.memory_space<vmem>>, %arg12: memref<40x128xf32, #tpu.memory_space<vmem>>, %arg13: memref<40x128xf32, #tpu.memory_space<vmem>>, %arg14: memref<40x128xf32, #tpu.memory_space<vmem>>, %arg15: memref<10000x128xf32, #tpu.memory_space<vmem_shared>>, %arg16: memref<!tpu.dma_semaphore, #tpu.memory_space<semaphore_mem>>, %arg17: memref<!tpu.dma_semaphore, #tpu.memory_space<semaphore_mem>>, %arg18: memref<!tpu.dma_semaphore, #tpu.memory_space<semaphore_mem>>, %arg19: memref<!tpu.dma_semaphore, #tpu.memory_space<semaphore_mem>>, %arg20: memref<!tpu.dma_semaphore, #tpu.memory_space<semaphore_mem>>, %arg21: memref<!tpu.dma_semaphore, #tpu.memory_space<semaphore_mem>>, %arg22: memref<!tpu.dma_semaphore, #tpu.memory_space<semaphore_mem>>, %arg23: memref<!tpu.dma_semaphore, #tpu.memory_space<semaphore_mem>>) attributes {dimension_semantics = [#tpu.dimension_semantics<core_parallel>, #tpu.dimension_semantics<subcore_parallel>], iteration_bounds = array<i64: 2, 16>, scalar_prefetch = 0 : i64, scratch_operands = 17 : i64, tpu.core_type = #tpu.core_type<sc_vector_subcore>, window_params = [{transform_indices = #map}, {transform_indices = #map}, {transform_indices = #map1}, {transform_indices = #map1}, {transform_indices = #map2}]} {
    %mul3A = arith.constant 16 : i32
    %mul3A_0 = arith.muli %arg0, %mul3A : i32
    %add3A = arith.addi %mul3A_0, %arg1 : i32
    %mul3A_1 = arith.constant 5160 : i32
    %mul3A_2 = arith.muli %add3A, %mul3A_1 : i32
    %scan3A = arith.constant 0 : i32
    %scan3A_3 = arith.constant 40 : i32
    %scan3A_4 = arith.addi %scan3A, %scan3A_3 : i32
    %scan3A_5 = arith.constant 1 : i32
    scf.for %scan3A_110 = %scan3A to %scan3A_4 step %scan3A_5  : i32 {
      %mul3A_111 = arith.constant 1 : i32
      %mul3A_112 = arith.muli %scan3A_110, %mul3A_111 : i32
      %add3A_113 = arith.constant 0 : i32
      %add3A_114 = arith.addi %add3A_113, %mul3A_112 : i32
      %broadcast_in_dim3A = arith.constant 0.000000e+00 : f32
      %broadcast_in_dim3A_115 = vector.broadcast %broadcast_in_dim3A : f32 to vector<16xf32>
      %swap3A = arith.index_cast %add3A_114 : i32 to index
      %swap3A_116 = arith.constant 0 : index
      %swap3A_117 = tpu.vector_load %arg11[%swap3A, %swap3A_116] {strides = array<i32>} : memref<40x128xf32, #tpu.memory_space<vmem>>, vector<1x16xf32>,
      %swap3A_118 = vector.shape_cast %swap3A_117 : vector<1x16xf32> to vector<16xf32>
      %swap3A_119 = vector.shape_cast %broadcast_in_dim3A_115 : vector<16xf32> to vector<1x16xf32>
      tpu.vector_store %arg11[%swap3A, %swap3A_116], %swap3A_119 {strides = array<i32>} : memref<40x128xf32, #tpu.memory_space<vmem>>, vector<1x16xf32>,
      %broadcast_in_dim3A_120 = arith.constant 0.000000e+00 : f32
      %broadcast_in_dim3A_121 = vector.broadcast %broadcast_in_dim3A_120 : f32 to vector<16xf32>
      %swap3A_122 = arith.index_cast %add3A_114 : i32 to index
      %swap3A_123 = arith.constant 16 : index
      %swap3A_124 = tpu.vector_load %arg11[%swap3A_122, %swap3A_123] {strides = array<i32>} : memref<40x128xf32, #tpu.memory_space<vmem>>, vector<1x16xf32>,
      %swap3A_125 = vector.shape_cast %swap3A_124 : vector<1x16xf32> to vector<16xf32>
      %swap3A_126 = vector.shape_cast %broadcast_in_dim3A_121 : vector<16xf32> to vector<1x16xf32>
      tpu.vector_store %arg11[%swap3A_122, %swap3A_123], %swap3A_126 {strides = array<i32>} : memref<40x128xf32, #tpu.memory_space<vmem>>, vector<1x16xf32>,
      %broadcast_in_dim3A_127 = arith.constant 0.000000e+00 : f32
      %broadcast_in_dim3A_128 = vector.broadcast %broadcast_in_dim3A_127 : f32 to vector<16xf32>
      %swap3A_129 = arith.index_cast %add3A_114 : i32 to index
      %swap3A_130 = arith.constant 32 : index
      %swap3A_131 = tpu.vector_load %arg11[%swap3A_129, %swap3A_130] {strides = array<i32>} : memref<40x128xf32, #tpu.memory_space<vmem>>, vector<1x16xf32>,
      %swap3A_132 = vector.shape_cast %swap3A_131 : vector<1x16xf32> to vector<16xf32>
      %swap3A_133 = vector.shape_cast %broadcast_in_dim3A_128 : vector<16xf32> to vector<1x16xf32>
      tpu.vector_store %arg11[%swap3A_129, %swap3A_130], %swap3A_133 {strides = array<i32>} : memref<40x128xf32, #tpu.memory_space<vmem>>, vector<1x16xf32>,
      %broadcast_in_dim3A_134 = arith.constant 0.000000e+00 : f32
      %broadcast_in_dim3A_135 = vector.broadcast %broadcast_in_dim3A_134 : f32 to vector<16xf32>
      %swap3A_136 = arith.index_cast %add3A_114 : i32 to index
      %swap3A_137 = arith.constant 48 : index
      %swap3A_138 = tpu.vector_load %arg11[%swap3A_136, %swap3A_137] {strides = array<i32>} : memref<40x128xf32, #tpu.memory_space<vmem>>, vector<1x16xf32>,
      %swap3A_139 = vector.shape_cast %swap3A_138 : vector<1x16xf32> to vector<16xf32>
      %swap3A_140 = vector.shape_cast %broadcast_in_dim3A_135 : vector<16xf32> to vector<1x16xf32>
      tpu.vector_store %arg11[%swap3A_136, %swap3A_137], %swap3A_140 {strides = array<i32>} : memref<40x128xf32, #tpu.memory_space<vmem>>, vector<1x16xf32>,
      %broadcast_in_dim3A_141 = arith.constant 0.000000e+00 : f32
      %broadcast_in_dim3A_142 = vector.broadcast %broadcast_in_dim3A_141 : f32 to vector<16xf32>
      %swap3A_143 = arith.index_cast %add3A_114 : i32 to index
      %swap3A_144 = arith.constant 64 : index
      %swap3A_145 = tpu.vector_load %arg11[%swap3A_143, %swap3A_144] {strides = array<i32>} : memref<40x128xf32, #tpu.memory_space<vmem>>, vector<1x16xf32>,
      %swap3A_146 = vector.shape_cast %swap3A_145 : vector<1x16xf32> to vector<16xf32>
      %swap3A_147 = vector.shape_cast %broadcast_in_dim3A_142 : vector<16xf32> to vector<1x16xf32>
      tpu.vector_store %arg11[%swap3A_143, %swap3A_144], %swap3A_147 {strides = array<i32>} : memref<40x128xf32, #tpu.memory_space<vmem>>, vector<1x16xf32>,
      %broadcast_in_dim3A_148 = arith.constant 0.000000e+00 : f32
      %broadcast_in_dim3A_149 = vector.broadcast %broadcast_in_dim3A_148 : f32 to vector<16xf32>
      %swap3A_150 = arith.index_cast %add3A_114 : i32 to index
      %swap3A_151 = arith.constant 80 : index
      %swap3A_152 = tpu.vector_load %arg11[%swap3A_150, %swap3A_151] {strides = array<i32>} : memref<40x128xf32, #tpu.memory_space<vmem>>, vector<1x16xf32>,
      %swap3A_153 = vector.shape_cast %swap3A_152 : vector<1x16xf32> to vector<16xf32>
      %swap3A_154 = vector.shape_cast %broadcast_in_dim3A_149 : vector<16xf32> to vector<1x16xf32>
      tpu.vector_store %arg11[%swap3A_150, %swap3A_151], %swap3A_154 {strides = array<i32>} : memref<40x128xf32, #tpu.memory_space<vmem>>, vector<1x16xf32>,
      %broadcast_in_dim3A_155 = arith.constant 0.000000e+00 : f32
      %broadcast_in_dim3A_156 = vector.broadcast %broadcast_in_dim3A_155 : f32 to vector<16xf32>
      %swap3A_157 = arith.index_cast %add3A_114 : i32 to index
      %swap3A_158 = arith.constant 96 : index
      %swap3A_159 = tpu.vector_load %arg11[%swap3A_157, %swap3A_158] {strides = array<i32>} : memref<40x128xf32, #tpu.memory_space<vmem>>, vector<1x16xf32>,
      %swap3A_160 = vector.shape_cast %swap3A_159 : vector<1x16xf32> to vector<16xf32>
      %swap3A_161 = vector.shape_cast %broadcast_in_dim3A_156 : vector<16xf32> to vector<1x16xf32>
      tpu.vector_store %arg11[%swap3A_157, %swap3A_158], %swap3A_161 {strides = array<i32>} : memref<40x128xf32, #tpu.memory_space<vmem>>, vector<1x16xf32>,
      %broadcast_in_dim3A_162 = arith.constant 0.000000e+00 : f32
      %broadcast_in_dim3A_163 = vector.broadcast %broadcast_in_dim3A_162 : f32 to vector<16xf32>
      %swap3A_164 = arith.index_cast %add3A_114 : i32 to index
      %swap3A_165 = arith.constant 112 : index
      %swap3A_166 = tpu.vector_load %arg11[%swap3A_164, %swap3A_165] {strides = array<i32>} : memref<40x128xf32, #tpu.memory_space<vmem>>, vector<1x16xf32>,
      %swap3A_167 = vector.shape_cast %swap3A_166 : vector<1x16xf32> to vector<16xf32>
      %swap3A_168 = vector.shape_cast %broadcast_in_dim3A_163 : vector<16xf32> to vector<1x16xf32>
      tpu.vector_store %arg11[%swap3A_164, %swap3A_165], %swap3A_168 {strides = array<i32>} : memref<40x128xf32, #tpu.memory_space<vmem>>, vector<1x16xf32>,
    }
    %scan3A_6 = arith.constant 40 : i32
    %scan3A_7 = arith.constant 0 : i32
    %scan3A_8 = arith.constant 15 : i32
    %scan3A_9 = arith.addi %scan3A_7, %scan3A_8 : i32
    %scan3A_10 = arith.constant 1 : i32
    scf.for %scan3A_110 = %scan3A_7 to %scan3A_9 step %scan3A_10  : i32 {
      %mul3A_111 = arith.constant 1 : i32
      %mul3A_112 = arith.muli %scan3A_110, %mul3A_111 : i32
      %add3A_113 = arith.constant 0 : i32
      %add3A_114 = arith.addi %add3A_113, %mul3A_112 : i32
      %mul3A_115 = arith.constant 624 : i32
      %mul3A_116 = arith.muli %arg1, %mul3A_115 : i32
      %mul3A_117 = arith.constant 40 : i32
      %mul3A_118 = arith.muli %add3A_114, %mul3A_117 : i32
      %add3A_119 = arith.addi %mul3A_116, %mul3A_118 : i32
      "tpu.region"() ({
        %run_scoped3A = tpu.sem_alloc : memref<!tpu.dma_semaphore, #tpu.memory_space<semaphore_mem>>
        %dma_start3A_120 = arith.constant 0 : i32
        %dma_start3A_121 = tpu.memref_slice %arg15[%add3A_119, %dma_start3A_120] : memref<10000x128xf32, #tpu.memory_space<vmem_shared>> -> memref<40x128xf32, #tpu.memory_space<vmem_shared>>
        %dma_start3A_122 = arith.constant 0 : i32
        %dma_start3A_123 = tpu.memref_slice %arg15[%add3A_119, %dma_start3A_122] : memref<10000x128xf32, #tpu.memory_space<vmem_shared>> -> memref<40x128xf32, #tpu.memory_space<vmem_shared>>
        tpu.enqueue_dma source(%arg11 : memref<40x128xf32, #tpu.memory_space<vmem>>) target(%dma_start3A_123 : memref<40x128xf32, #tpu.memory_space<vmem_shared>>) target_semaphore(%run_scoped3A : memref<!tpu.dma_semaphore, #tpu.memory_space<semaphore_mem>>)
        %dma_wait3A_124 = arith.constant 0 : i32
        %dma_wait3A_125 = tpu.memref_slice %arg15[%add3A_119, %dma_wait3A_124] : memref<10000x128xf32, #tpu.memory_space<vmem_shared>> -> memref<40x128xf32, #tpu.memory_space<vmem_shared>>
        %dma_wait3A_126 = arith.constant 0 : i32
        %dma_wait3A_127 = tpu.memref_slice %arg15[%add3A_119, %dma_wait3A_126] : memref<10000x128xf32, #tpu.memory_space<vmem_shared>> -> memref<40x128xf32, #tpu.memory_space<vmem_shared>>
        tpu.wait_dma2 semaphore(%run_scoped3A : memref<!tpu.dma_semaphore, #tpu.memory_space<semaphore_mem>>) src(%arg11 : memref<40x128xf32, #tpu.memory_space<vmem>>) dst(%dma_wait3A_127 : memref<40x128xf32, #tpu.memory_space<vmem_shared>>)
        tpu.yield
      }) : () -> ()
    }
    %scan3A_11 = arith.constant 15 : i32
    %mul3A_12 = arith.constant 624 : i32
    %mul3A_13 = arith.muli %arg1, %mul3A_12 : i32
    %add3A_14 = arith.constant 600 : i32
    %add3A_15 = arith.addi %mul3A_13, %add3A_14 : i32
    "tpu.region"() ({
      %run_scoped3A = tpu.sem_alloc : memref<!tpu.dma_semaphore, #tpu.memory_space<semaphore_mem>>
      %dma_start3A_110 = arith.constant 0 : i32
      %dma_start3A_111 = arith.constant 0 : i32
      %dma_start3A_112 = tpu.memref_slice %arg11[%dma_start3A_110, %dma_start3A_111] : memref<40x128xf32, #tpu.memory_space<vmem>> -> memref<24x128xf32, #tpu.memory_space<vmem>>
      %dma_start3A_113 = arith.constant 0 : i32
      %dma_start3A_114 = tpu.memref_slice %arg15[%add3A_15, %dma_start3A_113] : memref<10000x128xf32, #tpu.memory_space<vmem_shared>> -> memref<24x128xf32, #tpu.memory_space<vmem_shared>>
      %dma_start3A_115 = arith.constant 0 : i32
      %dma_start3A_116 = tpu.memref_slice %arg15[%add3A_15, %dma_start3A_115] : memref<10000x128xf32, #tpu.memory_space<vmem_shared>> -> memref<24x128xf32, #tpu.memory_space<vmem_shared>>
      %dma_start3A_117 = arith.constant 0 : i32
      %dma_start3A_118 = arith.constant 0 : i32
      %dma_start3A_119 = tpu.memref_slice %arg11[%dma_start3A_117, %dma_start3A_118] : memref<40x128xf32, #tpu.memory_space<vmem>> -> memref<24x128xf32, #tpu.memory_space<vmem>>
      tpu.enqueue_dma source(%dma_start3A_119 : memref<24x128xf32, #tpu.memory_space<vmem>>) target(%dma_start3A_116 : memref<24x128xf32, #tpu.memory_space<vmem_shared>>) target_semaphore(%run_scoped3A : memref<!tpu.dma_semaphore, #tpu.memory_space<semaphore_mem>>)
      %dma_wait3A_120 = arith.constant 0 : i32
      %dma_wait3A_121 = arith.constant 0 : i32
      %dma_wait3A_122 = tpu.memref_slice %arg11[%dma_wait3A_120, %dma_wait3A_121] : memref<40x128xf32, #tpu.memory_space<vmem>> -> memref<24x128xf32, #tpu.memory_space<vmem>>
      %dma_wait3A_123 = arith.constant 0 : i32
      %dma_wait3A_124 = tpu.memref_slice %arg15[%add3A_15, %dma_wait3A_123] : memref<10000x128xf32, #tpu.memory_space<vmem_shared>> -> memref<24x128xf32, #tpu.memory_space<vmem_shared>>
      %dma_wait3A_125 = arith.constant 0 : i32
      %dma_wait3A_126 = tpu.memref_slice %arg15[%add3A_15, %dma_wait3A_125] : memref<10000x128xf32, #tpu.memory_space<vmem_shared>> -> memref<24x128xf32, #tpu.memory_space<vmem_shared>>
      %dma_wait3A_127 = arith.constant 0 : i32
      %dma_wait3A_128 = arith.constant 0 : i32
      %dma_wait3A_129 = tpu.memref_slice %arg11[%dma_wait3A_127, %dma_wait3A_128] : memref<40x128xf32, #tpu.memory_space<vmem>> -> memref<24x128xf32, #tpu.memory_space<vmem>>
      tpu.wait_dma2 semaphore(%run_scoped3A : memref<!tpu.dma_semaphore, #tpu.memory_space<semaphore_mem>>) src(%dma_wait3A_129 : memref<24x128xf32, #tpu.memory_space<vmem>>) dst(%dma_wait3A_126 : memref<24x128xf32, #tpu.memory_space<vmem_shared>>)
      tpu.yield
    }) : () -> ()
    %eq3A = arith.constant 0 : i32
    %eq3A_16 = arith.cmpi eq, %arg1, %eq3A : i32
    %convert_element_type3A = arith.extui %eq3A_16 : i1 to i32
    %cond3A = arith.constant 0 : i32
    %cond3A_17 = arith.cmpi ne, %convert_element_type3A, %cond3A : i32
    scf.if %cond3A_17 {
      "tpu.region"() ({
        %run_scoped3A = tpu.sem_alloc : memref<!tpu.dma_semaphore, #tpu.memory_space<semaphore_mem>>
        %dma_start3A_110 = arith.constant 0 : i32
        %dma_start3A_111 = arith.constant 0 : i32
        %dma_start3A_112 = tpu.memref_slice %arg11[%dma_start3A_110, %dma_start3A_111] : memref<40x128xf32, #tpu.memory_space<vmem>> -> memref<16x128xf32, #tpu.memory_space<vmem>>
        %dma_start3A_113 = arith.constant 9984 : i32
        %dma_start3A_114 = arith.constant 0 : i32
        %dma_start3A_115 = tpu.memref_slice %arg15[%dma_start3A_113, %dma_start3A_114] : memref<10000x128xf32, #tpu.memory_space<vmem_shared>> -> memref<16x128xf32, #tpu.memory_space<vmem_shared>>
        %dma_start3A_116 = arith.constant 9984 : i32
        %dma_start3A_117 = arith.constant 0 : i32
        %dma_start3A_118 = tpu.memref_slice %arg15[%dma_start3A_116, %dma_start3A_117] : memref<10000x128xf32, #tpu.memory_space<vmem_shared>> -> memref<16x128xf32, #tpu.memory_space<vmem_shared>>
        %dma_start3A_119 = arith.constant 0 : i32
        %dma_start3A_120 = arith.constant 0 : i32
        %dma_start3A_121 = tpu.memref_slice %arg11[%dma_start3A_119, %dma_start3A_120] : memref<40x128xf32, #tpu.memory_space<vmem>> -> memref<16x128xf32, #tpu.memory_space<vmem>>
        tpu.enqueue_dma source(%dma_start3A_121 : memref<16x128xf32, #tpu.memory_space<vmem>>) target(%dma_start3A_118 : memref<16x128xf32, #tpu.memory_space<vmem_shared>>) target_semaphore(%run_scoped3A : memref<!tpu.dma_semaphore, #tpu.memory_space<semaphore_mem>>)
        %dma_wait3A_122 = arith.constant 0 : i32
        %dma_wait3A_123 = arith.constant 0 : i32
        %dma_wait3A_124 = tpu.memref_slice %arg11[%dma_wait3A_122, %dma_wait3A_123] : memref<40x128xf32, #tpu.memory_space<vmem>> -> memref<16x128xf32, #tpu.memory_space<vmem>>
        %dma_wait3A_125 = arith.constant 9984 : i32
        %dma_wait3A_126 = arith.constant 0 : i32
        %dma_wait3A_127 = tpu.memref_slice %arg15[%dma_wait3A_125, %dma_wait3A_126] : memref<10000x128xf32, #tpu.memory_space<vmem_shared>> -> memref<16x128xf32, #tpu.memory_space<vmem_shared>>
        %dma_wait3A_128 = arith.constant 9984 : i32
        %dma_wait3A_129 = arith.constant 0 : i32
        %dma_wait3A_130 = tpu.memref_slice %arg15[%dma_wait3A_128, %dma_wait3A_129] : memref<10000x128xf32, #tpu.memory_space<vmem_shared>> -> memref<16x128xf32, #tpu.memory_space<vmem_shared>>
        %dma_wait3A_131 = arith.constant 0 : i32
        %dma_wait3A_132 = arith.constant 0 : i32
        %dma_wait3A_133 = tpu.memref_slice %arg11[%dma_wait3A_131, %dma_wait3A_132] : memref<40x128xf32, #tpu.memory_space<vmem>> -> memref<16x128xf32, #tpu.memory_space<vmem>>
        tpu.wait_dma2 semaphore(%run_scoped3A : memref<!tpu.dma_semaphore, #tpu.memory_space<semaphore_mem>>) src(%dma_wait3A_133 : memref<16x128xf32, #tpu.memory_space<vmem>>) dst(%dma_wait3A_130 : memref<16x128xf32, #tpu.memory_space<vmem_shared>>)
        tpu.yield
      }) : () -> ()
    } else {
    }
    %barrier3A = arith.constant 0 : index
    tpu.barrier barrier_id(%barrier3A)
    %add3A_18 = arith.constant 0 : i32
    %add3A_19 = arith.addi %mul3A_2, %add3A_18 : i32
    %dma_start3A = tpu.memref_slice %arg4[%add3A_19] : memref<165120xi32, #tpu.memory_space<hbm>> -> memref<40xi32, #tpu.memory_space<hbm>>
    %dma_start3A_20 = tpu.memref_slice %arg4[%add3A_19] : memref<165120xi32, #tpu.memory_space<hbm>> -> memref<40xi32, #tpu.memory_space<hbm>>
    tpu.enqueue_dma source(%dma_start3A_20 : memref<40xi32, #tpu.memory_space<hbm>>) target(%arg7 : memref<40xi32, #tpu.memory_space<vmem>>) target_semaphore(%arg20 : memref<!tpu.dma_semaphore, #tpu.memory_space<semaphore_mem>>)
    %add3A_21 = arith.constant 0 : i32
    %add3A_22 = arith.addi %mul3A_2, %add3A_21 : i32
    %dma_start3A_23 = tpu.memref_slice %arg5[%add3A_22] : memref<165120xi32, #tpu.memory_space<hbm>> -> memref<40xi32, #tpu.memory_space<hbm>>
    %dma_start3A_24 = tpu.memref_slice %arg5[%add3A_22] : memref<165120xi32, #tpu.memory_space<hbm>> -> memref<40xi32, #tpu.memory_space<hbm>>
    tpu.enqueue_dma source(%dma_start3A_24 : memref<40xi32, #tpu.memory_space<hbm>>) target(%arg9 : memref<40xi32, #tpu.memory_space<vmem>>) target_semaphore(%arg22 : memref<!tpu.dma_semaphore, #tpu.memory_space<semaphore_mem>>)
    %add3A_25 = arith.constant 40 : i32
    %add3A_26 = arith.addi %mul3A_2, %add3A_25 : i32
    %dma_start3A_27 = tpu.memref_slice %arg4[%add3A_26] : memref<165120xi32, #tpu.memory_space<hbm>> -> memref<40xi32, #tpu.memory_space<hbm>>
    %dma_start3A_28 = tpu.memref_slice %arg4[%add3A_26] : memref<165120xi32, #tpu.memory_space<hbm>> -> memref<40xi32, #tpu.memory_space<hbm>>
    tpu.enqueue_dma source(%dma_start3A_28 : memref<40xi32, #tpu.memory_space<hbm>>) target(%arg8 : memref<40xi32, #tpu.memory_space<vmem>>) target_semaphore(%arg21 : memref<!tpu.dma_semaphore, #tpu.memory_space<semaphore_mem>>)
    %add3A_29 = arith.constant 40 : i32
    %add3A_30 = arith.addi %mul3A_2, %add3A_29 : i32
    %dma_start3A_31 = tpu.memref_slice %arg5[%add3A_30] : memref<165120xi32, #tpu.memory_space<hbm>> -> memref<40xi32, #tpu.memory_space<hbm>>
    %dma_start3A_32 = tpu.memref_slice %arg5[%add3A_30] : memref<165120xi32, #tpu.memory_space<hbm>> -> memref<40xi32, #tpu.memory_space<hbm>>
    tpu.enqueue_dma source(%dma_start3A_32 : memref<40xi32, #tpu.memory_space<hbm>>) target(%arg10 : memref<40xi32, #tpu.memory_space<vmem>>) target_semaphore(%arg23 : memref<!tpu.dma_semaphore, #tpu.memory_space<semaphore_mem>>)
    %dma_wait3A = arith.constant 0 : i32
    %dma_wait3A_33 = tpu.memref_slice %arg4[%dma_wait3A] : memref<165120xi32, #tpu.memory_space<hbm>> -> memref<40xi32, #tpu.memory_space<hbm>>
    %dma_wait3A_34 = arith.constant 0 : i32
    %dma_wait3A_35 = tpu.memref_slice %arg4[%dma_wait3A_34] : memref<165120xi32, #tpu.memory_space<hbm>> -> memref<40xi32, #tpu.memory_space<hbm>>
    tpu.wait_dma2 semaphore(%arg20 : memref<!tpu.dma_semaphore, #tpu.memory_space<semaphore_mem>>) src(%dma_wait3A_35 : memref<40xi32, #tpu.memory_space<hbm>>) dst(%arg7 : memref<40xi32, #tpu.memory_space<vmem>>)
    %dma_start3A_36 = arith.constant 0 : i32
    %dma_start3A_37 = arith.constant 0 : i32
    %dma_start3A_38 = tpu.memref_slice %arg2[%dma_start3A_36, %dma_start3A_37] : memref<10000x128xf32, #tpu.memory_space<hbm>> -> memref<10000x128xf32, #tpu.memory_space<hbm>>
    tpu.enqueue_indirect_dma source(%dma_start3A_38 : memref<10000x128xf32, #tpu.memory_space<hbm>>) target(%arg11 : memref<40x128xf32, #tpu.memory_space<vmem>>) offsets(%arg7 : memref<40xi32, #tpu.memory_space<vmem>>) semaphore(%arg16 : memref<!tpu.dma_semaphore, #tpu.memory_space<semaphore_mem>>)
    %add3A_39 = arith.constant 0 : i32
    %add3A_40 = arith.addi %mul3A_2, %add3A_39 : i32
    %dma_start3A_41 = arith.constant 0 : i32
    %dma_start3A_42 = tpu.memref_slice %arg3[%add3A_40, %dma_start3A_41] : memref<165120x128xf32, #tpu.memory_space<hbm>> -> memref<40x128xf32, #tpu.memory_space<hbm>>
    %dma_start3A_43 = arith.constant 0 : i32
    %dma_start3A_44 = tpu.memref_slice %arg3[%add3A_40, %dma_start3A_43] : memref<165120x128xf32, #tpu.memory_space<hbm>> -> memref<40x128xf32, #tpu.memory_space<hbm>>
    tpu.enqueue_dma source(%dma_start3A_44 : memref<40x128xf32, #tpu.memory_space<hbm>>) target(%arg13 : memref<40x128xf32, #tpu.memory_space<vmem>>) target_semaphore(%arg18 : memref<!tpu.dma_semaphore, #tpu.memory_space<semaphore_mem>>)
    %dma_wait3A_45 = arith.constant 0 : i32
    %dma_wait3A_46 = tpu.memref_slice %arg4[%dma_wait3A_45] : memref<165120xi32, #tpu.memory_space<hbm>> -> memref<40xi32, #tpu.memory_space<hbm>>
    %dma_wait3A_47 = arith.constant 0 : i32
    %dma_wait3A_48 = tpu.memref_slice %arg4[%dma_wait3A_47] : memref<165120xi32, #tpu.memory_space<hbm>> -> memref<40xi32, #tpu.memory_space<hbm>>
    tpu.wait_dma2 semaphore(%arg21 : memref<!tpu.dma_semaphore, #tpu.memory_space<semaphore_mem>>) src(%dma_wait3A_48 : memref<40xi32, #tpu.memory_space<hbm>>) dst(%arg8 : memref<40xi32, #tpu.memory_space<vmem>>)
    %dma_start3A_49 = arith.constant 0 : i32
    %dma_start3A_50 = arith.constant 0 : i32
    %dma_start3A_51 = tpu.memref_slice %arg2[%dma_start3A_49, %dma_start3A_50] : memref<10000x128xf32, #tpu.memory_space<hbm>> -> memref<10000x128xf32, #tpu.memory_space<hbm>>
    tpu.enqueue_indirect_dma source(%dma_start3A_51 : memref<10000x128xf32, #tpu.memory_space<hbm>>) target(%arg12 : memref<40x128xf32, #tpu.memory_space<vmem>>) offsets(%arg8 : memref<40xi32, #tpu.memory_space<vmem>>) semaphore(%arg17 : memref<!tpu.dma_semaphore, #tpu.memory_space<semaphore_mem>>)
    %add3A_52 = arith.constant 40 : i32
    %add3A_53 = arith.addi %mul3A_2, %add3A_52 : i32
    %dma_start3A_54 = arith.constant 0 : i32
    %dma_start3A_55 = tpu.memref_slice %arg3[%add3A_53, %dma_start3A_54] : memref<165120x128xf32, #tpu.memory_space<hbm>> -> memref<40x128xf32, #tpu.memory_space<hbm>>
    %dma_start3A_56 = arith.constant 0 : i32
    %dma_start3A_57 = tpu.memref_slice %arg3[%add3A_53, %dma_start3A_56] : memref<165120x128xf32, #tpu.memory_space<hbm>> -> memref<40x128xf32, #tpu.memory_space<hbm>>
    tpu.enqueue_dma source(%dma_start3A_57 : memref<40x128xf32, #tpu.memory_space<hbm>>) target(%arg14 : memref<40x128xf32, #tpu.memory_space<vmem>>) target_semaphore(%arg19 : memref<!tpu.dma_semaphore, #tpu.memory_space<semaphore_mem>>)
    %scan3A_58 = arith.constant 0 : i32
    %scan3A_59 = arith.constant 64 : i32
    %scan3A_60 = arith.addi %scan3A_58, %scan3A_59 : i32
    %scan3A_61 = arith.constant 1 : i32
    scf.for %scan3A_110 = %scan3A_58 to %scan3A_60 step %scan3A_61  : i32 {
      %mul3A_111 = arith.constant 2 : i32
      %mul3A_112 = arith.muli %scan3A_110, %mul3A_111 : i32
      %add3A_113 = arith.constant 0 : i32
      %add3A_114 = arith.addi %add3A_113, %mul3A_112 : i32
      %add3A_115 = arith.constant 0 : i32
      %add3A_116 = arith.addi %add3A_114, %add3A_115 : i32
      %add3A_117 = arith.constant 2 : i32
      %add3A_118 = arith.addi %add3A_116, %add3A_117 : i32
      %min3A = arith.constant 128 : i32
      %min3A_119 = arith.minsi %add3A_118, %min3A : i32
      %dma_wait3A_120 = arith.constant 0 : i32
      %dma_wait3A_121 = arith.constant 0 : i32
      %dma_wait3A_122 = tpu.memref_slice %arg2[%dma_wait3A_120, %dma_wait3A_121] : memref<10000x128xf32, #tpu.memory_space<hbm>> -> memref<40x128xf32, #tpu.memory_space<hbm>>
      %dma_wait3A_123 = arith.constant 0 : i32
      %dma_wait3A_124 = arith.constant 0 : i32
      %dma_wait3A_125 = tpu.memref_slice %arg2[%dma_wait3A_123, %dma_wait3A_124] : memref<10000x128xf32, #tpu.memory_space<hbm>> -> memref<40x128xf32, #tpu.memory_space<hbm>>
      tpu.wait_dma2 semaphore(%arg16 : memref<!tpu.dma_semaphore, #tpu.memory_space<semaphore_mem>>) src(%dma_wait3A_125 : memref<40x128xf32, #tpu.memory_space<hbm>>) dst(%arg11 : memref<40x128xf32, #tpu.memory_space<vmem>>)
      %dma_wait3A_126 = arith.constant 0 : i32
      %dma_wait3A_127 = arith.constant 0 : i32
      %dma_wait3A_128 = tpu.memref_slice %arg3[%dma_wait3A_126, %dma_wait3A_127] : memref<165120x128xf32, #tpu.memory_space<hbm>> -> memref<40x128xf32, #tpu.memory_space<hbm>>
      %dma_wait3A_129 = arith.constant 0 : i32
      %dma_wait3A_130 = arith.constant 0 : i32
      %dma_wait3A_131 = tpu.memref_slice %arg3[%dma_wait3A_129, %dma_wait3A_130] : memref<165120x128xf32, #tpu.memory_space<hbm>> -> memref<40x128xf32, #tpu.memory_space<hbm>>
      tpu.wait_dma2 semaphore(%arg18 : memref<!tpu.dma_semaphore, #tpu.memory_space<semaphore_mem>>) src(%dma_wait3A_131 : memref<40x128xf32, #tpu.memory_space<hbm>>) dst(%arg13 : memref<40x128xf32, #tpu.memory_space<vmem>>)
      %mul3A_132 = arith.constant 40 : i32
      %mul3A_133 = arith.muli %min3A_119, %mul3A_132 : i32
      %add3A_134 = arith.addi %mul3A_2, %mul3A_133 : i32
      %dma_start3A_135 = tpu.memref_slice %arg4[%add3A_134] : memref<165120xi32, #tpu.memory_space<hbm>> -> memref<40xi32, #tpu.memory_space<hbm>>
      %dma_start3A_136 = tpu.memref_slice %arg4[%add3A_134] : memref<165120xi32, #tpu.memory_space<hbm>> -> memref<40xi32, #tpu.memory_space<hbm>>
      tpu.enqueue_dma source(%dma_start3A_136 : memref<40xi32, #tpu.memory_space<hbm>>) target(%arg7 : memref<40xi32, #tpu.memory_space<vmem>>) target_semaphore(%arg20 : memref<!tpu.dma_semaphore, #tpu.memory_space<semaphore_mem>>)
      %scan3A_137 = arith.constant 0 : i32
      %scan3A_138 = arith.constant 40 : i32
      %scan3A_139 = arith.addi %scan3A_137, %scan3A_138 : i32
      %scan3A_140 = arith.constant 1 : i32
      scf.for %scan3A_216 = %scan3A_137 to %scan3A_139 step %scan3A_140  : i32 {
        %mul3A_217 = arith.constant 1 : i32
        %mul3A_218 = arith.muli %scan3A_216, %mul3A_217 : i32
        %add3A_219 = arith.constant 0 : i32
        %add3A_220 = arith.addi %add3A_219, %mul3A_218 : i32
        %get3A = arith.index_cast %add3A_220 : i32 to index
        %get3A_221 = arith.constant 0 : index
        %get3A_222 = tpu.vector_load %arg11[%get3A, %get3A_221] {strides = array<i32>} : memref<40x128xf32, #tpu.memory_space<vmem>>, vector<1x16xf32>,
        %get3A_223 = vector.shape_cast %get3A_222 : vector<1x16xf32> to vector<16xf32>
        %get3A_224 = arith.index_cast %add3A_220 : i32 to index
        %get3A_225 = arith.constant 0 : index
        %get3A_226 = tpu.vector_load %arg13[%get3A_224, %get3A_225] {strides = array<i32>} : memref<40x128xf32, #tpu.memory_space<vmem>>, vector<1x16xf32>,
        %get3A_227 = vector.shape_cast %get3A_226 : vector<1x16xf32> to vector<16xf32>
        %mul3A_228 = arith.mulf %get3A_223, %get3A_227 : vector<16xf32>
        %swap3A = arith.index_cast %add3A_220 : i32 to index
        %swap3A_229 = arith.constant 0 : index
        %swap3A_230 = tpu.vector_load %arg11[%swap3A, %swap3A_229] {strides = array<i32>} : memref<40x128xf32, #tpu.memory_space<vmem>>, vector<1x16xf32>,
        %swap3A_231 = vector.shape_cast %swap3A_230 : vector<1x16xf32> to vector<16xf32>
        %swap3A_232 = vector.shape_cast %mul3A_228 : vector<16xf32> to vector<1x16xf32>
        tpu.vector_store %arg11[%swap3A, %swap3A_229], %swap3A_232 {strides = array<i32>} : memref<40x128xf32, #tpu.memory_space<vmem>>, vector<1x16xf32>,
        %get3A_233 = arith.index_cast %add3A_220 : i32 to index
        %get3A_234 = arith.constant 16 : index
        %get3A_235 = tpu.vector_load %arg11[%get3A_233, %get3A_234] {strides = array<i32>} : memref<40x128xf32, #tpu.memory_space<vmem>>, vector<1x16xf32>,
        %get3A_236 = vector.shape_cast %get3A_235 : vector<1x16xf32> to vector<16xf32>
        %get3A_237 = arith.index_cast %add3A_220 : i32 to index
        %get3A_238 = arith.constant 16 : index
        %get3A_239 = tpu.vector_load %arg13[%get3A_237, %get3A_238] {strides = array<i32>} : memref<40x128xf32, #tpu.memory_space<vmem>>, vector<1x16xf32>,
        %get3A_240 = vector.shape_cast %get3A_239 : vector<1x16xf32> to vector<16xf32>
        %mul3A_241 = arith.mulf %get3A_236, %get3A_240 : vector<16xf32>
        %swap3A_242 = arith.index_cast %add3A_220 : i32 to index
        %swap3A_243 = arith.constant 16 : index
        %swap3A_244 = tpu.vector_load %arg11[%swap3A_242, %swap3A_243] {strides = array<i32>} : memref<40x128xf32, #tpu.memory_space<vmem>>, vector<1x16xf32>,
        %swap3A_245 = vector.shape_cast %swap3A_244 : vector<1x16xf32> to vector<16xf32>
        %swap3A_246 = vector.shape_cast %mul3A_241 : vector<16xf32> to vector<1x16xf32>
        tpu.vector_store %arg11[%swap3A_242, %swap3A_243], %swap3A_246 {strides = array<i32>} : memref<40x128xf32, #tpu.memory_space<vmem>>, vector<1x16xf32>,
        %get3A_247 = arith.index_cast %add3A_220 : i32 to index
        %get3A_248 = arith.constant 32 : index
        %get3A_249 = tpu.vector_load %arg11[%get3A_247, %get3A_248] {strides = array<i32>} : memref<40x128xf32, #tpu.memory_space<vmem>>, vector<1x16xf32>,
        %get3A_250 = vector.shape_cast %get3A_249 : vector<1x16xf32> to vector<16xf32>
        %get3A_251 = arith.index_cast %add3A_220 : i32 to index
        %get3A_252 = arith.constant 32 : index
        %get3A_253 = tpu.vector_load %arg13[%get3A_251, %get3A_252] {strides = array<i32>} : memref<40x128xf32, #tpu.memory_space<vmem>>, vector<1x16xf32>,
        %get3A_254 = vector.shape_cast %get3A_253 : vector<1x16xf32> to vector<16xf32>
        %mul3A_255 = arith.mulf %get3A_250, %get3A_254 : vector<16xf32>
        %swap3A_256 = arith.index_cast %add3A_220 : i32 to index
        %swap3A_257 = arith.constant 32 : index
        %swap3A_258 = tpu.vector_load %arg11[%swap3A_256, %swap3A_257] {strides = array<i32>} : memref<40x128xf32, #tpu.memory_space<vmem>>, vector<1x16xf32>,
        %swap3A_259 = vector.shape_cast %swap3A_258 : vector<1x16xf32> to vector<16xf32>
        %swap3A_260 = vector.shape_cast %mul3A_255 : vector<16xf32> to vector<1x16xf32>
        tpu.vector_store %arg11[%swap3A_256, %swap3A_257], %swap3A_260 {strides = array<i32>} : memref<40x128xf32, #tpu.memory_space<vmem>>, vector<1x16xf32>,
        %get3A_261 = arith.index_cast %add3A_220 : i32 to index
        %get3A_262 = arith.constant 48 : index
        %get3A_263 = tpu.vector_load %arg11[%get3A_261, %get3A_262] {strides = array<i32>} : memref<40x128xf32, #tpu.memory_space<vmem>>, vector<1x16xf32>,
        %get3A_264 = vector.shape_cast %get3A_263 : vector<1x16xf32> to vector<16xf32>
        %get3A_265 = arith.index_cast %add3A_220 : i32 to index
        %get3A_266 = arith.constant 48 : index
        %get3A_267 = tpu.vector_load %arg13[%get3A_265, %get3A_266] {strides = array<i32>} : memref<40x128xf32, #tpu.memory_space<vmem>>, vector<1x16xf32>,
        %get3A_268 = vector.shape_cast %get3A_267 : vector<1x16xf32> to vector<16xf32>
        %mul3A_269 = arith.mulf %get3A_264, %get3A_268 : vector<16xf32>
        %swap3A_270 = arith.index_cast %add3A_220 : i32 to index
        %swap3A_271 = arith.constant 48 : index
        %swap3A_272 = tpu.vector_load %arg11[%swap3A_270, %swap3A_271] {strides = array<i32>} : memref<40x128xf32, #tpu.memory_space<vmem>>, vector<1x16xf32>,
        %swap3A_273 = vector.shape_cast %swap3A_272 : vector<1x16xf32> to vector<16xf32>
        %swap3A_274 = vector.shape_cast %mul3A_269 : vector<16xf32> to vector<1x16xf32>
        tpu.vector_store %arg11[%swap3A_270, %swap3A_271], %swap3A_274 {strides = array<i32>} : memref<40x128xf32, #tpu.memory_space<vmem>>, vector<1x16xf32>,
        %get3A_275 = arith.index_cast %add3A_220 : i32 to index
        %get3A_276 = arith.constant 64 : index
        %get3A_277 = tpu.vector_load %arg11[%get3A_275, %get3A_276] {strides = array<i32>} : memref<40x128xf32, #tpu.memory_space<vmem>>, vector<1x16xf32>,
        %get3A_278 = vector.shape_cast %get3A_277 : vector<1x16xf32> to vector<16xf32>
        %get3A_279 = arith.index_cast %add3A_220 : i32 to index
        %get3A_280 = arith.constant 64 : index
        %get3A_281 = tpu.vector_load %arg13[%get3A_279, %get3A_280] {strides = array<i32>} : memref<40x128xf32, #tpu.memory_space<vmem>>, vector<1x16xf32>,
        %get3A_282 = vector.shape_cast %get3A_281 : vector<1x16xf32> to vector<16xf32>
        %mul3A_283 = arith.mulf %get3A_278, %get3A_282 : vector<16xf32>
        %swap3A_284 = arith.index_cast %add3A_220 : i32 to index
        %swap3A_285 = arith.constant 64 : index
        %swap3A_286 = tpu.vector_load %arg11[%swap3A_284, %swap3A_285] {strides = array<i32>} : memref<40x128xf32, #tpu.memory_space<vmem>>, vector<1x16xf32>,
        %swap3A_287 = vector.shape_cast %swap3A_286 : vector<1x16xf32> to vector<16xf32>
        %swap3A_288 = vector.shape_cast %mul3A_283 : vector<16xf32> to vector<1x16xf32>
        tpu.vector_store %arg11[%swap3A_284, %swap3A_285], %swap3A_288 {strides = array<i32>} : memref<40x128xf32, #tpu.memory_space<vmem>>, vector<1x16xf32>,
        %get3A_289 = arith.index_cast %add3A_220 : i32 to index
        %get3A_290 = arith.constant 80 : index
        %get3A_291 = tpu.vector_load %arg11[%get3A_289, %get3A_290] {strides = array<i32>} : memref<40x128xf32, #tpu.memory_space<vmem>>, vector<1x16xf32>,
        %get3A_292 = vector.shape_cast %get3A_291 : vector<1x16xf32> to vector<16xf32>
        %get3A_293 = arith.index_cast %add3A_220 : i32 to index
        %get3A_294 = arith.constant 80 : index
        %get3A_295 = tpu.vector_load %arg13[%get3A_293, %get3A_294] {strides = array<i32>} : memref<40x128xf32, #tpu.memory_space<vmem>>, vector<1x16xf32>,
        %get3A_296 = vector.shape_cast %get3A_295 : vector<1x16xf32> to vector<16xf32>
        %mul3A_297 = arith.mulf %get3A_292, %get3A_296 : vector<16xf32>
        %swap3A_298 = arith.index_cast %add3A_220 : i32 to index
        %swap3A_299 = arith.constant 80 : index
        %swap3A_300 = tpu.vector_load %arg11[%swap3A_298, %swap3A_299] {strides = array<i32>} : memref<40x128xf32, #tpu.memory_space<vmem>>, vector<1x16xf32>,
        %swap3A_301 = vector.shape_cast %swap3A_300 : vector<1x16xf32> to vector<16xf32>
        %swap3A_302 = vector.shape_cast %mul3A_297 : vector<16xf32> to vector<1x16xf32>
        tpu.vector_store %arg11[%swap3A_298, %swap3A_299], %swap3A_302 {strides = array<i32>} : memref<40x128xf32, #tpu.memory_space<vmem>>, vector<1x16xf32>,
        %get3A_303 = arith.index_cast %add3A_220 : i32 to index
        %get3A_304 = arith.constant 96 : index
        %get3A_305 = tpu.vector_load %arg11[%get3A_303, %get3A_304] {strides = array<i32>} : memref<40x128xf32, #tpu.memory_space<vmem>>, vector<1x16xf32>,
        %get3A_306 = vector.shape_cast %get3A_305 : vector<1x16xf32> to vector<16xf32>
        %get3A_307 = arith.index_cast %add3A_220 : i32 to index
        %get3A_308 = arith.constant 96 : index
        %get3A_309 = tpu.vector_load %arg13[%get3A_307, %get3A_308] {strides = array<i32>} : memref<40x128xf32, #tpu.memory_space<vmem>>, vector<1x16xf32>,
        %get3A_310 = vector.shape_cast %get3A_309 : vector<1x16xf32> to vector<16xf32>
        %mul3A_311 = arith.mulf %get3A_306, %get3A_310 : vector<16xf32>
        %swap3A_312 = arith.index_cast %add3A_220 : i32 to index
        %swap3A_313 = arith.constant 96 : index
        %swap3A_314 = tpu.vector_load %arg11[%swap3A_312, %swap3A_313] {strides = array<i32>} : memref<40x128xf32, #tpu.memory_space<vmem>>, vector<1x16xf32>,
        %swap3A_315 = vector.shape_cast %swap3A_314 : vector<1x16xf32> to vector<16xf32>
        %swap3A_316 = vector.shape_cast %mul3A_311 : vector<16xf32> to vector<1x16xf32>
        tpu.vector_store %arg11[%swap3A_312, %swap3A_313], %swap3A_316 {strides = array<i32>} : memref<40x128xf32, #tpu.memory_space<vmem>>, vector<1x16xf32>,
        %get3A_317 = arith.index_cast %add3A_220 : i32 to index
        %get3A_318 = arith.constant 112 : index
        %get3A_319 = tpu.vector_load %arg11[%get3A_317, %get3A_318] {strides = array<i32>} : memref<40x128xf32, #tpu.memory_space<vmem>>, vector<1x16xf32>,
        %get3A_320 = vector.shape_cast %get3A_319 : vector<1x16xf32> to vector<16xf32>
        %get3A_321 = arith.index_cast %add3A_220 : i32 to index
        %get3A_322 = arith.constant 112 : index
        %get3A_323 = tpu.vector_load %arg13[%get3A_321, %get3A_322] {strides = array<i32>} : memref<40x128xf32, #tpu.memory_space<vmem>>, vector<1x16xf32>,
        %get3A_324 = vector.shape_cast %get3A_323 : vector<1x16xf32> to vector<16xf32>
        %mul3A_325 = arith.mulf %get3A_320, %get3A_324 : vector<16xf32>
        %swap3A_326 = arith.index_cast %add3A_220 : i32 to index
        %swap3A_327 = arith.constant 112 : index
        %swap3A_328 = tpu.vector_load %arg11[%swap3A_326, %swap3A_327] {strides = array<i32>} : memref<40x128xf32, #tpu.memory_space<vmem>>, vector<1x16xf32>,
        %swap3A_329 = vector.shape_cast %swap3A_328 : vector<1x16xf32> to vector<16xf32>
        %swap3A_330 = vector.shape_cast %mul3A_325 : vector<16xf32> to vector<1x16xf32>
        tpu.vector_store %arg11[%swap3A_326, %swap3A_327], %swap3A_330 {strides = array<i32>} : memref<40x128xf32, #tpu.memory_space<vmem>>, vector<1x16xf32>,
      }
      %scan3A_141 = arith.constant 40 : i32
      %dma_wait3A_142 = arith.constant 0 : i32
      %dma_wait3A_143 = tpu.memref_slice %arg5[%dma_wait3A_142] : memref<165120xi32, #tpu.memory_space<hbm>> -> memref<40xi32, #tpu.memory_space<hbm>>
      %dma_wait3A_144 = arith.constant 0 : i32
      %dma_wait3A_145 = tpu.memref_slice %arg5[%dma_wait3A_144] : memref<165120xi32, #tpu.memory_space<hbm>> -> memref<40xi32, #tpu.memory_space<hbm>>
      tpu.wait_dma2 semaphore(%arg22 : memref<!tpu.dma_semaphore, #tpu.memory_space<semaphore_mem>>) src(%dma_wait3A_145 : memref<40xi32, #tpu.memory_space<hbm>>) dst(%arg9 : memref<40xi32, #tpu.memory_space<vmem>>)
      "tpu.region"() ({
        %run_scoped3A = tpu.sem_alloc : memref<!tpu.dma_semaphore, #tpu.memory_space<semaphore_mem>>
        %dma_start3A_216 = arith.constant 0 : i32
        %dma_start3A_217 = arith.constant 0 : i32
        %dma_start3A_218 = tpu.memref_slice %arg15[%dma_start3A_216, %dma_start3A_217] : memref<10000x128xf32, #tpu.memory_space<vmem_shared>> -> memref<10000x128xf32, #tpu.memory_space<vmem_shared>>
        tpu.enqueue_indirect_dma source(%arg11 : memref<40x128xf32, #tpu.memory_space<vmem>>) target(%dma_start3A_218 : memref<10000x128xf32, #tpu.memory_space<vmem_shared>>) offsets(%arg9 : memref<40xi32, #tpu.memory_space<vmem>>) semaphore(%run_scoped3A : memref<!tpu.dma_semaphore, #tpu.memory_space<semaphore_mem>>) {add = true}
        %dma_wait3A_219 = arith.constant 0 : i32
        %dma_wait3A_220 = arith.constant 0 : i32
        %dma_wait3A_221 = tpu.memref_slice %arg15[%dma_wait3A_219, %dma_wait3A_220] : memref<10000x128xf32, #tpu.memory_space<vmem_shared>> -> memref<10000x128xf32, #tpu.memory_space<vmem_shared>>
        tpu.wait_indirect_dma semaphore(%run_scoped3A : memref<!tpu.dma_semaphore, #tpu.memory_space<semaphore_mem>>) src(%arg11 : memref<40x128xf32, #tpu.memory_space<vmem>>) dst(%dma_wait3A_221 : memref<10000x128xf32, #tpu.memory_space<vmem_shared>>)
        tpu.yield
      }) : () -> ()
      %mul3A_146 = arith.constant 40 : i32
      %mul3A_147 = arith.muli %min3A_119, %mul3A_146 : i32
      %add3A_148 = arith.addi %mul3A_2, %mul3A_147 : i32
      %dma_start3A_149 = tpu.memref_slice %arg5[%add3A_148] : memref<165120xi32, #tpu.memory_space<hbm>> -> memref<40xi32, #tpu.memory_space<hbm>>
      %dma_start3A_150 = tpu.memref_slice %arg5[%add3A_148] : memref<165120xi32, #tpu.memory_space<hbm>> -> memref<40xi32, #tpu.memory_space<hbm>>
      tpu.enqueue_dma source(%dma_start3A_150 : memref<40xi32, #tpu.memory_space<hbm>>) target(%arg9 : memref<40xi32, #tpu.memory_space<vmem>>) target_semaphore(%arg22 : memref<!tpu.dma_semaphore, #tpu.memory_space<semaphore_mem>>)
      %dma_wait3A_151 = arith.constant 0 : i32
      %dma_wait3A_152 = tpu.memref_slice %arg4[%dma_wait3A_151] : memref<165120xi32, #tpu.memory_space<hbm>> -> memref<40xi32, #tpu.memory_space<hbm>>
      %dma_wait3A_153 = arith.constant 0 : i32
      %dma_wait3A_154 = tpu.memref_slice %arg4[%dma_wait3A_153] : memref<165120xi32, #tpu.memory_space<hbm>> -> memref<40xi32, #tpu.memory_space<hbm>>
      tpu.wait_dma2 semaphore(%arg20 : memref<!tpu.dma_semaphore, #tpu.memory_space<semaphore_mem>>) src(%dma_wait3A_154 : memref<40xi32, #tpu.memory_space<hbm>>) dst(%arg7 : memref<40xi32, #tpu.memory_space<vmem>>)
      %dma_start3A_155 = arith.constant 0 : i32
      %dma_start3A_156 = arith.constant 0 : i32
      %dma_start3A_157 = tpu.memref_slice %arg2[%dma_start3A_155, %dma_start3A_156] : memref<10000x128xf32, #tpu.memory_space<hbm>> -> memref<10000x128xf32, #tpu.memory_space<hbm>>
      tpu.enqueue_indirect_dma source(%dma_start3A_157 : memref<10000x128xf32, #tpu.memory_space<hbm>>) target(%arg11 : memref<40x128xf32, #tpu.memory_space<vmem>>) offsets(%arg7 : memref<40xi32, #tpu.memory_space<vmem>>) semaphore(%arg16 : memref<!tpu.dma_semaphore, #tpu.memory_space<semaphore_mem>>)
      %mul3A_158 = arith.constant 40 : i32
      %mul3A_159 = arith.muli %min3A_119, %mul3A_158 : i32
      %add3A_160 = arith.addi %mul3A_2, %mul3A_159 : i32
      %dma_start3A_161 = arith.constant 0 : i32
      %dma_start3A_162 = tpu.memref_slice %arg3[%add3A_160, %dma_start3A_161] : memref<165120x128xf32, #tpu.memory_space<hbm>> -> memref<40x128xf32, #tpu.memory_space<hbm>>
      %dma_start3A_163 = arith.constant 0 : i32
      %dma_start3A_164 = tpu.memref_slice %arg3[%add3A_160, %dma_start3A_163] : memref<165120x128xf32, #tpu.memory_space<hbm>> -> memref<40x128xf32, #tpu.memory_space<hbm>>
      tpu.enqueue_dma source(%dma_start3A_164 : memref<40x128xf32, #tpu.memory_space<hbm>>) target(%arg13 : memref<40x128xf32, #tpu.memory_space<vmem>>) target_semaphore(%arg18 : memref<!tpu.dma_semaphore, #tpu.memory_space<semaphore_mem>>)
      %add3A_165 = arith.constant 1 : i32
      %add3A_166 = arith.addi %add3A_114, %add3A_165 : i32
      %add3A_167 = arith.constant 2 : i32
      %add3A_168 = arith.addi %add3A_166, %add3A_167 : i32
      %min3A_169 = arith.constant 128 : i32
      %min3A_170 = arith.minsi %add3A_168, %min3A_169 : i32
      %dma_wait3A_171 = arith.constant 0 : i32
      %dma_wait3A_172 = arith.constant 0 : i32
      %dma_wait3A_173 = tpu.memref_slice %arg2[%dma_wait3A_171, %dma_wait3A_172] : memref<10000x128xf32, #tpu.memory_space<hbm>> -> memref<40x128xf32, #tpu.memory_space<hbm>>
      %dma_wait3A_174 = arith.constant 0 : i32
      %dma_wait3A_175 = arith.constant 0 : i32
      %dma_wait3A_176 = tpu.memref_slice %arg2[%dma_wait3A_174, %dma_wait3A_175] : memref<10000x128xf32, #tpu.memory_space<hbm>> -> memref<40x128xf32, #tpu.memory_space<hbm>>
      tpu.wait_dma2 semaphore(%arg17 : memref<!tpu.dma_semaphore, #tpu.memory_space<semaphore_mem>>) src(%dma_wait3A_176 : memref<40x128xf32, #tpu.memory_space<hbm>>) dst(%arg12 : memref<40x128xf32, #tpu.memory_space<vmem>>)
      %dma_wait3A_177 = arith.constant 0 : i32
      %dma_wait3A_178 = arith.constant 0 : i32
      %dma_wait3A_179 = tpu.memref_slice %arg3[%dma_wait3A_177, %dma_wait3A_178] : memref<165120x128xf32, #tpu.memory_space<hbm>> -> memref<40x128xf32, #tpu.memory_space<hbm>>
      %dma_wait3A_180 = arith.constant 0 : i32
      %dma_wait3A_181 = arith.constant 0 : i32
      %dma_wait3A_182 = tpu.memref_slice %arg3[%dma_wait3A_180, %dma_wait3A_181] : memref<165120x128xf32, #tpu.memory_space<hbm>> -> memref<40x128xf32, #tpu.memory_space<hbm>>
      tpu.wait_dma2 semaphore(%arg19 : memref<!tpu.dma_semaphore, #tpu.memory_space<semaphore_mem>>) src(%dma_wait3A_182 : memref<40x128xf32, #tpu.memory_space<hbm>>) dst(%arg14 : memref<40x128xf32, #tpu.memory_space<vmem>>)
      %mul3A_183 = arith.constant 40 : i32
      %mul3A_184 = arith.muli %min3A_170, %mul3A_183 : i32
      %add3A_185 = arith.addi %mul3A_2, %mul3A_184 : i32
      %dma_start3A_186 = tpu.memref_slice %arg4[%add3A_185] : memref<165120xi32, #tpu.memory_space<hbm>> -> memref<40xi32, #tpu.memory_space<hbm>>
      %dma_start3A_187 = tpu.memref_slice %arg4[%add3A_185] : memref<165120xi32, #tpu.memory_space<hbm>> -> memref<40xi32, #tpu.memory_space<hbm>>
      tpu.enqueue_dma source(%dma_start3A_187 : memref<40xi32, #tpu.memory_space<hbm>>) target(%arg8 : memref<40xi32, #tpu.memory_space<vmem>>) target_semaphore(%arg21 : memref<!tpu.dma_semaphore, #tpu.memory_space<semaphore_mem>>)
      %scan3A_188 = arith.constant 0 : i32
      %scan3A_189 = arith.constant 40 : i32
      %scan3A_190 = arith.addi %scan3A_188, %scan3A_189 : i32
      %scan3A_191 = arith.constant 1 : i32
      scf.for %scan3A_216 = %scan3A_188 to %scan3A_190 step %scan3A_191  : i32 {
        %mul3A_217 = arith.constant 1 : i32
        %mul3A_218 = arith.muli %scan3A_216, %mul3A_217 : i32
        %add3A_219 = arith.constant 0 : i32
        %add3A_220 = arith.addi %add3A_219, %mul3A_218 : i32
        %get3A = arith.index_cast %add3A_220 : i32 to index
        %get3A_221 = arith.constant 0 : index
        %get3A_222 = tpu.vector_load %arg12[%get3A, %get3A_221] {strides = array<i32>} : memref<40x128xf32, #tpu.memory_space<vmem>>, vector<1x16xf32>,
        %get3A_223 = vector.shape_cast %get3A_222 : vector<1x16xf32> to vector<16xf32>
        %get3A_224 = arith.index_cast %add3A_220 : i32 to index
        %get3A_225 = arith.constant 0 : index
        %get3A_226 = tpu.vector_load %arg14[%get3A_224, %get3A_225] {strides = array<i32>} : memref<40x128xf32, #tpu.memory_space<vmem>>, vector<1x16xf32>,
        %get3A_227 = vector.shape_cast %get3A_226 : vector<1x16xf32> to vector<16xf32>
        %mul3A_228 = arith.mulf %get3A_223, %get3A_227 : vector<16xf32>
        %swap3A = arith.index_cast %add3A_220 : i32 to index
        %swap3A_229 = arith.constant 0 : index
        %swap3A_230 = tpu.vector_load %arg12[%swap3A, %swap3A_229] {strides = array<i32>} : memref<40x128xf32, #tpu.memory_space<vmem>>, vector<1x16xf32>,
        %swap3A_231 = vector.shape_cast %swap3A_230 : vector<1x16xf32> to vector<16xf32>
        %swap3A_232 = vector.shape_cast %mul3A_228 : vector<16xf32> to vector<1x16xf32>
        tpu.vector_store %arg12[%swap3A, %swap3A_229], %swap3A_232 {strides = array<i32>} : memref<40x128xf32, #tpu.memory_space<vmem>>, vector<1x16xf32>,
        %get3A_233 = arith.index_cast %add3A_220 : i32 to index
        %get3A_234 = arith.constant 16 : index
        %get3A_235 = tpu.vector_load %arg12[%get3A_233, %get3A_234] {strides = array<i32>} : memref<40x128xf32, #tpu.memory_space<vmem>>, vector<1x16xf32>,
        %get3A_236 = vector.shape_cast %get3A_235 : vector<1x16xf32> to vector<16xf32>
        %get3A_237 = arith.index_cast %add3A_220 : i32 to index
        %get3A_238 = arith.constant 16 : index
        %get3A_239 = tpu.vector_load %arg14[%get3A_237, %get3A_238] {strides = array<i32>} : memref<40x128xf32, #tpu.memory_space<vmem>>, vector<1x16xf32>,
        %get3A_240 = vector.shape_cast %get3A_239 : vector<1x16xf32> to vector<16xf32>
        %mul3A_241 = arith.mulf %get3A_236, %get3A_240 : vector<16xf32>
        %swap3A_242 = arith.index_cast %add3A_220 : i32 to index
        %swap3A_243 = arith.constant 16 : index
        %swap3A_244 = tpu.vector_load %arg12[%swap3A_242, %swap3A_243] {strides = array<i32>} : memref<40x128xf32, #tpu.memory_space<vmem>>, vector<1x16xf32>,
        %swap3A_245 = vector.shape_cast %swap3A_244 : vector<1x16xf32> to vector<16xf32>
        %swap3A_246 = vector.shape_cast %mul3A_241 : vector<16xf32> to vector<1x16xf32>
        tpu.vector_store %arg12[%swap3A_242, %swap3A_243], %swap3A_246 {strides = array<i32>} : memref<40x128xf32, #tpu.memory_space<vmem>>, vector<1x16xf32>,
        %get3A_247 = arith.index_cast %add3A_220 : i32 to index
        %get3A_248 = arith.constant 32 : index
        %get3A_249 = tpu.vector_load %arg12[%get3A_247, %get3A_248] {strides = array<i32>} : memref<40x128xf32, #tpu.memory_space<vmem>>, vector<1x16xf32>,
        %get3A_250 = vector.shape_cast %get3A_249 : vector<1x16xf32> to vector<16xf32>
        %get3A_251 = arith.index_cast %add3A_220 : i32 to index
        %get3A_252 = arith.constant 32 : index
        %get3A_253 = tpu.vector_load %arg14[%get3A_251, %get3A_252] {strides = array<i32>} : memref<40x128xf32, #tpu.memory_space<vmem>>, vector<1x16xf32>,
        %get3A_254 = vector.shape_cast %get3A_253 : vector<1x16xf32> to vector<16xf32>
        %mul3A_255 = arith.mulf %get3A_250, %get3A_254 : vector<16xf32>
        %swap3A_256 = arith.index_cast %add3A_220 : i32 to index
        %swap3A_257 = arith.constant 32 : index
        %swap3A_258 = tpu.vector_load %arg12[%swap3A_256, %swap3A_257] {strides = array<i32>} : memref<40x128xf32, #tpu.memory_space<vmem>>, vector<1x16xf32>,
        %swap3A_259 = vector.shape_cast %swap3A_258 : vector<1x16xf32> to vector<16xf32>
        %swap3A_260 = vector.shape_cast %mul3A_255 : vector<16xf32> to vector<1x16xf32>
        tpu.vector_store %arg12[%swap3A_256, %swap3A_257], %swap3A_260 {strides = array<i32>} : memref<40x128xf32, #tpu.memory_space<vmem>>, vector<1x16xf32>,
        %get3A_261 = arith.index_cast %add3A_220 : i32 to index
        %get3A_262 = arith.constant 48 : index
        %get3A_263 = tpu.vector_load %arg12[%get3A_261, %get3A_262] {strides = array<i32>} : memref<40x128xf32, #tpu.memory_space<vmem>>, vector<1x16xf32>,
        %get3A_264 = vector.shape_cast %get3A_263 : vector<1x16xf32> to vector<16xf32>
        %get3A_265 = arith.index_cast %add3A_220 : i32 to index
        %get3A_266 = arith.constant 48 : index
        %get3A_267 = tpu.vector_load %arg14[%get3A_265, %get3A_266] {strides = array<i32>} : memref<40x128xf32, #tpu.memory_space<vmem>>, vector<1x16xf32>,
        %get3A_268 = vector.shape_cast %get3A_267 : vector<1x16xf32> to vector<16xf32>
        %mul3A_269 = arith.mulf %get3A_264, %get3A_268 : vector<16xf32>
        %swap3A_270 = arith.index_cast %add3A_220 : i32 to index
        %swap3A_271 = arith.constant 48 : index
        %swap3A_272 = tpu.vector_load %arg12[%swap3A_270, %swap3A_271] {strides = array<i32>} : memref<40x128xf32, #tpu.memory_space<vmem>>, vector<1x16xf32>,
        %swap3A_273 = vector.shape_cast %swap3A_272 : vector<1x16xf32> to vector<16xf32>
        %swap3A_274 = vector.shape_cast %mul3A_269 : vector<16xf32> to vector<1x16xf32>
        tpu.vector_store %arg12[%swap3A_270, %swap3A_271], %swap3A_274 {strides = array<i32>} : memref<40x128xf32, #tpu.memory_space<vmem>>, vector<1x16xf32>,
        %get3A_275 = arith.index_cast %add3A_220 : i32 to index
        %get3A_276 = arith.constant 64 : index
        %get3A_277 = tpu.vector_load %arg12[%get3A_275, %get3A_276] {strides = array<i32>} : memref<40x128xf32, #tpu.memory_space<vmem>>, vector<1x16xf32>,
        %get3A_278 = vector.shape_cast %get3A_277 : vector<1x16xf32> to vector<16xf32>
        %get3A_279 = arith.index_cast %add3A_220 : i32 to index
        %get3A_280 = arith.constant 64 : index
        %get3A_281 = tpu.vector_load %arg14[%get3A_279, %get3A_280] {strides = array<i32>} : memref<40x128xf32, #tpu.memory_space<vmem>>, vector<1x16xf32>,
        %get3A_282 = vector.shape_cast %get3A_281 : vector<1x16xf32> to vector<16xf32>
        %mul3A_283 = arith.mulf %get3A_278, %get3A_282 : vector<16xf32>
        %swap3A_284 = arith.index_cast %add3A_220 : i32 to index
        %swap3A_285 = arith.constant 64 : index
        %swap3A_286 = tpu.vector_load %arg12[%swap3A_284, %swap3A_285] {strides = array<i32>} : memref<40x128xf32, #tpu.memory_space<vmem>>, vector<1x16xf32>,
        %swap3A_287 = vector.shape_cast %swap3A_286 : vector<1x16xf32> to vector<16xf32>
        %swap3A_288 = vector.shape_cast %mul3A_283 : vector<16xf32> to vector<1x16xf32>
        tpu.vector_store %arg12[%swap3A_284, %swap3A_285], %swap3A_288 {strides = array<i32>} : memref<40x128xf32, #tpu.memory_space<vmem>>, vector<1x16xf32>,
        %get3A_289 = arith.index_cast %add3A_220 : i32 to index
        %get3A_290 = arith.constant 80 : index
        %get3A_291 = tpu.vector_load %arg12[%get3A_289, %get3A_290] {strides = array<i32>} : memref<40x128xf32, #tpu.memory_space<vmem>>, vector<1x16xf32>,
        %get3A_292 = vector.shape_cast %get3A_291 : vector<1x16xf32> to vector<16xf32>
        %get3A_293 = arith.index_cast %add3A_220 : i32 to index
        %get3A_294 = arith.constant 80 : index
        %get3A_295 = tpu.vector_load %arg14[%get3A_293, %get3A_294] {strides = array<i32>} : memref<40x128xf32, #tpu.memory_space<vmem>>, vector<1x16xf32>,
        %get3A_296 = vector.shape_cast %get3A_295 : vector<1x16xf32> to vector<16xf32>
        %mul3A_297 = arith.mulf %get3A_292, %get3A_296 : vector<16xf32>
        %swap3A_298 = arith.index_cast %add3A_220 : i32 to index
        %swap3A_299 = arith.constant 80 : index
        %swap3A_300 = tpu.vector_load %arg12[%swap3A_298, %swap3A_299] {strides = array<i32>} : memref<40x128xf32, #tpu.memory_space<vmem>>, vector<1x16xf32>,
        %swap3A_301 = vector.shape_cast %swap3A_300 : vector<1x16xf32> to vector<16xf32>
        %swap3A_302 = vector.shape_cast %mul3A_297 : vector<16xf32> to vector<1x16xf32>
        tpu.vector_store %arg12[%swap3A_298, %swap3A_299], %swap3A_302 {strides = array<i32>} : memref<40x128xf32, #tpu.memory_space<vmem>>, vector<1x16xf32>,
        %get3A_303 = arith.index_cast %add3A_220 : i32 to index
        %get3A_304 = arith.constant 96 : index
        %get3A_305 = tpu.vector_load %arg12[%get3A_303, %get3A_304] {strides = array<i32>} : memref<40x128xf32, #tpu.memory_space<vmem>>, vector<1x16xf32>,
        %get3A_306 = vector.shape_cast %get3A_305 : vector<1x16xf32> to vector<16xf32>
        %get3A_307 = arith.index_cast %add3A_220 : i32 to index
        %get3A_308 = arith.constant 96 : index
        %get3A_309 = tpu.vector_load %arg14[%get3A_307, %get3A_308] {strides = array<i32>} : memref<40x128xf32, #tpu.memory_space<vmem>>, vector<1x16xf32>,
        %get3A_310 = vector.shape_cast %get3A_309 : vector<1x16xf32> to vector<16xf32>
        %mul3A_311 = arith.mulf %get3A_306, %get3A_310 : vector<16xf32>
        %swap3A_312 = arith.index_cast %add3A_220 : i32 to index
        %swap3A_313 = arith.constant 96 : index
        %swap3A_314 = tpu.vector_load %arg12[%swap3A_312, %swap3A_313] {strides = array<i32>} : memref<40x128xf32, #tpu.memory_space<vmem>>, vector<1x16xf32>,
        %swap3A_315 = vector.shape_cast %swap3A_314 : vector<1x16xf32> to vector<16xf32>
        %swap3A_316 = vector.shape_cast %mul3A_311 : vector<16xf32> to vector<1x16xf32>
        tpu.vector_store %arg12[%swap3A_312, %swap3A_313], %swap3A_316 {strides = array<i32>} : memref<40x128xf32, #tpu.memory_space<vmem>>, vector<1x16xf32>,
        %get3A_317 = arith.index_cast %add3A_220 : i32 to index
        %get3A_318 = arith.constant 112 : index
        %get3A_319 = tpu.vector_load %arg12[%get3A_317, %get3A_318] {strides = array<i32>} : memref<40x128xf32, #tpu.memory_space<vmem>>, vector<1x16xf32>,
        %get3A_320 = vector.shape_cast %get3A_319 : vector<1x16xf32> to vector<16xf32>
        %get3A_321 = arith.index_cast %add3A_220 : i32 to index
        %get3A_322 = arith.constant 112 : index
        %get3A_323 = tpu.vector_load %arg14[%get3A_321, %get3A_322] {strides = array<i32>} : memref<40x128xf32, #tpu.memory_space<vmem>>, vector<1x16xf32>,
        %get3A_324 = vector.shape_cast %get3A_323 : vector<1x16xf32> to vector<16xf32>
        %mul3A_325 = arith.mulf %get3A_320, %get3A_324 : vector<16xf32>
        %swap3A_326 = arith.index_cast %add3A_220 : i32 to index
        %swap3A_327 = arith.constant 112 : index
        %swap3A_328 = tpu.vector_load %arg12[%swap3A_326, %swap3A_327] {strides = array<i32>} : memref<40x128xf32, #tpu.memory_space<vmem>>, vector<1x16xf32>,
        %swap3A_329 = vector.shape_cast %swap3A_328 : vector<1x16xf32> to vector<16xf32>
        %swap3A_330 = vector.shape_cast %mul3A_325 : vector<16xf32> to vector<1x16xf32>
        tpu.vector_store %arg12[%swap3A_326, %swap3A_327], %swap3A_330 {strides = array<i32>} : memref<40x128xf32, #tpu.memory_space<vmem>>, vector<1x16xf32>,
      }
      %scan3A_192 = arith.constant 40 : i32
      %dma_wait3A_193 = arith.constant 0 : i32
      %dma_wait3A_194 = tpu.memref_slice %arg5[%dma_wait3A_193] : memref<165120xi32, #tpu.memory_space<hbm>> -> memref<40xi32, #tpu.memory_space<hbm>>
      %dma_wait3A_195 = arith.constant 0 : i32
      %dma_wait3A_196 = tpu.memref_slice %arg5[%dma_wait3A_195] : memref<165120xi32, #tpu.memory_space<hbm>> -> memref<40xi32, #tpu.memory_space<hbm>>
      tpu.wait_dma2 semaphore(%arg23 : memref<!tpu.dma_semaphore, #tpu.memory_space<semaphore_mem>>) src(%dma_wait3A_196 : memref<40xi32, #tpu.memory_space<hbm>>) dst(%arg10 : memref<40xi32, #tpu.memory_space<vmem>>)
      "tpu.region"() ({
        %run_scoped3A = tpu.sem_alloc : memref<!tpu.dma_semaphore, #tpu.memory_space<semaphore_mem>>
        %dma_start3A_216 = arith.constant 0 : i32
        %dma_start3A_217 = arith.constant 0 : i32
        %dma_start3A_218 = tpu.memref_slice %arg15[%dma_start3A_216, %dma_start3A_217] : memref<10000x128xf32, #tpu.memory_space<vmem_shared>> -> memref<10000x128xf32, #tpu.memory_space<vmem_shared>>
        tpu.enqueue_indirect_dma source(%arg12 : memref<40x128xf32, #tpu.memory_space<vmem>>) target(%dma_start3A_218 : memref<10000x128xf32, #tpu.memory_space<vmem_shared>>) offsets(%arg10 : memref<40xi32, #tpu.memory_space<vmem>>) semaphore(%run_scoped3A : memref<!tpu.dma_semaphore, #tpu.memory_space<semaphore_mem>>) {add = true}
        %dma_wait3A_219 = arith.constant 0 : i32
        %dma_wait3A_220 = arith.constant 0 : i32
        %dma_wait3A_221 = tpu.memref_slice %arg15[%dma_wait3A_219, %dma_wait3A_220] : memref<10000x128xf32, #tpu.memory_space<vmem_shared>> -> memref<10000x128xf32, #tpu.memory_space<vmem_shared>>
        tpu.wait_indirect_dma semaphore(%run_scoped3A : memref<!tpu.dma_semaphore, #tpu.memory_space<semaphore_mem>>) src(%arg12 : memref<40x128xf32, #tpu.memory_space<vmem>>) dst(%dma_wait3A_221 : memref<10000x128xf32, #tpu.memory_space<vmem_shared>>)
        tpu.yield
      }) : () -> ()
      %mul3A_197 = arith.constant 40 : i32
      %mul3A_198 = arith.muli %min3A_170, %mul3A_197 : i32
      %add3A_199 = arith.addi %mul3A_2, %mul3A_198 : i32
      %dma_start3A_200 = tpu.memref_slice %arg5[%add3A_199] : memref<165120xi32, #tpu.memory_space<hbm>> -> memref<40xi32, #tpu.memory_space<hbm>>
      %dma_start3A_201 = tpu.memref_slice %arg5[%add3A_199] : memref<165120xi32, #tpu.memory_space<hbm>> -> memref<40xi32, #tpu.memory_space<hbm>>
      tpu.enqueue_dma source(%dma_start3A_201 : memref<40xi32, #tpu.memory_space<hbm>>) target(%arg10 : memref<40xi32, #tpu.memory_space<vmem>>) target_semaphore(%arg23 : memref<!tpu.dma_semaphore, #tpu.memory_space<semaphore_mem>>)
      %dma_wait3A_202 = arith.constant 0 : i32
      %dma_wait3A_203 = tpu.memref_slice %arg4[%dma_wait3A_202] : memref<165120xi32, #tpu.memory_space<hbm>> -> memref<40xi32, #tpu.memory_space<hbm>>
      %dma_wait3A_204 = arith.constant 0 : i32
      %dma_wait3A_205 = tpu.memref_slice %arg4[%dma_wait3A_204] : memref<165120xi32, #tpu.memory_space<hbm>> -> memref<40xi32, #tpu.memory_space<hbm>>
      tpu.wait_dma2 semaphore(%arg21 : memref<!tpu.dma_semaphore, #tpu.memory_space<semaphore_mem>>) src(%dma_wait3A_205 : memref<40xi32, #tpu.memory_space<hbm>>) dst(%arg8 : memref<40xi32, #tpu.memory_space<vmem>>)
      %dma_start3A_206 = arith.constant 0 : i32
      %dma_start3A_207 = arith.constant 0 : i32
      %dma_start3A_208 = tpu.memref_slice %arg2[%dma_start3A_206, %dma_start3A_207] : memref<10000x128xf32, #tpu.memory_space<hbm>> -> memref<10000x128xf32, #tpu.memory_space<hbm>>
      tpu.enqueue_indirect_dma source(%dma_start3A_208 : memref<10000x128xf32, #tpu.memory_space<hbm>>) target(%arg12 : memref<40x128xf32, #tpu.memory_space<vmem>>) offsets(%arg8 : memref<40xi32, #tpu.memory_space<vmem>>) semaphore(%arg17 : memref<!tpu.dma_semaphore, #tpu.memory_space<semaphore_mem>>)
      %mul3A_209 = arith.constant 40 : i32
      %mul3A_210 = arith.muli %min3A_170, %mul3A_209 : i32
      %add3A_211 = arith.addi %mul3A_2, %mul3A_210 : i32
      %dma_start3A_212 = arith.constant 0 : i32
      %dma_start3A_213 = tpu.memref_slice %arg3[%add3A_211, %dma_start3A_212] : memref<165120x128xf32, #tpu.memory_space<hbm>> -> memref<40x128xf32, #tpu.memory_space<hbm>>
      %dma_start3A_214 = arith.constant 0 : i32
      %dma_start3A_215 = tpu.memref_slice %arg3[%add3A_211, %dma_start3A_214] : memref<165120x128xf32, #tpu.memory_space<hbm>> -> memref<40x128xf32, #tpu.memory_space<hbm>>
      tpu.enqueue_dma source(%dma_start3A_215 : memref<40x128xf32, #tpu.memory_space<hbm>>) target(%arg14 : memref<40x128xf32, #tpu.memory_space<vmem>>) target_semaphore(%arg19 : memref<!tpu.dma_semaphore, #tpu.memory_space<semaphore_mem>>)
    }
    %scan3A_62 = arith.constant 64 : i32
    %dma_wait3A_63 = arith.constant 0 : i32
    %dma_wait3A_64 = arith.constant 0 : i32
    %dma_wait3A_65 = tpu.memref_slice %arg2[%dma_wait3A_63, %dma_wait3A_64] : memref<10000x128xf32, #tpu.memory_space<hbm>> -> memref<40x128xf32, #tpu.memory_space<hbm>>
    %dma_wait3A_66 = arith.constant 0 : i32
    %dma_wait3A_67 = arith.constant 0 : i32
    %dma_wait3A_68 = tpu.memref_slice %arg2[%dma_wait3A_66, %dma_wait3A_67] : memref<10000x128xf32, #tpu.memory_space<hbm>> -> memref<40x128xf32, #tpu.memory_space<hbm>>
    tpu.wait_dma2 semaphore(%arg16 : memref<!tpu.dma_semaphore, #tpu.memory_space<semaphore_mem>>) src(%dma_wait3A_68 : memref<40x128xf32, #tpu.memory_space<hbm>>) dst(%arg11 : memref<40x128xf32, #tpu.memory_space<vmem>>)
    %dma_wait3A_69 = arith.constant 0 : i32
    %dma_wait3A_70 = arith.constant 0 : i32
    %dma_wait3A_71 = tpu.memref_slice %arg3[%dma_wait3A_69, %dma_wait3A_70] : memref<165120x128xf32, #tpu.memory_space<hbm>> -> memref<40x128xf32, #tpu.memory_space<hbm>>
    %dma_wait3A_72 = arith.constant 0 : i32
    %dma_wait3A_73 = arith.constant 0 : i32
    %dma_wait3A_74 = tpu.memref_slice %arg3[%dma_wait3A_72, %dma_wait3A_73] : memref<165120x128xf32, #tpu.memory_space<hbm>> -> memref<40x128xf32, #tpu.memory_space<hbm>>
    tpu.wait_dma2 semaphore(%arg18 : memref<!tpu.dma_semaphore, #tpu.memory_space<semaphore_mem>>) src(%dma_wait3A_74 : memref<40x128xf32, #tpu.memory_space<hbm>>) dst(%arg13 : memref<40x128xf32, #tpu.memory_space<vmem>>)
    %scan3A_75 = arith.constant 0 : i32
    %scan3A_76 = arith.constant 40 : i32
    %scan3A_77 = arith.addi %scan3A_75, %scan3A_76 : i32
    %scan3A_78 = arith.constant 1 : i32
    scf.for %scan3A_110 = %scan3A_75 to %scan3A_77 step %scan3A_78  : i32 {
      %mul3A_111 = arith.constant 1 : i32
      %mul3A_112 = arith.muli %scan3A_110, %mul3A_111 : i32
      %add3A_113 = arith.constant 0 : i32
      %add3A_114 = arith.addi %add3A_113, %mul3A_112 : i32
      %get3A = arith.index_cast %add3A_114 : i32 to index
      %get3A_115 = arith.constant 0 : index
      %get3A_116 = tpu.vector_load %arg11[%get3A, %get3A_115] {strides = array<i32>} : memref<40x128xf32, #tpu.memory_space<vmem>>, vector<1x16xf32>,
      %get3A_117 = vector.shape_cast %get3A_116 : vector<1x16xf32> to vector<16xf32>
      %get3A_118 = arith.index_cast %add3A_114 : i32 to index
      %get3A_119 = arith.constant 0 : index
      %get3A_120 = tpu.vector_load %arg13[%get3A_118, %get3A_119] {strides = array<i32>} : memref<40x128xf32, #tpu.memory_space<vmem>>, vector<1x16xf32>,
      %get3A_121 = vector.shape_cast %get3A_120 : vector<1x16xf32> to vector<16xf32>
      %mul3A_122 = arith.mulf %get3A_117, %get3A_121 : vector<16xf32>
      %swap3A = arith.index_cast %add3A_114 : i32 to index
      %swap3A_123 = arith.constant 0 : index
      %swap3A_124 = tpu.vector_load %arg11[%swap3A, %swap3A_123] {strides = array<i32>} : memref<40x128xf32, #tpu.memory_space<vmem>>, vector<1x16xf32>,
      %swap3A_125 = vector.shape_cast %swap3A_124 : vector<1x16xf32> to vector<16xf32>
      %swap3A_126 = vector.shape_cast %mul3A_122 : vector<16xf32> to vector<1x16xf32>
      tpu.vector_store %arg11[%swap3A, %swap3A_123], %swap3A_126 {strides = array<i32>} : memref<40x128xf32, #tpu.memory_space<vmem>>, vector<1x16xf32>,
      %get3A_127 = arith.index_cast %add3A_114 : i32 to index
      %get3A_128 = arith.constant 16 : index
      %get3A_129 = tpu.vector_load %arg11[%get3A_127, %get3A_128] {strides = array<i32>} : memref<40x128xf32, #tpu.memory_space<vmem>>, vector<1x16xf32>,
      %get3A_130 = vector.shape_cast %get3A_129 : vector<1x16xf32> to vector<16xf32>
      %get3A_131 = arith.index_cast %add3A_114 : i32 to index
      %get3A_132 = arith.constant 16 : index
      %get3A_133 = tpu.vector_load %arg13[%get3A_131, %get3A_132] {strides = array<i32>} : memref<40x128xf32, #tpu.memory_space<vmem>>, vector<1x16xf32>,
      %get3A_134 = vector.shape_cast %get3A_133 : vector<1x16xf32> to vector<16xf32>
      %mul3A_135 = arith.mulf %get3A_130, %get3A_134 : vector<16xf32>
      %swap3A_136 = arith.index_cast %add3A_114 : i32 to index
      %swap3A_137 = arith.constant 16 : index
      %swap3A_138 = tpu.vector_load %arg11[%swap3A_136, %swap3A_137] {strides = array<i32>} : memref<40x128xf32, #tpu.memory_space<vmem>>, vector<1x16xf32>,
      %swap3A_139 = vector.shape_cast %swap3A_138 : vector<1x16xf32> to vector<16xf32>
      %swap3A_140 = vector.shape_cast %mul3A_135 : vector<16xf32> to vector<1x16xf32>
      tpu.vector_store %arg11[%swap3A_136, %swap3A_137], %swap3A_140 {strides = array<i32>} : memref<40x128xf32, #tpu.memory_space<vmem>>, vector<1x16xf32>,
      %get3A_141 = arith.index_cast %add3A_114 : i32 to index
      %get3A_142 = arith.constant 32 : index
      %get3A_143 = tpu.vector_load %arg11[%get3A_141, %get3A_142] {strides = array<i32>} : memref<40x128xf32, #tpu.memory_space<vmem>>, vector<1x16xf32>,
      %get3A_144 = vector.shape_cast %get3A_143 : vector<1x16xf32> to vector<16xf32>
      %get3A_145 = arith.index_cast %add3A_114 : i32 to index
      %get3A_146 = arith.constant 32 : index
      %get3A_147 = tpu.vector_load %arg13[%get3A_145, %get3A_146] {strides = array<i32>} : memref<40x128xf32, #tpu.memory_space<vmem>>, vector<1x16xf32>,
      %get3A_148 = vector.shape_cast %get3A_147 : vector<1x16xf32> to vector<16xf32>
      %mul3A_149 = arith.mulf %get3A_144, %get3A_148 : vector<16xf32>
      %swap3A_150 = arith.index_cast %add3A_114 : i32 to index
      %swap3A_151 = arith.constant 32 : index
      %swap3A_152 = tpu.vector_load %arg11[%swap3A_150, %swap3A_151] {strides = array<i32>} : memref<40x128xf32, #tpu.memory_space<vmem>>, vector<1x16xf32>,
      %swap3A_153 = vector.shape_cast %swap3A_152 : vector<1x16xf32> to vector<16xf32>
      %swap3A_154 = vector.shape_cast %mul3A_149 : vector<16xf32> to vector<1x16xf32>
      tpu.vector_store %arg11[%swap3A_150, %swap3A_151], %swap3A_154 {strides = array<i32>} : memref<40x128xf32, #tpu.memory_space<vmem>>, vector<1x16xf32>,
      %get3A_155 = arith.index_cast %add3A_114 : i32 to index
      %get3A_156 = arith.constant 48 : index
      %get3A_157 = tpu.vector_load %arg11[%get3A_155, %get3A_156] {strides = array<i32>} : memref<40x128xf32, #tpu.memory_space<vmem>>, vector<1x16xf32>,
      %get3A_158 = vector.shape_cast %get3A_157 : vector<1x16xf32> to vector<16xf32>
      %get3A_159 = arith.index_cast %add3A_114 : i32 to index
      %get3A_160 = arith.constant 48 : index
      %get3A_161 = tpu.vector_load %arg13[%get3A_159, %get3A_160] {strides = array<i32>} : memref<40x128xf32, #tpu.memory_space<vmem>>, vector<1x16xf32>,
      %get3A_162 = vector.shape_cast %get3A_161 : vector<1x16xf32> to vector<16xf32>
      %mul3A_163 = arith.mulf %get3A_158, %get3A_162 : vector<16xf32>
      %swap3A_164 = arith.index_cast %add3A_114 : i32 to index
      %swap3A_165 = arith.constant 48 : index
      %swap3A_166 = tpu.vector_load %arg11[%swap3A_164, %swap3A_165] {strides = array<i32>} : memref<40x128xf32, #tpu.memory_space<vmem>>, vector<1x16xf32>,
      %swap3A_167 = vector.shape_cast %swap3A_166 : vector<1x16xf32> to vector<16xf32>
      %swap3A_168 = vector.shape_cast %mul3A_163 : vector<16xf32> to vector<1x16xf32>
      tpu.vector_store %arg11[%swap3A_164, %swap3A_165], %swap3A_168 {strides = array<i32>} : memref<40x128xf32, #tpu.memory_space<vmem>>, vector<1x16xf32>,
      %get3A_169 = arith.index_cast %add3A_114 : i32 to index
      %get3A_170 = arith.constant 64 : index
      %get3A_171 = tpu.vector_load %arg11[%get3A_169, %get3A_170] {strides = array<i32>} : memref<40x128xf32, #tpu.memory_space<vmem>>, vector<1x16xf32>,
      %get3A_172 = vector.shape_cast %get3A_171 : vector<1x16xf32> to vector<16xf32>
      %get3A_173 = arith.index_cast %add3A_114 : i32 to index
      %get3A_174 = arith.constant 64 : index
      %get3A_175 = tpu.vector_load %arg13[%get3A_173, %get3A_174] {strides = array<i32>} : memref<40x128xf32, #tpu.memory_space<vmem>>, vector<1x16xf32>,
      %get3A_176 = vector.shape_cast %get3A_175 : vector<1x16xf32> to vector<16xf32>
      %mul3A_177 = arith.mulf %get3A_172, %get3A_176 : vector<16xf32>
      %swap3A_178 = arith.index_cast %add3A_114 : i32 to index
      %swap3A_179 = arith.constant 64 : index
      %swap3A_180 = tpu.vector_load %arg11[%swap3A_178, %swap3A_179] {strides = array<i32>} : memref<40x128xf32, #tpu.memory_space<vmem>>, vector<1x16xf32>,
      %swap3A_181 = vector.shape_cast %swap3A_180 : vector<1x16xf32> to vector<16xf32>
      %swap3A_182 = vector.shape_cast %mul3A_177 : vector<16xf32> to vector<1x16xf32>
      tpu.vector_store %arg11[%swap3A_178, %swap3A_179], %swap3A_182 {strides = array<i32>} : memref<40x128xf32, #tpu.memory_space<vmem>>, vector<1x16xf32>,
      %get3A_183 = arith.index_cast %add3A_114 : i32 to index
      %get3A_184 = arith.constant 80 : index
      %get3A_185 = tpu.vector_load %arg11[%get3A_183, %get3A_184] {strides = array<i32>} : memref<40x128xf32, #tpu.memory_space<vmem>>, vector<1x16xf32>,
      %get3A_186 = vector.shape_cast %get3A_185 : vector<1x16xf32> to vector<16xf32>
      %get3A_187 = arith.index_cast %add3A_114 : i32 to index
      %get3A_188 = arith.constant 80 : index
      %get3A_189 = tpu.vector_load %arg13[%get3A_187, %get3A_188] {strides = array<i32>} : memref<40x128xf32, #tpu.memory_space<vmem>>, vector<1x16xf32>,
      %get3A_190 = vector.shape_cast %get3A_189 : vector<1x16xf32> to vector<16xf32>
      %mul3A_191 = arith.mulf %get3A_186, %get3A_190 : vector<16xf32>
      %swap3A_192 = arith.index_cast %add3A_114 : i32 to index
      %swap3A_193 = arith.constant 80 : index
      %swap3A_194 = tpu.vector_load %arg11[%swap3A_192, %swap3A_193] {strides = array<i32>} : memref<40x128xf32, #tpu.memory_space<vmem>>, vector<1x16xf32>,
      %swap3A_195 = vector.shape_cast %swap3A_194 : vector<1x16xf32> to vector<16xf32>
      %swap3A_196 = vector.shape_cast %mul3A_191 : vector<16xf32> to vector<1x16xf32>
      tpu.vector_store %arg11[%swap3A_192, %swap3A_193], %swap3A_196 {strides = array<i32>} : memref<40x128xf32, #tpu.memory_space<vmem>>, vector<1x16xf32>,
      %get3A_197 = arith.index_cast %add3A_114 : i32 to index
      %get3A_198 = arith.constant 96 : index
      %get3A_199 = tpu.vector_load %arg11[%get3A_197, %get3A_198] {strides = array<i32>} : memref<40x128xf32, #tpu.memory_space<vmem>>, vector<1x16xf32>,
      %get3A_200 = vector.shape_cast %get3A_199 : vector<1x16xf32> to vector<16xf32>
      %get3A_201 = arith.index_cast %add3A_114 : i32 to index
      %get3A_202 = arith.constant 96 : index
      %get3A_203 = tpu.vector_load %arg13[%get3A_201, %get3A_202] {strides = array<i32>} : memref<40x128xf32, #tpu.memory_space<vmem>>, vector<1x16xf32>,
      %get3A_204 = vector.shape_cast %get3A_203 : vector<1x16xf32> to vector<16xf32>
      %mul3A_205 = arith.mulf %get3A_200, %get3A_204 : vector<16xf32>
      %swap3A_206 = arith.index_cast %add3A_114 : i32 to index
      %swap3A_207 = arith.constant 96 : index
      %swap3A_208 = tpu.vector_load %arg11[%swap3A_206, %swap3A_207] {strides = array<i32>} : memref<40x128xf32, #tpu.memory_space<vmem>>, vector<1x16xf32>,
      %swap3A_209 = vector.shape_cast %swap3A_208 : vector<1x16xf32> to vector<16xf32>
      %swap3A_210 = vector.shape_cast %mul3A_205 : vector<16xf32> to vector<1x16xf32>
      tpu.vector_store %arg11[%swap3A_206, %swap3A_207], %swap3A_210 {strides = array<i32>} : memref<40x128xf32, #tpu.memory_space<vmem>>, vector<1x16xf32>,
      %get3A_211 = arith.index_cast %add3A_114 : i32 to index
      %get3A_212 = arith.constant 112 : index
      %get3A_213 = tpu.vector_load %arg11[%get3A_211, %get3A_212] {strides = array<i32>} : memref<40x128xf32, #tpu.memory_space<vmem>>, vector<1x16xf32>,
      %get3A_214 = vector.shape_cast %get3A_213 : vector<1x16xf32> to vector<16xf32>
      %get3A_215 = arith.index_cast %add3A_114 : i32 to index
      %get3A_216 = arith.constant 112 : index
      %get3A_217 = tpu.vector_load %arg13[%get3A_215, %get3A_216] {strides = array<i32>} : memref<40x128xf32, #tpu.memory_space<vmem>>, vector<1x16xf32>,
      %get3A_218 = vector.shape_cast %get3A_217 : vector<1x16xf32> to vector<16xf32>
      %mul3A_219 = arith.mulf %get3A_214, %get3A_218 : vector<16xf32>
      %swap3A_220 = arith.index_cast %add3A_114 : i32 to index
      %swap3A_221 = arith.constant 112 : index
      %swap3A_222 = tpu.vector_load %arg11[%swap3A_220, %swap3A_221] {strides = array<i32>} : memref<40x128xf32, #tpu.memory_space<vmem>>, vector<1x16xf32>,
      %swap3A_223 = vector.shape_cast %swap3A_222 : vector<1x16xf32> to vector<16xf32>
      %swap3A_224 = vector.shape_cast %mul3A_219 : vector<16xf32> to vector<1x16xf32>
      tpu.vector_store %arg11[%swap3A_220, %swap3A_221], %swap3A_224 {strides = array<i32>} : memref<40x128xf32, #tpu.memory_space<vmem>>, vector<1x16xf32>,
    }
    %scan3A_79 = arith.constant 40 : i32
    %dma_wait3A_80 = arith.constant 0 : i32
    %dma_wait3A_81 = tpu.memref_slice %arg5[%dma_wait3A_80] : memref<165120xi32, #tpu.memory_space<hbm>> -> memref<40xi32, #tpu.memory_space<hbm>>
    %dma_wait3A_82 = arith.constant 0 : i32
    %dma_wait3A_83 = tpu.memref_slice %arg5[%dma_wait3A_82] : memref<165120xi32, #tpu.memory_space<hbm>> -> memref<40xi32, #tpu.memory_space<hbm>>
    tpu.wait_dma2 semaphore(%arg22 : memref<!tpu.dma_semaphore, #tpu.memory_space<semaphore_mem>>) src(%dma_wait3A_83 : memref<40xi32, #tpu.memory_space<hbm>>) dst(%arg9 : memref<40xi32, #tpu.memory_space<vmem>>)
    "tpu.region"() ({
      %run_scoped3A = tpu.sem_alloc : memref<!tpu.dma_semaphore, #tpu.memory_space<semaphore_mem>>
      %dma_start3A_110 = arith.constant 0 : i32
      %dma_start3A_111 = arith.constant 0 : i32
      %dma_start3A_112 = tpu.memref_slice %arg15[%dma_start3A_110, %dma_start3A_111] : memref<10000x128xf32, #tpu.memory_space<vmem_shared>> -> memref<10000x128xf32, #tpu.memory_space<vmem_shared>>
      tpu.enqueue_indirect_dma source(%arg11 : memref<40x128xf32, #tpu.memory_space<vmem>>) target(%dma_start3A_112 : memref<10000x128xf32, #tpu.memory_space<vmem_shared>>) offsets(%arg9 : memref<40xi32, #tpu.memory_space<vmem>>) semaphore(%run_scoped3A : memref<!tpu.dma_semaphore, #tpu.memory_space<semaphore_mem>>) {add = true}
      %dma_wait3A_113 = arith.constant 0 : i32
      %dma_wait3A_114 = arith.constant 0 : i32
      %dma_wait3A_115 = tpu.memref_slice %arg15[%dma_wait3A_113, %dma_wait3A_114] : memref<10000x128xf32, #tpu.memory_space<vmem_shared>> -> memref<10000x128xf32, #tpu.memory_space<vmem_shared>>
      tpu.wait_indirect_dma semaphore(%run_scoped3A : memref<!tpu.dma_semaphore, #tpu.memory_space<semaphore_mem>>) src(%arg11 : memref<40x128xf32, #tpu.memory_space<vmem>>) dst(%dma_wait3A_115 : memref<10000x128xf32, #tpu.memory_space<vmem_shared>>)
      tpu.yield
    }) : () -> ()
    %dma_wait3A_84 = arith.constant 0 : i32
    %dma_wait3A_85 = arith.constant 0 : i32
    %dma_wait3A_86 = tpu.memref_slice %arg2[%dma_wait3A_84, %dma_wait3A_85] : memref<10000x128xf32, #tpu.memory_space<hbm>> -> memref<40x128xf32, #tpu.memory_space<hbm>>
    %dma_wait3A_87 = arith.constant 0 : i32
    %dma_wait3A_88 = arith.constant 0 : i32
    %dma_wait3A_89 = tpu.memref_slice %arg2[%dma_wait3A_87, %dma_wait3A_88] : memref<10000x128xf32, #tpu.memory_space<hbm>> -> memref<40x128xf32, #tpu.memory_space<hbm>>
    tpu.wait_dma2 semaphore(%arg17 : memref<!tpu.dma_semaphore, #tpu.memory_space<semaphore_mem>>) src(%dma_wait3A_89 : memref<40x128xf32, #tpu.memory_space<hbm>>) dst(%arg12 : memref<40x128xf32, #tpu.memory_space<vmem>>)
    %dma_wait3A_90 = arith.constant 0 : i32
    %dma_wait3A_91 = arith.constant 0 : i32
    %dma_wait3A_92 = tpu.memref_slice %arg3[%dma_wait3A_90, %dma_wait3A_91] : memref<165120x128xf32, #tpu.memory_space<hbm>> -> memref<40x128xf32, #tpu.memory_space<hbm>>
    %dma_wait3A_93 = arith.constant 0 : i32
    %dma_wait3A_94 = arith.constant 0 : i32
    %dma_wait3A_95 = tpu.memref_slice %arg3[%dma_wait3A_93, %dma_wait3A_94] : memref<165120x128xf32, #tpu.memory_space<hbm>> -> memref<40x128xf32, #tpu.memory_space<hbm>>
    tpu.wait_dma2 semaphore(%arg19 : memref<!tpu.dma_semaphore, #tpu.memory_space<semaphore_mem>>) src(%dma_wait3A_95 : memref<40x128xf32, #tpu.memory_space<hbm>>) dst(%arg14 : memref<40x128xf32, #tpu.memory_space<vmem>>)
    %dma_wait3A_96 = arith.constant 0 : i32
    %dma_wait3A_97 = tpu.memref_slice %arg5[%dma_wait3A_96] : memref<165120xi32, #tpu.memory_space<hbm>> -> memref<40xi32, #tpu.memory_space<hbm>>
    %dma_wait3A_98 = arith.constant 0 : i32
    %dma_wait3A_99 = tpu.memref_slice %arg5[%dma_wait3A_98] : memref<165120xi32, #tpu.memory_space<hbm>> -> memref<40xi32, #tpu.memory_space<hbm>>
    tpu.wait_dma2 semaphore(%arg23 : memref<!tpu.dma_semaphore, #tpu.memory_space<semaphore_mem>>) src(%dma_wait3A_99 : memref<40xi32, #tpu.memory_space<hbm>>) dst(%arg10 : memref<40xi32, #tpu.memory_space<vmem>>)
    %barrier3A_100 = arith.constant 0 : index
    tpu.barrier barrier_id(%barrier3A_100)
    %mul3A_101 = arith.constant 624 : i32
    %mul3A_102 = arith.muli %arg1, %mul3A_101 : i32
    %mul3A_103 = arith.constant 624 : i32
    %mul3A_104 = arith.muli %arg1, %mul3A_103 : i32
    "tpu.region"() ({
      %run_scoped3A = tpu.sem_alloc : memref<!tpu.dma_semaphore, #tpu.memory_space<semaphore_mem>>
      %dma_start3A_110 = arith.constant 0 : i32
      %dma_start3A_111 = tpu.memref_slice %arg6[%arg0, %mul3A_104, %dma_start3A_110] : memref<2x10000x128xf32, #tpu.memory_space<hbm>> -> memref<1x624x128xf32, #tpu.memory_space<hbm>>
      %dma_start3A_112 = tpu.memref_squeeze %dma_start3A_111 : memref<1x624x128xf32, #tpu.memory_space<hbm>> -> memref<624x128xf32, #tpu.memory_space<hbm>>
      %dma_start3A_113 = arith.constant 0 : i32
      %dma_start3A_114 = tpu.memref_slice %arg15[%mul3A_102, %dma_start3A_113] : memref<10000x128xf32, #tpu.memory_space<vmem_shared>> -> memref<624x128xf32, #tpu.memory_space<vmem_shared>>
      tpu.enqueue_dma source(%dma_start3A_114 : memref<624x128xf32, #tpu.memory_space<vmem_shared>>) target(%dma_start3A_112 : memref<624x128xf32, #tpu.memory_space<hbm>>) target_semaphore(%run_scoped3A : memref<!tpu.dma_semaphore, #tpu.memory_space<semaphore_mem>>)
      %dma_wait3A_115 = arith.constant 0 : i32
      %dma_wait3A_116 = tpu.memref_slice %arg6[%arg0, %mul3A_104, %dma_wait3A_115] : memref<2x10000x128xf32, #tpu.memory_space<hbm>> -> memref<1x624x128xf32, #tpu.memory_space<hbm>>
      %dma_wait3A_117 = tpu.memref_squeeze %dma_wait3A_116 : memref<1x624x128xf32, #tpu.memory_space<hbm>> -> memref<624x128xf32, #tpu.memory_space<hbm>>
      %dma_wait3A_118 = arith.constant 0 : i32
      %dma_wait3A_119 = tpu.memref_slice %arg15[%mul3A_102, %dma_wait3A_118] : memref<10000x128xf32, #tpu.memory_space<vmem_shared>> -> memref<624x128xf32, #tpu.memory_space<vmem_shared>>
      tpu.wait_dma2 semaphore(%run_scoped3A : memref<!tpu.dma_semaphore, #tpu.memory_space<semaphore_mem>>) src(%dma_wait3A_119 : memref<624x128xf32, #tpu.memory_space<vmem_shared>>) dst(%dma_wait3A_117 : memref<624x128xf32, #tpu.memory_space<hbm>>)
      tpu.yield
    }) : () -> ()
    %eq3A_105 = arith.constant 0 : i32
    %eq3A_106 = arith.cmpi eq, %arg1, %eq3A_105 : i32
    %convert_element_type3A_107 = arith.extui %eq3A_106 : i1 to i32
    %cond3A_108 = arith.constant 0 : i32
    %cond3A_109 = arith.cmpi ne, %convert_element_type3A_107, %cond3A_108 : i32
    scf.if %cond3A_109 {
      "tpu.region"() ({
        %run_scoped3A = tpu.sem_alloc : memref<!tpu.dma_semaphore, #tpu.memory_space<semaphore_mem>>
        %dma_start3A_110 = arith.constant 9984 : i32
        %dma_start3A_111 = arith.constant 0 : i32
        %dma_start3A_112 = tpu.memref_slice %arg6[%arg0, %dma_start3A_110, %dma_start3A_111] : memref<2x10000x128xf32, #tpu.memory_space<hbm>> -> memref<1x16x128xf32, #tpu.memory_space<hbm>>
        %dma_start3A_113 = tpu.memref_squeeze %dma_start3A_112 : memref<1x16x128xf32, #tpu.memory_space<hbm>> -> memref<16x128xf32, #tpu.memory_space<hbm>>
        %dma_start3A_114 = arith.constant 9984 : i32
        %dma_start3A_115 = arith.constant 0 : i32
        %dma_start3A_116 = tpu.memref_slice %arg15[%dma_start3A_114, %dma_start3A_115] : memref<10000x128xf32, #tpu.memory_space<vmem_shared>> -> memref<16x128xf32, #tpu.memory_space<vmem_shared>>
        tpu.enqueue_dma source(%dma_start3A_116 : memref<16x128xf32, #tpu.memory_space<vmem_shared>>) target(%dma_start3A_113 : memref<16x128xf32, #tpu.memory_space<hbm>>) target_semaphore(%run_scoped3A : memref<!tpu.dma_semaphore, #tpu.memory_space<semaphore_mem>>)
        %dma_wait3A_117 = arith.constant 9984 : i32
        %dma_wait3A_118 = arith.constant 0 : i32
        %dma_wait3A_119 = tpu.memref_slice %arg6[%arg0, %dma_wait3A_117, %dma_wait3A_118] : memref<2x10000x128xf32, #tpu.memory_space<hbm>> -> memref<1x16x128xf32, #tpu.memory_space<hbm>>
        %dma_wait3A_120 = tpu.memref_squeeze %dma_wait3A_119 : memref<1x16x128xf32, #tpu.memory_space<hbm>> -> memref<16x128xf32, #tpu.memory_space<hbm>>
        %dma_wait3A_121 = arith.constant 9984 : i32
        %dma_wait3A_122 = arith.constant 0 : i32
        %dma_wait3A_123 = tpu.memref_slice %arg15[%dma_wait3A_121, %dma_wait3A_122] : memref<10000x128xf32, #tpu.memory_space<vmem_shared>> -> memref<16x128xf32, #tpu.memory_space<vmem_shared>>
        tpu.wait_dma2 semaphore(%run_scoped3A : memref<!tpu.dma_semaphore, #tpu.memory_space<semaphore_mem>>) src(%dma_wait3A_123 : memref<16x128xf32, #tpu.memory_space<vmem_shared>>) dst(%dma_wait3A_120 : memref<16x128xf32, #tpu.memory_space<hbm>>)
        tpu.yield
      }) : () -> ()
    } else {
    }
    return
  }
}

#map = affine_map<(d0, d1) -> (0, 0)>
#map1 = affine_map<(d0, d1) -> (0)>
#map2 = affine_map<(d0, d1) -> (0, 0, 0)>
module attributes {stable_mosaic.version = 14 : i64} {
  func.func @k(%arg0: i32, %arg1: i32, %arg2: memref<10000x128xf32, #tpu.memory_space<hbm>>, %arg3: memref<154880x128xf32, #tpu.memory_space<hbm>>, %arg4: memref<154880xi32, #tpu.memory_space<hbm>>, %arg5: memref<154880xi32, #tpu.memory_space<hbm>>, %arg6: memref<2x10000x128xf32, #tpu.memory_space<hbm>>, %arg7: memref<88xi32, #tpu.memory_space<vmem>>, %arg8: memref<88xi32, #tpu.memory_space<vmem>>, %arg9: memref<88xi32, #tpu.memory_space<vmem>>, %arg10: memref<88xi32, #tpu.memory_space<vmem>>, %arg11: memref<88x128xf32, #tpu.memory_space<vmem>>, %arg12: memref<88x128xf32, #tpu.memory_space<vmem>>, %arg13: memref<88x128xf32, #tpu.memory_space<vmem>>, %arg14: memref<88x128xf32, #tpu.memory_space<vmem>>, %arg15: memref<10000x128xf32, #tpu.memory_space<vmem_shared>>, %arg16: memref<!tpu.dma_semaphore, #tpu.memory_space<semaphore_mem>>, %arg17: memref<!tpu.dma_semaphore, #tpu.memory_space<semaphore_mem>>, %arg18: memref<!tpu.dma_semaphore, #tpu.memory_space<semaphore_mem>>, %arg19: memref<!tpu.dma_semaphore, #tpu.memory_space<semaphore_mem>>, %arg20: memref<!tpu.dma_semaphore, #tpu.memory_space<semaphore_mem>>, %arg21: memref<!tpu.dma_semaphore, #tpu.memory_space<semaphore_mem>>, %arg22: memref<!tpu.dma_semaphore, #tpu.memory_space<semaphore_mem>>, %arg23: memref<!tpu.dma_semaphore, #tpu.memory_space<semaphore_mem>>) attributes {dimension_semantics = [#tpu.dimension_semantics<core_parallel>, #tpu.dimension_semantics<subcore_parallel>], iteration_bounds = array<i64: 2, 16>, scalar_prefetch = 0 : i64, scratch_operands = 17 : i64, tpu.core_type = #tpu.core_type<sc_vector_subcore>, window_params = [{transform_indices = #map}, {transform_indices = #map}, {transform_indices = #map1}, {transform_indices = #map1}, {transform_indices = #map2}]} {
    %mul3A = arith.constant 16 : i32
    %mul3A_0 = arith.muli %arg0, %mul3A : i32
    %add3A = arith.addi %mul3A_0, %arg1 : i32
    %mul3A_1 = arith.constant 4840 : i32
    %mul3A_2 = arith.muli %add3A, %mul3A_1 : i32
    %scan3A = arith.constant 0 : i32
    %scan3A_3 = arith.constant 88 : i32
    %scan3A_4 = arith.addi %scan3A, %scan3A_3 : i32
    %scan3A_5 = arith.constant 1 : i32
    scf.for %scan3A_110 = %scan3A to %scan3A_4 step %scan3A_5  : i32 {
      %mul3A_111 = arith.constant 1 : i32
      %mul3A_112 = arith.muli %scan3A_110, %mul3A_111 : i32
      %add3A_113 = arith.constant 0 : i32
      %add3A_114 = arith.addi %add3A_113, %mul3A_112 : i32
      %broadcast_in_dim3A = arith.constant 0.000000e+00 : f32
      %broadcast_in_dim3A_115 = vector.broadcast %broadcast_in_dim3A : f32 to vector<16xf32>
      %swap3A = arith.index_cast %add3A_114 : i32 to index
      %swap3A_116 = arith.constant 0 : index
      %swap3A_117 = tpu.vector_load %arg11[%swap3A, %swap3A_116] {strides = array<i32>} : memref<88x128xf32, #tpu.memory_space<vmem>>, vector<1x16xf32>,
      %swap3A_118 = vector.shape_cast %swap3A_117 : vector<1x16xf32> to vector<16xf32>
      %swap3A_119 = vector.shape_cast %broadcast_in_dim3A_115 : vector<16xf32> to vector<1x16xf32>
      tpu.vector_store %arg11[%swap3A, %swap3A_116], %swap3A_119 {strides = array<i32>} : memref<88x128xf32, #tpu.memory_space<vmem>>, vector<1x16xf32>,
      %broadcast_in_dim3A_120 = arith.constant 0.000000e+00 : f32
      %broadcast_in_dim3A_121 = vector.broadcast %broadcast_in_dim3A_120 : f32 to vector<16xf32>
      %swap3A_122 = arith.index_cast %add3A_114 : i32 to index
      %swap3A_123 = arith.constant 16 : index
      %swap3A_124 = tpu.vector_load %arg11[%swap3A_122, %swap3A_123] {strides = array<i32>} : memref<88x128xf32, #tpu.memory_space<vmem>>, vector<1x16xf32>,
      %swap3A_125 = vector.shape_cast %swap3A_124 : vector<1x16xf32> to vector<16xf32>
      %swap3A_126 = vector.shape_cast %broadcast_in_dim3A_121 : vector<16xf32> to vector<1x16xf32>
      tpu.vector_store %arg11[%swap3A_122, %swap3A_123], %swap3A_126 {strides = array<i32>} : memref<88x128xf32, #tpu.memory_space<vmem>>, vector<1x16xf32>,
      %broadcast_in_dim3A_127 = arith.constant 0.000000e+00 : f32
      %broadcast_in_dim3A_128 = vector.broadcast %broadcast_in_dim3A_127 : f32 to vector<16xf32>
      %swap3A_129 = arith.index_cast %add3A_114 : i32 to index
      %swap3A_130 = arith.constant 32 : index
      %swap3A_131 = tpu.vector_load %arg11[%swap3A_129, %swap3A_130] {strides = array<i32>} : memref<88x128xf32, #tpu.memory_space<vmem>>, vector<1x16xf32>,
      %swap3A_132 = vector.shape_cast %swap3A_131 : vector<1x16xf32> to vector<16xf32>
      %swap3A_133 = vector.shape_cast %broadcast_in_dim3A_128 : vector<16xf32> to vector<1x16xf32>
      tpu.vector_store %arg11[%swap3A_129, %swap3A_130], %swap3A_133 {strides = array<i32>} : memref<88x128xf32, #tpu.memory_space<vmem>>, vector<1x16xf32>,
      %broadcast_in_dim3A_134 = arith.constant 0.000000e+00 : f32
      %broadcast_in_dim3A_135 = vector.broadcast %broadcast_in_dim3A_134 : f32 to vector<16xf32>
      %swap3A_136 = arith.index_cast %add3A_114 : i32 to index
      %swap3A_137 = arith.constant 48 : index
      %swap3A_138 = tpu.vector_load %arg11[%swap3A_136, %swap3A_137] {strides = array<i32>} : memref<88x128xf32, #tpu.memory_space<vmem>>, vector<1x16xf32>,
      %swap3A_139 = vector.shape_cast %swap3A_138 : vector<1x16xf32> to vector<16xf32>
      %swap3A_140 = vector.shape_cast %broadcast_in_dim3A_135 : vector<16xf32> to vector<1x16xf32>
      tpu.vector_store %arg11[%swap3A_136, %swap3A_137], %swap3A_140 {strides = array<i32>} : memref<88x128xf32, #tpu.memory_space<vmem>>, vector<1x16xf32>,
      %broadcast_in_dim3A_141 = arith.constant 0.000000e+00 : f32
      %broadcast_in_dim3A_142 = vector.broadcast %broadcast_in_dim3A_141 : f32 to vector<16xf32>
      %swap3A_143 = arith.index_cast %add3A_114 : i32 to index
      %swap3A_144 = arith.constant 64 : index
      %swap3A_145 = tpu.vector_load %arg11[%swap3A_143, %swap3A_144] {strides = array<i32>} : memref<88x128xf32, #tpu.memory_space<vmem>>, vector<1x16xf32>,
      %swap3A_146 = vector.shape_cast %swap3A_145 : vector<1x16xf32> to vector<16xf32>
      %swap3A_147 = vector.shape_cast %broadcast_in_dim3A_142 : vector<16xf32> to vector<1x16xf32>
      tpu.vector_store %arg11[%swap3A_143, %swap3A_144], %swap3A_147 {strides = array<i32>} : memref<88x128xf32, #tpu.memory_space<vmem>>, vector<1x16xf32>,
      %broadcast_in_dim3A_148 = arith.constant 0.000000e+00 : f32
      %broadcast_in_dim3A_149 = vector.broadcast %broadcast_in_dim3A_148 : f32 to vector<16xf32>
      %swap3A_150 = arith.index_cast %add3A_114 : i32 to index
      %swap3A_151 = arith.constant 80 : index
      %swap3A_152 = tpu.vector_load %arg11[%swap3A_150, %swap3A_151] {strides = array<i32>} : memref<88x128xf32, #tpu.memory_space<vmem>>, vector<1x16xf32>,
      %swap3A_153 = vector.shape_cast %swap3A_152 : vector<1x16xf32> to vector<16xf32>
      %swap3A_154 = vector.shape_cast %broadcast_in_dim3A_149 : vector<16xf32> to vector<1x16xf32>
      tpu.vector_store %arg11[%swap3A_150, %swap3A_151], %swap3A_154 {strides = array<i32>} : memref<88x128xf32, #tpu.memory_space<vmem>>, vector<1x16xf32>,
      %broadcast_in_dim3A_155 = arith.constant 0.000000e+00 : f32
      %broadcast_in_dim3A_156 = vector.broadcast %broadcast_in_dim3A_155 : f32 to vector<16xf32>
      %swap3A_157 = arith.index_cast %add3A_114 : i32 to index
      %swap3A_158 = arith.constant 96 : index
      %swap3A_159 = tpu.vector_load %arg11[%swap3A_157, %swap3A_158] {strides = array<i32>} : memref<88x128xf32, #tpu.memory_space<vmem>>, vector<1x16xf32>,
      %swap3A_160 = vector.shape_cast %swap3A_159 : vector<1x16xf32> to vector<16xf32>
      %swap3A_161 = vector.shape_cast %broadcast_in_dim3A_156 : vector<16xf32> to vector<1x16xf32>
      tpu.vector_store %arg11[%swap3A_157, %swap3A_158], %swap3A_161 {strides = array<i32>} : memref<88x128xf32, #tpu.memory_space<vmem>>, vector<1x16xf32>,
      %broadcast_in_dim3A_162 = arith.constant 0.000000e+00 : f32
      %broadcast_in_dim3A_163 = vector.broadcast %broadcast_in_dim3A_162 : f32 to vector<16xf32>
      %swap3A_164 = arith.index_cast %add3A_114 : i32 to index
      %swap3A_165 = arith.constant 112 : index
      %swap3A_166 = tpu.vector_load %arg11[%swap3A_164, %swap3A_165] {strides = array<i32>} : memref<88x128xf32, #tpu.memory_space<vmem>>, vector<1x16xf32>,
      %swap3A_167 = vector.shape_cast %swap3A_166 : vector<1x16xf32> to vector<16xf32>
      %swap3A_168 = vector.shape_cast %broadcast_in_dim3A_163 : vector<16xf32> to vector<1x16xf32>
      tpu.vector_store %arg11[%swap3A_164, %swap3A_165], %swap3A_168 {strides = array<i32>} : memref<88x128xf32, #tpu.memory_space<vmem>>, vector<1x16xf32>,
    }
    %scan3A_6 = arith.constant 88 : i32
    %scan3A_7 = arith.constant 0 : i32
    %scan3A_8 = arith.constant 7 : i32
    %scan3A_9 = arith.addi %scan3A_7, %scan3A_8 : i32
    %scan3A_10 = arith.constant 1 : i32
    scf.for %scan3A_110 = %scan3A_7 to %scan3A_9 step %scan3A_10  : i32 {
      %mul3A_111 = arith.constant 1 : i32
      %mul3A_112 = arith.muli %scan3A_110, %mul3A_111 : i32
      %add3A_113 = arith.constant 0 : i32
      %add3A_114 = arith.addi %add3A_113, %mul3A_112 : i32
      %mul3A_115 = arith.constant 624 : i32
      %mul3A_116 = arith.muli %arg1, %mul3A_115 : i32
      %mul3A_117 = arith.constant 88 : i32
      %mul3A_118 = arith.muli %add3A_114, %mul3A_117 : i32
      %add3A_119 = arith.addi %mul3A_116, %mul3A_118 : i32
      "tpu.region"() ({
        %run_scoped3A = tpu.sem_alloc : memref<!tpu.dma_semaphore, #tpu.memory_space<semaphore_mem>>
        %dma_start3A_120 = arith.constant 0 : i32
        %dma_start3A_121 = tpu.memref_slice %arg15[%add3A_119, %dma_start3A_120] : memref<10000x128xf32, #tpu.memory_space<vmem_shared>> -> memref<88x128xf32, #tpu.memory_space<vmem_shared>>
        %dma_start3A_122 = arith.constant 0 : i32
        %dma_start3A_123 = tpu.memref_slice %arg15[%add3A_119, %dma_start3A_122] : memref<10000x128xf32, #tpu.memory_space<vmem_shared>> -> memref<88x128xf32, #tpu.memory_space<vmem_shared>>
        tpu.enqueue_dma source(%arg11 : memref<88x128xf32, #tpu.memory_space<vmem>>) target(%dma_start3A_123 : memref<88x128xf32, #tpu.memory_space<vmem_shared>>) target_semaphore(%run_scoped3A : memref<!tpu.dma_semaphore, #tpu.memory_space<semaphore_mem>>)
        %dma_wait3A_124 = arith.constant 0 : i32
        %dma_wait3A_125 = tpu.memref_slice %arg15[%add3A_119, %dma_wait3A_124] : memref<10000x128xf32, #tpu.memory_space<vmem_shared>> -> memref<88x128xf32, #tpu.memory_space<vmem_shared>>
        %dma_wait3A_126 = arith.constant 0 : i32
        %dma_wait3A_127 = tpu.memref_slice %arg15[%add3A_119, %dma_wait3A_126] : memref<10000x128xf32, #tpu.memory_space<vmem_shared>> -> memref<88x128xf32, #tpu.memory_space<vmem_shared>>
        tpu.wait_dma2 semaphore(%run_scoped3A : memref<!tpu.dma_semaphore, #tpu.memory_space<semaphore_mem>>) src(%arg11 : memref<88x128xf32, #tpu.memory_space<vmem>>) dst(%dma_wait3A_127 : memref<88x128xf32, #tpu.memory_space<vmem_shared>>)
        tpu.yield
      }) : () -> ()
    }
    %scan3A_11 = arith.constant 7 : i32
    %mul3A_12 = arith.constant 624 : i32
    %mul3A_13 = arith.muli %arg1, %mul3A_12 : i32
    %add3A_14 = arith.constant 616 : i32
    %add3A_15 = arith.addi %mul3A_13, %add3A_14 : i32
    "tpu.region"() ({
      %run_scoped3A = tpu.sem_alloc : memref<!tpu.dma_semaphore, #tpu.memory_space<semaphore_mem>>
      %dma_start3A_110 = arith.constant 0 : i32
      %dma_start3A_111 = arith.constant 0 : i32
      %dma_start3A_112 = tpu.memref_slice %arg11[%dma_start3A_110, %dma_start3A_111] : memref<88x128xf32, #tpu.memory_space<vmem>> -> memref<8x128xf32, #tpu.memory_space<vmem>>
      %dma_start3A_113 = arith.constant 0 : i32
      %dma_start3A_114 = tpu.memref_slice %arg15[%add3A_15, %dma_start3A_113] : memref<10000x128xf32, #tpu.memory_space<vmem_shared>> -> memref<8x128xf32, #tpu.memory_space<vmem_shared>>
      %dma_start3A_115 = arith.constant 0 : i32
      %dma_start3A_116 = tpu.memref_slice %arg15[%add3A_15, %dma_start3A_115] : memref<10000x128xf32, #tpu.memory_space<vmem_shared>> -> memref<8x128xf32, #tpu.memory_space<vmem_shared>>
      %dma_start3A_117 = arith.constant 0 : i32
      %dma_start3A_118 = arith.constant 0 : i32
      %dma_start3A_119 = tpu.memref_slice %arg11[%dma_start3A_117, %dma_start3A_118] : memref<88x128xf32, #tpu.memory_space<vmem>> -> memref<8x128xf32, #tpu.memory_space<vmem>>
      tpu.enqueue_dma source(%dma_start3A_119 : memref<8x128xf32, #tpu.memory_space<vmem>>) target(%dma_start3A_116 : memref<8x128xf32, #tpu.memory_space<vmem_shared>>) target_semaphore(%run_scoped3A : memref<!tpu.dma_semaphore, #tpu.memory_space<semaphore_mem>>)
      %dma_wait3A_120 = arith.constant 0 : i32
      %dma_wait3A_121 = arith.constant 0 : i32
      %dma_wait3A_122 = tpu.memref_slice %arg11[%dma_wait3A_120, %dma_wait3A_121] : memref<88x128xf32, #tpu.memory_space<vmem>> -> memref<8x128xf32, #tpu.memory_space<vmem>>
      %dma_wait3A_123 = arith.constant 0 : i32
      %dma_wait3A_124 = tpu.memref_slice %arg15[%add3A_15, %dma_wait3A_123] : memref<10000x128xf32, #tpu.memory_space<vmem_shared>> -> memref<8x128xf32, #tpu.memory_space<vmem_shared>>
      %dma_wait3A_125 = arith.constant 0 : i32
      %dma_wait3A_126 = tpu.memref_slice %arg15[%add3A_15, %dma_wait3A_125] : memref<10000x128xf32, #tpu.memory_space<vmem_shared>> -> memref<8x128xf32, #tpu.memory_space<vmem_shared>>
      %dma_wait3A_127 = arith.constant 0 : i32
      %dma_wait3A_128 = arith.constant 0 : i32
      %dma_wait3A_129 = tpu.memref_slice %arg11[%dma_wait3A_127, %dma_wait3A_128] : memref<88x128xf32, #tpu.memory_space<vmem>> -> memref<8x128xf32, #tpu.memory_space<vmem>>
      tpu.wait_dma2 semaphore(%run_scoped3A : memref<!tpu.dma_semaphore, #tpu.memory_space<semaphore_mem>>) src(%dma_wait3A_129 : memref<8x128xf32, #tpu.memory_space<vmem>>) dst(%dma_wait3A_126 : memref<8x128xf32, #tpu.memory_space<vmem_shared>>)
      tpu.yield
    }) : () -> ()
    %eq3A = arith.constant 0 : i32
    %eq3A_16 = arith.cmpi eq, %arg1, %eq3A : i32
    %convert_element_type3A = arith.extui %eq3A_16 : i1 to i32
    %cond3A = arith.constant 0 : i32
    %cond3A_17 = arith.cmpi ne, %convert_element_type3A, %cond3A : i32
    scf.if %cond3A_17 {
      "tpu.region"() ({
        %run_scoped3A = tpu.sem_alloc : memref<!tpu.dma_semaphore, #tpu.memory_space<semaphore_mem>>
        %dma_start3A_110 = arith.constant 0 : i32
        %dma_start3A_111 = arith.constant 0 : i32
        %dma_start3A_112 = tpu.memref_slice %arg11[%dma_start3A_110, %dma_start3A_111] : memref<88x128xf32, #tpu.memory_space<vmem>> -> memref<16x128xf32, #tpu.memory_space<vmem>>
        %dma_start3A_113 = arith.constant 9984 : i32
        %dma_start3A_114 = arith.constant 0 : i32
        %dma_start3A_115 = tpu.memref_slice %arg15[%dma_start3A_113, %dma_start3A_114] : memref<10000x128xf32, #tpu.memory_space<vmem_shared>> -> memref<16x128xf32, #tpu.memory_space<vmem_shared>>
        %dma_start3A_116 = arith.constant 9984 : i32
        %dma_start3A_117 = arith.constant 0 : i32
        %dma_start3A_118 = tpu.memref_slice %arg15[%dma_start3A_116, %dma_start3A_117] : memref<10000x128xf32, #tpu.memory_space<vmem_shared>> -> memref<16x128xf32, #tpu.memory_space<vmem_shared>>
        %dma_start3A_119 = arith.constant 0 : i32
        %dma_start3A_120 = arith.constant 0 : i32
        %dma_start3A_121 = tpu.memref_slice %arg11[%dma_start3A_119, %dma_start3A_120] : memref<88x128xf32, #tpu.memory_space<vmem>> -> memref<16x128xf32, #tpu.memory_space<vmem>>
        tpu.enqueue_dma source(%dma_start3A_121 : memref<16x128xf32, #tpu.memory_space<vmem>>) target(%dma_start3A_118 : memref<16x128xf32, #tpu.memory_space<vmem_shared>>) target_semaphore(%run_scoped3A : memref<!tpu.dma_semaphore, #tpu.memory_space<semaphore_mem>>)
        %dma_wait3A_122 = arith.constant 0 : i32
        %dma_wait3A_123 = arith.constant 0 : i32
        %dma_wait3A_124 = tpu.memref_slice %arg11[%dma_wait3A_122, %dma_wait3A_123] : memref<88x128xf32, #tpu.memory_space<vmem>> -> memref<16x128xf32, #tpu.memory_space<vmem>>
        %dma_wait3A_125 = arith.constant 9984 : i32
        %dma_wait3A_126 = arith.constant 0 : i32
        %dma_wait3A_127 = tpu.memref_slice %arg15[%dma_wait3A_125, %dma_wait3A_126] : memref<10000x128xf32, #tpu.memory_space<vmem_shared>> -> memref<16x128xf32, #tpu.memory_space<vmem_shared>>
        %dma_wait3A_128 = arith.constant 9984 : i32
        %dma_wait3A_129 = arith.constant 0 : i32
        %dma_wait3A_130 = tpu.memref_slice %arg15[%dma_wait3A_128, %dma_wait3A_129] : memref<10000x128xf32, #tpu.memory_space<vmem_shared>> -> memref<16x128xf32, #tpu.memory_space<vmem_shared>>
        %dma_wait3A_131 = arith.constant 0 : i32
        %dma_wait3A_132 = arith.constant 0 : i32
        %dma_wait3A_133 = tpu.memref_slice %arg11[%dma_wait3A_131, %dma_wait3A_132] : memref<88x128xf32, #tpu.memory_space<vmem>> -> memref<16x128xf32, #tpu.memory_space<vmem>>
        tpu.wait_dma2 semaphore(%run_scoped3A : memref<!tpu.dma_semaphore, #tpu.memory_space<semaphore_mem>>) src(%dma_wait3A_133 : memref<16x128xf32, #tpu.memory_space<vmem>>) dst(%dma_wait3A_130 : memref<16x128xf32, #tpu.memory_space<vmem_shared>>)
        tpu.yield
      }) : () -> ()
    } else {
    }
    %barrier3A = arith.constant 0 : index
    tpu.barrier barrier_id(%barrier3A)
    %add3A_18 = arith.constant 0 : i32
    %add3A_19 = arith.addi %mul3A_2, %add3A_18 : i32
    %dma_start3A = tpu.memref_slice %arg4[%add3A_19] : memref<154880xi32, #tpu.memory_space<hbm>> -> memref<88xi32, #tpu.memory_space<hbm>>
    %dma_start3A_20 = tpu.memref_slice %arg4[%add3A_19] : memref<154880xi32, #tpu.memory_space<hbm>> -> memref<88xi32, #tpu.memory_space<hbm>>
    tpu.enqueue_dma source(%dma_start3A_20 : memref<88xi32, #tpu.memory_space<hbm>>) target(%arg7 : memref<88xi32, #tpu.memory_space<vmem>>) target_semaphore(%arg20 : memref<!tpu.dma_semaphore, #tpu.memory_space<semaphore_mem>>)
    %add3A_21 = arith.constant 0 : i32
    %add3A_22 = arith.addi %mul3A_2, %add3A_21 : i32
    %dma_start3A_23 = tpu.memref_slice %arg5[%add3A_22] : memref<154880xi32, #tpu.memory_space<hbm>> -> memref<88xi32, #tpu.memory_space<hbm>>
    %dma_start3A_24 = tpu.memref_slice %arg5[%add3A_22] : memref<154880xi32, #tpu.memory_space<hbm>> -> memref<88xi32, #tpu.memory_space<hbm>>
    tpu.enqueue_dma source(%dma_start3A_24 : memref<88xi32, #tpu.memory_space<hbm>>) target(%arg9 : memref<88xi32, #tpu.memory_space<vmem>>) target_semaphore(%arg22 : memref<!tpu.dma_semaphore, #tpu.memory_space<semaphore_mem>>)
    %add3A_25 = arith.constant 88 : i32
    %add3A_26 = arith.addi %mul3A_2, %add3A_25 : i32
    %dma_start3A_27 = tpu.memref_slice %arg4[%add3A_26] : memref<154880xi32, #tpu.memory_space<hbm>> -> memref<88xi32, #tpu.memory_space<hbm>>
    %dma_start3A_28 = tpu.memref_slice %arg4[%add3A_26] : memref<154880xi32, #tpu.memory_space<hbm>> -> memref<88xi32, #tpu.memory_space<hbm>>
    tpu.enqueue_dma source(%dma_start3A_28 : memref<88xi32, #tpu.memory_space<hbm>>) target(%arg8 : memref<88xi32, #tpu.memory_space<vmem>>) target_semaphore(%arg21 : memref<!tpu.dma_semaphore, #tpu.memory_space<semaphore_mem>>)
    %add3A_29 = arith.constant 88 : i32
    %add3A_30 = arith.addi %mul3A_2, %add3A_29 : i32
    %dma_start3A_31 = tpu.memref_slice %arg5[%add3A_30] : memref<154880xi32, #tpu.memory_space<hbm>> -> memref<88xi32, #tpu.memory_space<hbm>>
    %dma_start3A_32 = tpu.memref_slice %arg5[%add3A_30] : memref<154880xi32, #tpu.memory_space<hbm>> -> memref<88xi32, #tpu.memory_space<hbm>>
    tpu.enqueue_dma source(%dma_start3A_32 : memref<88xi32, #tpu.memory_space<hbm>>) target(%arg10 : memref<88xi32, #tpu.memory_space<vmem>>) target_semaphore(%arg23 : memref<!tpu.dma_semaphore, #tpu.memory_space<semaphore_mem>>)
    %dma_wait3A = arith.constant 0 : i32
    %dma_wait3A_33 = tpu.memref_slice %arg4[%dma_wait3A] : memref<154880xi32, #tpu.memory_space<hbm>> -> memref<88xi32, #tpu.memory_space<hbm>>
    %dma_wait3A_34 = arith.constant 0 : i32
    %dma_wait3A_35 = tpu.memref_slice %arg4[%dma_wait3A_34] : memref<154880xi32, #tpu.memory_space<hbm>> -> memref<88xi32, #tpu.memory_space<hbm>>
    tpu.wait_dma2 semaphore(%arg20 : memref<!tpu.dma_semaphore, #tpu.memory_space<semaphore_mem>>) src(%dma_wait3A_35 : memref<88xi32, #tpu.memory_space<hbm>>) dst(%arg7 : memref<88xi32, #tpu.memory_space<vmem>>)
    %dma_start3A_36 = arith.constant 0 : i32
    %dma_start3A_37 = arith.constant 0 : i32
    %dma_start3A_38 = tpu.memref_slice %arg2[%dma_start3A_36, %dma_start3A_37] : memref<10000x128xf32, #tpu.memory_space<hbm>> -> memref<10000x128xf32, #tpu.memory_space<hbm>>
    tpu.enqueue_indirect_dma source(%dma_start3A_38 : memref<10000x128xf32, #tpu.memory_space<hbm>>) target(%arg11 : memref<88x128xf32, #tpu.memory_space<vmem>>) offsets(%arg7 : memref<88xi32, #tpu.memory_space<vmem>>) semaphore(%arg16 : memref<!tpu.dma_semaphore, #tpu.memory_space<semaphore_mem>>)
    %add3A_39 = arith.constant 0 : i32
    %add3A_40 = arith.addi %mul3A_2, %add3A_39 : i32
    %dma_start3A_41 = arith.constant 0 : i32
    %dma_start3A_42 = tpu.memref_slice %arg3[%add3A_40, %dma_start3A_41] : memref<154880x128xf32, #tpu.memory_space<hbm>> -> memref<88x128xf32, #tpu.memory_space<hbm>>
    %dma_start3A_43 = arith.constant 0 : i32
    %dma_start3A_44 = tpu.memref_slice %arg3[%add3A_40, %dma_start3A_43] : memref<154880x128xf32, #tpu.memory_space<hbm>> -> memref<88x128xf32, #tpu.memory_space<hbm>>
    tpu.enqueue_dma source(%dma_start3A_44 : memref<88x128xf32, #tpu.memory_space<hbm>>) target(%arg13 : memref<88x128xf32, #tpu.memory_space<vmem>>) target_semaphore(%arg18 : memref<!tpu.dma_semaphore, #tpu.memory_space<semaphore_mem>>)
    %dma_wait3A_45 = arith.constant 0 : i32
    %dma_wait3A_46 = tpu.memref_slice %arg4[%dma_wait3A_45] : memref<154880xi32, #tpu.memory_space<hbm>> -> memref<88xi32, #tpu.memory_space<hbm>>
    %dma_wait3A_47 = arith.constant 0 : i32
    %dma_wait3A_48 = tpu.memref_slice %arg4[%dma_wait3A_47] : memref<154880xi32, #tpu.memory_space<hbm>> -> memref<88xi32, #tpu.memory_space<hbm>>
    tpu.wait_dma2 semaphore(%arg21 : memref<!tpu.dma_semaphore, #tpu.memory_space<semaphore_mem>>) src(%dma_wait3A_48 : memref<88xi32, #tpu.memory_space<hbm>>) dst(%arg8 : memref<88xi32, #tpu.memory_space<vmem>>)
    %dma_start3A_49 = arith.constant 0 : i32
    %dma_start3A_50 = arith.constant 0 : i32
    %dma_start3A_51 = tpu.memref_slice %arg2[%dma_start3A_49, %dma_start3A_50] : memref<10000x128xf32, #tpu.memory_space<hbm>> -> memref<10000x128xf32, #tpu.memory_space<hbm>>
    tpu.enqueue_indirect_dma source(%dma_start3A_51 : memref<10000x128xf32, #tpu.memory_space<hbm>>) target(%arg12 : memref<88x128xf32, #tpu.memory_space<vmem>>) offsets(%arg8 : memref<88xi32, #tpu.memory_space<vmem>>) semaphore(%arg17 : memref<!tpu.dma_semaphore, #tpu.memory_space<semaphore_mem>>)
    %add3A_52 = arith.constant 88 : i32
    %add3A_53 = arith.addi %mul3A_2, %add3A_52 : i32
    %dma_start3A_54 = arith.constant 0 : i32
    %dma_start3A_55 = tpu.memref_slice %arg3[%add3A_53, %dma_start3A_54] : memref<154880x128xf32, #tpu.memory_space<hbm>> -> memref<88x128xf32, #tpu.memory_space<hbm>>
    %dma_start3A_56 = arith.constant 0 : i32
    %dma_start3A_57 = tpu.memref_slice %arg3[%add3A_53, %dma_start3A_56] : memref<154880x128xf32, #tpu.memory_space<hbm>> -> memref<88x128xf32, #tpu.memory_space<hbm>>
    tpu.enqueue_dma source(%dma_start3A_57 : memref<88x128xf32, #tpu.memory_space<hbm>>) target(%arg14 : memref<88x128xf32, #tpu.memory_space<vmem>>) target_semaphore(%arg19 : memref<!tpu.dma_semaphore, #tpu.memory_space<semaphore_mem>>)
    %scan3A_58 = arith.constant 0 : i32
    %scan3A_59 = arith.constant 27 : i32
    %scan3A_60 = arith.addi %scan3A_58, %scan3A_59 : i32
    %scan3A_61 = arith.constant 1 : i32
    scf.for %scan3A_110 = %scan3A_58 to %scan3A_60 step %scan3A_61  : i32 {
      %mul3A_111 = arith.constant 2 : i32
      %mul3A_112 = arith.muli %scan3A_110, %mul3A_111 : i32
      %add3A_113 = arith.constant 0 : i32
      %add3A_114 = arith.addi %add3A_113, %mul3A_112 : i32
      %add3A_115 = arith.constant 0 : i32
      %add3A_116 = arith.addi %add3A_114, %add3A_115 : i32
      %add3A_117 = arith.constant 2 : i32
      %add3A_118 = arith.addi %add3A_116, %add3A_117 : i32
      %min3A = arith.constant 54 : i32
      %min3A_119 = arith.minsi %add3A_118, %min3A : i32
      %dma_wait3A_120 = arith.constant 0 : i32
      %dma_wait3A_121 = arith.constant 0 : i32
      %dma_wait3A_122 = tpu.memref_slice %arg2[%dma_wait3A_120, %dma_wait3A_121] : memref<10000x128xf32, #tpu.memory_space<hbm>> -> memref<88x128xf32, #tpu.memory_space<hbm>>
      %dma_wait3A_123 = arith.constant 0 : i32
      %dma_wait3A_124 = arith.constant 0 : i32
      %dma_wait3A_125 = tpu.memref_slice %arg2[%dma_wait3A_123, %dma_wait3A_124] : memref<10000x128xf32, #tpu.memory_space<hbm>> -> memref<88x128xf32, #tpu.memory_space<hbm>>
      tpu.wait_dma2 semaphore(%arg16 : memref<!tpu.dma_semaphore, #tpu.memory_space<semaphore_mem>>) src(%dma_wait3A_125 : memref<88x128xf32, #tpu.memory_space<hbm>>) dst(%arg11 : memref<88x128xf32, #tpu.memory_space<vmem>>)
      %dma_wait3A_126 = arith.constant 0 : i32
      %dma_wait3A_127 = arith.constant 0 : i32
      %dma_wait3A_128 = tpu.memref_slice %arg3[%dma_wait3A_126, %dma_wait3A_127] : memref<154880x128xf32, #tpu.memory_space<hbm>> -> memref<88x128xf32, #tpu.memory_space<hbm>>
      %dma_wait3A_129 = arith.constant 0 : i32
      %dma_wait3A_130 = arith.constant 0 : i32
      %dma_wait3A_131 = tpu.memref_slice %arg3[%dma_wait3A_129, %dma_wait3A_130] : memref<154880x128xf32, #tpu.memory_space<hbm>> -> memref<88x128xf32, #tpu.memory_space<hbm>>
      tpu.wait_dma2 semaphore(%arg18 : memref<!tpu.dma_semaphore, #tpu.memory_space<semaphore_mem>>) src(%dma_wait3A_131 : memref<88x128xf32, #tpu.memory_space<hbm>>) dst(%arg13 : memref<88x128xf32, #tpu.memory_space<vmem>>)
      %mul3A_132 = arith.constant 88 : i32
      %mul3A_133 = arith.muli %min3A_119, %mul3A_132 : i32
      %add3A_134 = arith.addi %mul3A_2, %mul3A_133 : i32
      %dma_start3A_135 = tpu.memref_slice %arg4[%add3A_134] : memref<154880xi32, #tpu.memory_space<hbm>> -> memref<88xi32, #tpu.memory_space<hbm>>
      %dma_start3A_136 = tpu.memref_slice %arg4[%add3A_134] : memref<154880xi32, #tpu.memory_space<hbm>> -> memref<88xi32, #tpu.memory_space<hbm>>
      tpu.enqueue_dma source(%dma_start3A_136 : memref<88xi32, #tpu.memory_space<hbm>>) target(%arg7 : memref<88xi32, #tpu.memory_space<vmem>>) target_semaphore(%arg20 : memref<!tpu.dma_semaphore, #tpu.memory_space<semaphore_mem>>)
      %scan3A_137 = arith.constant 0 : i32
      %scan3A_138 = arith.constant 88 : i32
      %scan3A_139 = arith.addi %scan3A_137, %scan3A_138 : i32
      %scan3A_140 = arith.constant 1 : i32
      scf.for %scan3A_216 = %scan3A_137 to %scan3A_139 step %scan3A_140  : i32 {
        %mul3A_217 = arith.constant 1 : i32
        %mul3A_218 = arith.muli %scan3A_216, %mul3A_217 : i32
        %add3A_219 = arith.constant 0 : i32
        %add3A_220 = arith.addi %add3A_219, %mul3A_218 : i32
        %get3A = arith.index_cast %add3A_220 : i32 to index
        %get3A_221 = arith.constant 0 : index
        %get3A_222 = tpu.vector_load %arg11[%get3A, %get3A_221] {strides = array<i32>} : memref<88x128xf32, #tpu.memory_space<vmem>>, vector<1x16xf32>,
        %get3A_223 = vector.shape_cast %get3A_222 : vector<1x16xf32> to vector<16xf32>
        %get3A_224 = arith.index_cast %add3A_220 : i32 to index
        %get3A_225 = arith.constant 0 : index
        %get3A_226 = tpu.vector_load %arg13[%get3A_224, %get3A_225] {strides = array<i32>} : memref<88x128xf32, #tpu.memory_space<vmem>>, vector<1x16xf32>,
        %get3A_227 = vector.shape_cast %get3A_226 : vector<1x16xf32> to vector<16xf32>
        %mul3A_228 = arith.mulf %get3A_223, %get3A_227 : vector<16xf32>
        %swap3A = arith.index_cast %add3A_220 : i32 to index
        %swap3A_229 = arith.constant 0 : index
        %swap3A_230 = tpu.vector_load %arg11[%swap3A, %swap3A_229] {strides = array<i32>} : memref<88x128xf32, #tpu.memory_space<vmem>>, vector<1x16xf32>,
        %swap3A_231 = vector.shape_cast %swap3A_230 : vector<1x16xf32> to vector<16xf32>
        %swap3A_232 = vector.shape_cast %mul3A_228 : vector<16xf32> to vector<1x16xf32>
        tpu.vector_store %arg11[%swap3A, %swap3A_229], %swap3A_232 {strides = array<i32>} : memref<88x128xf32, #tpu.memory_space<vmem>>, vector<1x16xf32>,
        %get3A_233 = arith.index_cast %add3A_220 : i32 to index
        %get3A_234 = arith.constant 16 : index
        %get3A_235 = tpu.vector_load %arg11[%get3A_233, %get3A_234] {strides = array<i32>} : memref<88x128xf32, #tpu.memory_space<vmem>>, vector<1x16xf32>,
        %get3A_236 = vector.shape_cast %get3A_235 : vector<1x16xf32> to vector<16xf32>
        %get3A_237 = arith.index_cast %add3A_220 : i32 to index
        %get3A_238 = arith.constant 16 : index
        %get3A_239 = tpu.vector_load %arg13[%get3A_237, %get3A_238] {strides = array<i32>} : memref<88x128xf32, #tpu.memory_space<vmem>>, vector<1x16xf32>,
        %get3A_240 = vector.shape_cast %get3A_239 : vector<1x16xf32> to vector<16xf32>
        %mul3A_241 = arith.mulf %get3A_236, %get3A_240 : vector<16xf32>
        %swap3A_242 = arith.index_cast %add3A_220 : i32 to index
        %swap3A_243 = arith.constant 16 : index
        %swap3A_244 = tpu.vector_load %arg11[%swap3A_242, %swap3A_243] {strides = array<i32>} : memref<88x128xf32, #tpu.memory_space<vmem>>, vector<1x16xf32>,
        %swap3A_245 = vector.shape_cast %swap3A_244 : vector<1x16xf32> to vector<16xf32>
        %swap3A_246 = vector.shape_cast %mul3A_241 : vector<16xf32> to vector<1x16xf32>
        tpu.vector_store %arg11[%swap3A_242, %swap3A_243], %swap3A_246 {strides = array<i32>} : memref<88x128xf32, #tpu.memory_space<vmem>>, vector<1x16xf32>,
        %get3A_247 = arith.index_cast %add3A_220 : i32 to index
        %get3A_248 = arith.constant 32 : index
        %get3A_249 = tpu.vector_load %arg11[%get3A_247, %get3A_248] {strides = array<i32>} : memref<88x128xf32, #tpu.memory_space<vmem>>, vector<1x16xf32>,
        %get3A_250 = vector.shape_cast %get3A_249 : vector<1x16xf32> to vector<16xf32>
        %get3A_251 = arith.index_cast %add3A_220 : i32 to index
        %get3A_252 = arith.constant 32 : index
        %get3A_253 = tpu.vector_load %arg13[%get3A_251, %get3A_252] {strides = array<i32>} : memref<88x128xf32, #tpu.memory_space<vmem>>, vector<1x16xf32>,
        %get3A_254 = vector.shape_cast %get3A_253 : vector<1x16xf32> to vector<16xf32>
        %mul3A_255 = arith.mulf %get3A_250, %get3A_254 : vector<16xf32>
        %swap3A_256 = arith.index_cast %add3A_220 : i32 to index
        %swap3A_257 = arith.constant 32 : index
        %swap3A_258 = tpu.vector_load %arg11[%swap3A_256, %swap3A_257] {strides = array<i32>} : memref<88x128xf32, #tpu.memory_space<vmem>>, vector<1x16xf32>,
        %swap3A_259 = vector.shape_cast %swap3A_258 : vector<1x16xf32> to vector<16xf32>
        %swap3A_260 = vector.shape_cast %mul3A_255 : vector<16xf32> to vector<1x16xf32>
        tpu.vector_store %arg11[%swap3A_256, %swap3A_257], %swap3A_260 {strides = array<i32>} : memref<88x128xf32, #tpu.memory_space<vmem>>, vector<1x16xf32>,
        %get3A_261 = arith.index_cast %add3A_220 : i32 to index
        %get3A_262 = arith.constant 48 : index
        %get3A_263 = tpu.vector_load %arg11[%get3A_261, %get3A_262] {strides = array<i32>} : memref<88x128xf32, #tpu.memory_space<vmem>>, vector<1x16xf32>,
        %get3A_264 = vector.shape_cast %get3A_263 : vector<1x16xf32> to vector<16xf32>
        %get3A_265 = arith.index_cast %add3A_220 : i32 to index
        %get3A_266 = arith.constant 48 : index
        %get3A_267 = tpu.vector_load %arg13[%get3A_265, %get3A_266] {strides = array<i32>} : memref<88x128xf32, #tpu.memory_space<vmem>>, vector<1x16xf32>,
        %get3A_268 = vector.shape_cast %get3A_267 : vector<1x16xf32> to vector<16xf32>
        %mul3A_269 = arith.mulf %get3A_264, %get3A_268 : vector<16xf32>
        %swap3A_270 = arith.index_cast %add3A_220 : i32 to index
        %swap3A_271 = arith.constant 48 : index
        %swap3A_272 = tpu.vector_load %arg11[%swap3A_270, %swap3A_271] {strides = array<i32>} : memref<88x128xf32, #tpu.memory_space<vmem>>, vector<1x16xf32>,
        %swap3A_273 = vector.shape_cast %swap3A_272 : vector<1x16xf32> to vector<16xf32>
        %swap3A_274 = vector.shape_cast %mul3A_269 : vector<16xf32> to vector<1x16xf32>
        tpu.vector_store %arg11[%swap3A_270, %swap3A_271], %swap3A_274 {strides = array<i32>} : memref<88x128xf32, #tpu.memory_space<vmem>>, vector<1x16xf32>,
        %get3A_275 = arith.index_cast %add3A_220 : i32 to index
        %get3A_276 = arith.constant 64 : index
        %get3A_277 = tpu.vector_load %arg11[%get3A_275, %get3A_276] {strides = array<i32>} : memref<88x128xf32, #tpu.memory_space<vmem>>, vector<1x16xf32>,
        %get3A_278 = vector.shape_cast %get3A_277 : vector<1x16xf32> to vector<16xf32>
        %get3A_279 = arith.index_cast %add3A_220 : i32 to index
        %get3A_280 = arith.constant 64 : index
        %get3A_281 = tpu.vector_load %arg13[%get3A_279, %get3A_280] {strides = array<i32>} : memref<88x128xf32, #tpu.memory_space<vmem>>, vector<1x16xf32>,
        %get3A_282 = vector.shape_cast %get3A_281 : vector<1x16xf32> to vector<16xf32>
        %mul3A_283 = arith.mulf %get3A_278, %get3A_282 : vector<16xf32>
        %swap3A_284 = arith.index_cast %add3A_220 : i32 to index
        %swap3A_285 = arith.constant 64 : index
        %swap3A_286 = tpu.vector_load %arg11[%swap3A_284, %swap3A_285] {strides = array<i32>} : memref<88x128xf32, #tpu.memory_space<vmem>>, vector<1x16xf32>,
        %swap3A_287 = vector.shape_cast %swap3A_286 : vector<1x16xf32> to vector<16xf32>
        %swap3A_288 = vector.shape_cast %mul3A_283 : vector<16xf32> to vector<1x16xf32>
        tpu.vector_store %arg11[%swap3A_284, %swap3A_285], %swap3A_288 {strides = array<i32>} : memref<88x128xf32, #tpu.memory_space<vmem>>, vector<1x16xf32>,
        %get3A_289 = arith.index_cast %add3A_220 : i32 to index
        %get3A_290 = arith.constant 80 : index
        %get3A_291 = tpu.vector_load %arg11[%get3A_289, %get3A_290] {strides = array<i32>} : memref<88x128xf32, #tpu.memory_space<vmem>>, vector<1x16xf32>,
        %get3A_292 = vector.shape_cast %get3A_291 : vector<1x16xf32> to vector<16xf32>
        %get3A_293 = arith.index_cast %add3A_220 : i32 to index
        %get3A_294 = arith.constant 80 : index
        %get3A_295 = tpu.vector_load %arg13[%get3A_293, %get3A_294] {strides = array<i32>} : memref<88x128xf32, #tpu.memory_space<vmem>>, vector<1x16xf32>,
        %get3A_296 = vector.shape_cast %get3A_295 : vector<1x16xf32> to vector<16xf32>
        %mul3A_297 = arith.mulf %get3A_292, %get3A_296 : vector<16xf32>
        %swap3A_298 = arith.index_cast %add3A_220 : i32 to index
        %swap3A_299 = arith.constant 80 : index
        %swap3A_300 = tpu.vector_load %arg11[%swap3A_298, %swap3A_299] {strides = array<i32>} : memref<88x128xf32, #tpu.memory_space<vmem>>, vector<1x16xf32>,
        %swap3A_301 = vector.shape_cast %swap3A_300 : vector<1x16xf32> to vector<16xf32>
        %swap3A_302 = vector.shape_cast %mul3A_297 : vector<16xf32> to vector<1x16xf32>
        tpu.vector_store %arg11[%swap3A_298, %swap3A_299], %swap3A_302 {strides = array<i32>} : memref<88x128xf32, #tpu.memory_space<vmem>>, vector<1x16xf32>,
        %get3A_303 = arith.index_cast %add3A_220 : i32 to index
        %get3A_304 = arith.constant 96 : index
        %get3A_305 = tpu.vector_load %arg11[%get3A_303, %get3A_304] {strides = array<i32>} : memref<88x128xf32, #tpu.memory_space<vmem>>, vector<1x16xf32>,
        %get3A_306 = vector.shape_cast %get3A_305 : vector<1x16xf32> to vector<16xf32>
        %get3A_307 = arith.index_cast %add3A_220 : i32 to index
        %get3A_308 = arith.constant 96 : index
        %get3A_309 = tpu.vector_load %arg13[%get3A_307, %get3A_308] {strides = array<i32>} : memref<88x128xf32, #tpu.memory_space<vmem>>, vector<1x16xf32>,
        %get3A_310 = vector.shape_cast %get3A_309 : vector<1x16xf32> to vector<16xf32>
        %mul3A_311 = arith.mulf %get3A_306, %get3A_310 : vector<16xf32>
        %swap3A_312 = arith.index_cast %add3A_220 : i32 to index
        %swap3A_313 = arith.constant 96 : index
        %swap3A_314 = tpu.vector_load %arg11[%swap3A_312, %swap3A_313] {strides = array<i32>} : memref<88x128xf32, #tpu.memory_space<vmem>>, vector<1x16xf32>,
        %swap3A_315 = vector.shape_cast %swap3A_314 : vector<1x16xf32> to vector<16xf32>
        %swap3A_316 = vector.shape_cast %mul3A_311 : vector<16xf32> to vector<1x16xf32>
        tpu.vector_store %arg11[%swap3A_312, %swap3A_313], %swap3A_316 {strides = array<i32>} : memref<88x128xf32, #tpu.memory_space<vmem>>, vector<1x16xf32>,
        %get3A_317 = arith.index_cast %add3A_220 : i32 to index
        %get3A_318 = arith.constant 112 : index
        %get3A_319 = tpu.vector_load %arg11[%get3A_317, %get3A_318] {strides = array<i32>} : memref<88x128xf32, #tpu.memory_space<vmem>>, vector<1x16xf32>,
        %get3A_320 = vector.shape_cast %get3A_319 : vector<1x16xf32> to vector<16xf32>
        %get3A_321 = arith.index_cast %add3A_220 : i32 to index
        %get3A_322 = arith.constant 112 : index
        %get3A_323 = tpu.vector_load %arg13[%get3A_321, %get3A_322] {strides = array<i32>} : memref<88x128xf32, #tpu.memory_space<vmem>>, vector<1x16xf32>,
        %get3A_324 = vector.shape_cast %get3A_323 : vector<1x16xf32> to vector<16xf32>
        %mul3A_325 = arith.mulf %get3A_320, %get3A_324 : vector<16xf32>
        %swap3A_326 = arith.index_cast %add3A_220 : i32 to index
        %swap3A_327 = arith.constant 112 : index
        %swap3A_328 = tpu.vector_load %arg11[%swap3A_326, %swap3A_327] {strides = array<i32>} : memref<88x128xf32, #tpu.memory_space<vmem>>, vector<1x16xf32>,
        %swap3A_329 = vector.shape_cast %swap3A_328 : vector<1x16xf32> to vector<16xf32>
        %swap3A_330 = vector.shape_cast %mul3A_325 : vector<16xf32> to vector<1x16xf32>
        tpu.vector_store %arg11[%swap3A_326, %swap3A_327], %swap3A_330 {strides = array<i32>} : memref<88x128xf32, #tpu.memory_space<vmem>>, vector<1x16xf32>,
      }
      %scan3A_141 = arith.constant 88 : i32
      %dma_wait3A_142 = arith.constant 0 : i32
      %dma_wait3A_143 = tpu.memref_slice %arg5[%dma_wait3A_142] : memref<154880xi32, #tpu.memory_space<hbm>> -> memref<88xi32, #tpu.memory_space<hbm>>
      %dma_wait3A_144 = arith.constant 0 : i32
      %dma_wait3A_145 = tpu.memref_slice %arg5[%dma_wait3A_144] : memref<154880xi32, #tpu.memory_space<hbm>> -> memref<88xi32, #tpu.memory_space<hbm>>
      tpu.wait_dma2 semaphore(%arg22 : memref<!tpu.dma_semaphore, #tpu.memory_space<semaphore_mem>>) src(%dma_wait3A_145 : memref<88xi32, #tpu.memory_space<hbm>>) dst(%arg9 : memref<88xi32, #tpu.memory_space<vmem>>)
      "tpu.region"() ({
        %run_scoped3A = tpu.sem_alloc : memref<!tpu.dma_semaphore, #tpu.memory_space<semaphore_mem>>
        %dma_start3A_216 = arith.constant 0 : i32
        %dma_start3A_217 = arith.constant 0 : i32
        %dma_start3A_218 = tpu.memref_slice %arg15[%dma_start3A_216, %dma_start3A_217] : memref<10000x128xf32, #tpu.memory_space<vmem_shared>> -> memref<10000x128xf32, #tpu.memory_space<vmem_shared>>
        tpu.enqueue_indirect_dma source(%arg11 : memref<88x128xf32, #tpu.memory_space<vmem>>) target(%dma_start3A_218 : memref<10000x128xf32, #tpu.memory_space<vmem_shared>>) offsets(%arg9 : memref<88xi32, #tpu.memory_space<vmem>>) semaphore(%run_scoped3A : memref<!tpu.dma_semaphore, #tpu.memory_space<semaphore_mem>>) {add = true}
        %dma_wait3A_219 = arith.constant 0 : i32
        %dma_wait3A_220 = arith.constant 0 : i32
        %dma_wait3A_221 = tpu.memref_slice %arg15[%dma_wait3A_219, %dma_wait3A_220] : memref<10000x128xf32, #tpu.memory_space<vmem_shared>> -> memref<10000x128xf32, #tpu.memory_space<vmem_shared>>
        tpu.wait_indirect_dma semaphore(%run_scoped3A : memref<!tpu.dma_semaphore, #tpu.memory_space<semaphore_mem>>) src(%arg11 : memref<88x128xf32, #tpu.memory_space<vmem>>) dst(%dma_wait3A_221 : memref<10000x128xf32, #tpu.memory_space<vmem_shared>>)
        tpu.yield
      }) : () -> ()
      %mul3A_146 = arith.constant 88 : i32
      %mul3A_147 = arith.muli %min3A_119, %mul3A_146 : i32
      %add3A_148 = arith.addi %mul3A_2, %mul3A_147 : i32
      %dma_start3A_149 = tpu.memref_slice %arg5[%add3A_148] : memref<154880xi32, #tpu.memory_space<hbm>> -> memref<88xi32, #tpu.memory_space<hbm>>
      %dma_start3A_150 = tpu.memref_slice %arg5[%add3A_148] : memref<154880xi32, #tpu.memory_space<hbm>> -> memref<88xi32, #tpu.memory_space<hbm>>
      tpu.enqueue_dma source(%dma_start3A_150 : memref<88xi32, #tpu.memory_space<hbm>>) target(%arg9 : memref<88xi32, #tpu.memory_space<vmem>>) target_semaphore(%arg22 : memref<!tpu.dma_semaphore, #tpu.memory_space<semaphore_mem>>)
      %dma_wait3A_151 = arith.constant 0 : i32
      %dma_wait3A_152 = tpu.memref_slice %arg4[%dma_wait3A_151] : memref<154880xi32, #tpu.memory_space<hbm>> -> memref<88xi32, #tpu.memory_space<hbm>>
      %dma_wait3A_153 = arith.constant 0 : i32
      %dma_wait3A_154 = tpu.memref_slice %arg4[%dma_wait3A_153] : memref<154880xi32, #tpu.memory_space<hbm>> -> memref<88xi32, #tpu.memory_space<hbm>>
      tpu.wait_dma2 semaphore(%arg20 : memref<!tpu.dma_semaphore, #tpu.memory_space<semaphore_mem>>) src(%dma_wait3A_154 : memref<88xi32, #tpu.memory_space<hbm>>) dst(%arg7 : memref<88xi32, #tpu.memory_space<vmem>>)
      %dma_start3A_155 = arith.constant 0 : i32
      %dma_start3A_156 = arith.constant 0 : i32
      %dma_start3A_157 = tpu.memref_slice %arg2[%dma_start3A_155, %dma_start3A_156] : memref<10000x128xf32, #tpu.memory_space<hbm>> -> memref<10000x128xf32, #tpu.memory_space<hbm>>
      tpu.enqueue_indirect_dma source(%dma_start3A_157 : memref<10000x128xf32, #tpu.memory_space<hbm>>) target(%arg11 : memref<88x128xf32, #tpu.memory_space<vmem>>) offsets(%arg7 : memref<88xi32, #tpu.memory_space<vmem>>) semaphore(%arg16 : memref<!tpu.dma_semaphore, #tpu.memory_space<semaphore_mem>>)
      %mul3A_158 = arith.constant 88 : i32
      %mul3A_159 = arith.muli %min3A_119, %mul3A_158 : i32
      %add3A_160 = arith.addi %mul3A_2, %mul3A_159 : i32
      %dma_start3A_161 = arith.constant 0 : i32
      %dma_start3A_162 = tpu.memref_slice %arg3[%add3A_160, %dma_start3A_161] : memref<154880x128xf32, #tpu.memory_space<hbm>> -> memref<88x128xf32, #tpu.memory_space<hbm>>
      %dma_start3A_163 = arith.constant 0 : i32
      %dma_start3A_164 = tpu.memref_slice %arg3[%add3A_160, %dma_start3A_163] : memref<154880x128xf32, #tpu.memory_space<hbm>> -> memref<88x128xf32, #tpu.memory_space<hbm>>
      tpu.enqueue_dma source(%dma_start3A_164 : memref<88x128xf32, #tpu.memory_space<hbm>>) target(%arg13 : memref<88x128xf32, #tpu.memory_space<vmem>>) target_semaphore(%arg18 : memref<!tpu.dma_semaphore, #tpu.memory_space<semaphore_mem>>)
      %add3A_165 = arith.constant 1 : i32
      %add3A_166 = arith.addi %add3A_114, %add3A_165 : i32
      %add3A_167 = arith.constant 2 : i32
      %add3A_168 = arith.addi %add3A_166, %add3A_167 : i32
      %min3A_169 = arith.constant 54 : i32
      %min3A_170 = arith.minsi %add3A_168, %min3A_169 : i32
      %dma_wait3A_171 = arith.constant 0 : i32
      %dma_wait3A_172 = arith.constant 0 : i32
      %dma_wait3A_173 = tpu.memref_slice %arg2[%dma_wait3A_171, %dma_wait3A_172] : memref<10000x128xf32, #tpu.memory_space<hbm>> -> memref<88x128xf32, #tpu.memory_space<hbm>>
      %dma_wait3A_174 = arith.constant 0 : i32
      %dma_wait3A_175 = arith.constant 0 : i32
      %dma_wait3A_176 = tpu.memref_slice %arg2[%dma_wait3A_174, %dma_wait3A_175] : memref<10000x128xf32, #tpu.memory_space<hbm>> -> memref<88x128xf32, #tpu.memory_space<hbm>>
      tpu.wait_dma2 semaphore(%arg17 : memref<!tpu.dma_semaphore, #tpu.memory_space<semaphore_mem>>) src(%dma_wait3A_176 : memref<88x128xf32, #tpu.memory_space<hbm>>) dst(%arg12 : memref<88x128xf32, #tpu.memory_space<vmem>>)
      %dma_wait3A_177 = arith.constant 0 : i32
      %dma_wait3A_178 = arith.constant 0 : i32
      %dma_wait3A_179 = tpu.memref_slice %arg3[%dma_wait3A_177, %dma_wait3A_178] : memref<154880x128xf32, #tpu.memory_space<hbm>> -> memref<88x128xf32, #tpu.memory_space<hbm>>
      %dma_wait3A_180 = arith.constant 0 : i32
      %dma_wait3A_181 = arith.constant 0 : i32
      %dma_wait3A_182 = tpu.memref_slice %arg3[%dma_wait3A_180, %dma_wait3A_181] : memref<154880x128xf32, #tpu.memory_space<hbm>> -> memref<88x128xf32, #tpu.memory_space<hbm>>
      tpu.wait_dma2 semaphore(%arg19 : memref<!tpu.dma_semaphore, #tpu.memory_space<semaphore_mem>>) src(%dma_wait3A_182 : memref<88x128xf32, #tpu.memory_space<hbm>>) dst(%arg14 : memref<88x128xf32, #tpu.memory_space<vmem>>)
      %mul3A_183 = arith.constant 88 : i32
      %mul3A_184 = arith.muli %min3A_170, %mul3A_183 : i32
      %add3A_185 = arith.addi %mul3A_2, %mul3A_184 : i32
      %dma_start3A_186 = tpu.memref_slice %arg4[%add3A_185] : memref<154880xi32, #tpu.memory_space<hbm>> -> memref<88xi32, #tpu.memory_space<hbm>>
      %dma_start3A_187 = tpu.memref_slice %arg4[%add3A_185] : memref<154880xi32, #tpu.memory_space<hbm>> -> memref<88xi32, #tpu.memory_space<hbm>>
      tpu.enqueue_dma source(%dma_start3A_187 : memref<88xi32, #tpu.memory_space<hbm>>) target(%arg8 : memref<88xi32, #tpu.memory_space<vmem>>) target_semaphore(%arg21 : memref<!tpu.dma_semaphore, #tpu.memory_space<semaphore_mem>>)
      %scan3A_188 = arith.constant 0 : i32
      %scan3A_189 = arith.constant 88 : i32
      %scan3A_190 = arith.addi %scan3A_188, %scan3A_189 : i32
      %scan3A_191 = arith.constant 1 : i32
      scf.for %scan3A_216 = %scan3A_188 to %scan3A_190 step %scan3A_191  : i32 {
        %mul3A_217 = arith.constant 1 : i32
        %mul3A_218 = arith.muli %scan3A_216, %mul3A_217 : i32
        %add3A_219 = arith.constant 0 : i32
        %add3A_220 = arith.addi %add3A_219, %mul3A_218 : i32
        %get3A = arith.index_cast %add3A_220 : i32 to index
        %get3A_221 = arith.constant 0 : index
        %get3A_222 = tpu.vector_load %arg12[%get3A, %get3A_221] {strides = array<i32>} : memref<88x128xf32, #tpu.memory_space<vmem>>, vector<1x16xf32>,
        %get3A_223 = vector.shape_cast %get3A_222 : vector<1x16xf32> to vector<16xf32>
        %get3A_224 = arith.index_cast %add3A_220 : i32 to index
        %get3A_225 = arith.constant 0 : index
        %get3A_226 = tpu.vector_load %arg14[%get3A_224, %get3A_225] {strides = array<i32>} : memref<88x128xf32, #tpu.memory_space<vmem>>, vector<1x16xf32>,
        %get3A_227 = vector.shape_cast %get3A_226 : vector<1x16xf32> to vector<16xf32>
        %mul3A_228 = arith.mulf %get3A_223, %get3A_227 : vector<16xf32>
        %swap3A = arith.index_cast %add3A_220 : i32 to index
        %swap3A_229 = arith.constant 0 : index
        %swap3A_230 = tpu.vector_load %arg12[%swap3A, %swap3A_229] {strides = array<i32>} : memref<88x128xf32, #tpu.memory_space<vmem>>, vector<1x16xf32>,
        %swap3A_231 = vector.shape_cast %swap3A_230 : vector<1x16xf32> to vector<16xf32>
        %swap3A_232 = vector.shape_cast %mul3A_228 : vector<16xf32> to vector<1x16xf32>
        tpu.vector_store %arg12[%swap3A, %swap3A_229], %swap3A_232 {strides = array<i32>} : memref<88x128xf32, #tpu.memory_space<vmem>>, vector<1x16xf32>,
        %get3A_233 = arith.index_cast %add3A_220 : i32 to index
        %get3A_234 = arith.constant 16 : index
        %get3A_235 = tpu.vector_load %arg12[%get3A_233, %get3A_234] {strides = array<i32>} : memref<88x128xf32, #tpu.memory_space<vmem>>, vector<1x16xf32>,
        %get3A_236 = vector.shape_cast %get3A_235 : vector<1x16xf32> to vector<16xf32>
        %get3A_237 = arith.index_cast %add3A_220 : i32 to index
        %get3A_238 = arith.constant 16 : index
        %get3A_239 = tpu.vector_load %arg14[%get3A_237, %get3A_238] {strides = array<i32>} : memref<88x128xf32, #tpu.memory_space<vmem>>, vector<1x16xf32>,
        %get3A_240 = vector.shape_cast %get3A_239 : vector<1x16xf32> to vector<16xf32>
        %mul3A_241 = arith.mulf %get3A_236, %get3A_240 : vector<16xf32>
        %swap3A_242 = arith.index_cast %add3A_220 : i32 to index
        %swap3A_243 = arith.constant 16 : index
        %swap3A_244 = tpu.vector_load %arg12[%swap3A_242, %swap3A_243] {strides = array<i32>} : memref<88x128xf32, #tpu.memory_space<vmem>>, vector<1x16xf32>,
        %swap3A_245 = vector.shape_cast %swap3A_244 : vector<1x16xf32> to vector<16xf32>
        %swap3A_246 = vector.shape_cast %mul3A_241 : vector<16xf32> to vector<1x16xf32>
        tpu.vector_store %arg12[%swap3A_242, %swap3A_243], %swap3A_246 {strides = array<i32>} : memref<88x128xf32, #tpu.memory_space<vmem>>, vector<1x16xf32>,
        %get3A_247 = arith.index_cast %add3A_220 : i32 to index
        %get3A_248 = arith.constant 32 : index
        %get3A_249 = tpu.vector_load %arg12[%get3A_247, %get3A_248] {strides = array<i32>} : memref<88x128xf32, #tpu.memory_space<vmem>>, vector<1x16xf32>,
        %get3A_250 = vector.shape_cast %get3A_249 : vector<1x16xf32> to vector<16xf32>
        %get3A_251 = arith.index_cast %add3A_220 : i32 to index
        %get3A_252 = arith.constant 32 : index
        %get3A_253 = tpu.vector_load %arg14[%get3A_251, %get3A_252] {strides = array<i32>} : memref<88x128xf32, #tpu.memory_space<vmem>>, vector<1x16xf32>,
        %get3A_254 = vector.shape_cast %get3A_253 : vector<1x16xf32> to vector<16xf32>
        %mul3A_255 = arith.mulf %get3A_250, %get3A_254 : vector<16xf32>
        %swap3A_256 = arith.index_cast %add3A_220 : i32 to index
        %swap3A_257 = arith.constant 32 : index
        %swap3A_258 = tpu.vector_load %arg12[%swap3A_256, %swap3A_257] {strides = array<i32>} : memref<88x128xf32, #tpu.memory_space<vmem>>, vector<1x16xf32>,
        %swap3A_259 = vector.shape_cast %swap3A_258 : vector<1x16xf32> to vector<16xf32>
        %swap3A_260 = vector.shape_cast %mul3A_255 : vector<16xf32> to vector<1x16xf32>
        tpu.vector_store %arg12[%swap3A_256, %swap3A_257], %swap3A_260 {strides = array<i32>} : memref<88x128xf32, #tpu.memory_space<vmem>>, vector<1x16xf32>,
        %get3A_261 = arith.index_cast %add3A_220 : i32 to index
        %get3A_262 = arith.constant 48 : index
        %get3A_263 = tpu.vector_load %arg12[%get3A_261, %get3A_262] {strides = array<i32>} : memref<88x128xf32, #tpu.memory_space<vmem>>, vector<1x16xf32>,
        %get3A_264 = vector.shape_cast %get3A_263 : vector<1x16xf32> to vector<16xf32>
        %get3A_265 = arith.index_cast %add3A_220 : i32 to index
        %get3A_266 = arith.constant 48 : index
        %get3A_267 = tpu.vector_load %arg14[%get3A_265, %get3A_266] {strides = array<i32>} : memref<88x128xf32, #tpu.memory_space<vmem>>, vector<1x16xf32>,
        %get3A_268 = vector.shape_cast %get3A_267 : vector<1x16xf32> to vector<16xf32>
        %mul3A_269 = arith.mulf %get3A_264, %get3A_268 : vector<16xf32>
        %swap3A_270 = arith.index_cast %add3A_220 : i32 to index
        %swap3A_271 = arith.constant 48 : index
        %swap3A_272 = tpu.vector_load %arg12[%swap3A_270, %swap3A_271] {strides = array<i32>} : memref<88x128xf32, #tpu.memory_space<vmem>>, vector<1x16xf32>,
        %swap3A_273 = vector.shape_cast %swap3A_272 : vector<1x16xf32> to vector<16xf32>
        %swap3A_274 = vector.shape_cast %mul3A_269 : vector<16xf32> to vector<1x16xf32>
        tpu.vector_store %arg12[%swap3A_270, %swap3A_271], %swap3A_274 {strides = array<i32>} : memref<88x128xf32, #tpu.memory_space<vmem>>, vector<1x16xf32>,
        %get3A_275 = arith.index_cast %add3A_220 : i32 to index
        %get3A_276 = arith.constant 64 : index
        %get3A_277 = tpu.vector_load %arg12[%get3A_275, %get3A_276] {strides = array<i32>} : memref<88x128xf32, #tpu.memory_space<vmem>>, vector<1x16xf32>,
        %get3A_278 = vector.shape_cast %get3A_277 : vector<1x16xf32> to vector<16xf32>
        %get3A_279 = arith.index_cast %add3A_220 : i32 to index
        %get3A_280 = arith.constant 64 : index
        %get3A_281 = tpu.vector_load %arg14[%get3A_279, %get3A_280] {strides = array<i32>} : memref<88x128xf32, #tpu.memory_space<vmem>>, vector<1x16xf32>,
        %get3A_282 = vector.shape_cast %get3A_281 : vector<1x16xf32> to vector<16xf32>
        %mul3A_283 = arith.mulf %get3A_278, %get3A_282 : vector<16xf32>
        %swap3A_284 = arith.index_cast %add3A_220 : i32 to index
        %swap3A_285 = arith.constant 64 : index
        %swap3A_286 = tpu.vector_load %arg12[%swap3A_284, %swap3A_285] {strides = array<i32>} : memref<88x128xf32, #tpu.memory_space<vmem>>, vector<1x16xf32>,
        %swap3A_287 = vector.shape_cast %swap3A_286 : vector<1x16xf32> to vector<16xf32>
        %swap3A_288 = vector.shape_cast %mul3A_283 : vector<16xf32> to vector<1x16xf32>
        tpu.vector_store %arg12[%swap3A_284, %swap3A_285], %swap3A_288 {strides = array<i32>} : memref<88x128xf32, #tpu.memory_space<vmem>>, vector<1x16xf32>,
        %get3A_289 = arith.index_cast %add3A_220 : i32 to index
        %get3A_290 = arith.constant 80 : index
        %get3A_291 = tpu.vector_load %arg12[%get3A_289, %get3A_290] {strides = array<i32>} : memref<88x128xf32, #tpu.memory_space<vmem>>, vector<1x16xf32>,
        %get3A_292 = vector.shape_cast %get3A_291 : vector<1x16xf32> to vector<16xf32>
        %get3A_293 = arith.index_cast %add3A_220 : i32 to index
        %get3A_294 = arith.constant 80 : index
        %get3A_295 = tpu.vector_load %arg14[%get3A_293, %get3A_294] {strides = array<i32>} : memref<88x128xf32, #tpu.memory_space<vmem>>, vector<1x16xf32>,
        %get3A_296 = vector.shape_cast %get3A_295 : vector<1x16xf32> to vector<16xf32>
        %mul3A_297 = arith.mulf %get3A_292, %get3A_296 : vector<16xf32>
        %swap3A_298 = arith.index_cast %add3A_220 : i32 to index
        %swap3A_299 = arith.constant 80 : index
        %swap3A_300 = tpu.vector_load %arg12[%swap3A_298, %swap3A_299] {strides = array<i32>} : memref<88x128xf32, #tpu.memory_space<vmem>>, vector<1x16xf32>,
        %swap3A_301 = vector.shape_cast %swap3A_300 : vector<1x16xf32> to vector<16xf32>
        %swap3A_302 = vector.shape_cast %mul3A_297 : vector<16xf32> to vector<1x16xf32>
        tpu.vector_store %arg12[%swap3A_298, %swap3A_299], %swap3A_302 {strides = array<i32>} : memref<88x128xf32, #tpu.memory_space<vmem>>, vector<1x16xf32>,
        %get3A_303 = arith.index_cast %add3A_220 : i32 to index
        %get3A_304 = arith.constant 96 : index
        %get3A_305 = tpu.vector_load %arg12[%get3A_303, %get3A_304] {strides = array<i32>} : memref<88x128xf32, #tpu.memory_space<vmem>>, vector<1x16xf32>,
        %get3A_306 = vector.shape_cast %get3A_305 : vector<1x16xf32> to vector<16xf32>
        %get3A_307 = arith.index_cast %add3A_220 : i32 to index
        %get3A_308 = arith.constant 96 : index
        %get3A_309 = tpu.vector_load %arg14[%get3A_307, %get3A_308] {strides = array<i32>} : memref<88x128xf32, #tpu.memory_space<vmem>>, vector<1x16xf32>,
        %get3A_310 = vector.shape_cast %get3A_309 : vector<1x16xf32> to vector<16xf32>
        %mul3A_311 = arith.mulf %get3A_306, %get3A_310 : vector<16xf32>
        %swap3A_312 = arith.index_cast %add3A_220 : i32 to index
        %swap3A_313 = arith.constant 96 : index
        %swap3A_314 = tpu.vector_load %arg12[%swap3A_312, %swap3A_313] {strides = array<i32>} : memref<88x128xf32, #tpu.memory_space<vmem>>, vector<1x16xf32>,
        %swap3A_315 = vector.shape_cast %swap3A_314 : vector<1x16xf32> to vector<16xf32>
        %swap3A_316 = vector.shape_cast %mul3A_311 : vector<16xf32> to vector<1x16xf32>
        tpu.vector_store %arg12[%swap3A_312, %swap3A_313], %swap3A_316 {strides = array<i32>} : memref<88x128xf32, #tpu.memory_space<vmem>>, vector<1x16xf32>,
        %get3A_317 = arith.index_cast %add3A_220 : i32 to index
        %get3A_318 = arith.constant 112 : index
        %get3A_319 = tpu.vector_load %arg12[%get3A_317, %get3A_318] {strides = array<i32>} : memref<88x128xf32, #tpu.memory_space<vmem>>, vector<1x16xf32>,
        %get3A_320 = vector.shape_cast %get3A_319 : vector<1x16xf32> to vector<16xf32>
        %get3A_321 = arith.index_cast %add3A_220 : i32 to index
        %get3A_322 = arith.constant 112 : index
        %get3A_323 = tpu.vector_load %arg14[%get3A_321, %get3A_322] {strides = array<i32>} : memref<88x128xf32, #tpu.memory_space<vmem>>, vector<1x16xf32>,
        %get3A_324 = vector.shape_cast %get3A_323 : vector<1x16xf32> to vector<16xf32>
        %mul3A_325 = arith.mulf %get3A_320, %get3A_324 : vector<16xf32>
        %swap3A_326 = arith.index_cast %add3A_220 : i32 to index
        %swap3A_327 = arith.constant 112 : index
        %swap3A_328 = tpu.vector_load %arg12[%swap3A_326, %swap3A_327] {strides = array<i32>} : memref<88x128xf32, #tpu.memory_space<vmem>>, vector<1x16xf32>,
        %swap3A_329 = vector.shape_cast %swap3A_328 : vector<1x16xf32> to vector<16xf32>
        %swap3A_330 = vector.shape_cast %mul3A_325 : vector<16xf32> to vector<1x16xf32>
        tpu.vector_store %arg12[%swap3A_326, %swap3A_327], %swap3A_330 {strides = array<i32>} : memref<88x128xf32, #tpu.memory_space<vmem>>, vector<1x16xf32>,
      }
      %scan3A_192 = arith.constant 88 : i32
      %dma_wait3A_193 = arith.constant 0 : i32
      %dma_wait3A_194 = tpu.memref_slice %arg5[%dma_wait3A_193] : memref<154880xi32, #tpu.memory_space<hbm>> -> memref<88xi32, #tpu.memory_space<hbm>>
      %dma_wait3A_195 = arith.constant 0 : i32
      %dma_wait3A_196 = tpu.memref_slice %arg5[%dma_wait3A_195] : memref<154880xi32, #tpu.memory_space<hbm>> -> memref<88xi32, #tpu.memory_space<hbm>>
      tpu.wait_dma2 semaphore(%arg23 : memref<!tpu.dma_semaphore, #tpu.memory_space<semaphore_mem>>) src(%dma_wait3A_196 : memref<88xi32, #tpu.memory_space<hbm>>) dst(%arg10 : memref<88xi32, #tpu.memory_space<vmem>>)
      "tpu.region"() ({
        %run_scoped3A = tpu.sem_alloc : memref<!tpu.dma_semaphore, #tpu.memory_space<semaphore_mem>>
        %dma_start3A_216 = arith.constant 0 : i32
        %dma_start3A_217 = arith.constant 0 : i32
        %dma_start3A_218 = tpu.memref_slice %arg15[%dma_start3A_216, %dma_start3A_217] : memref<10000x128xf32, #tpu.memory_space<vmem_shared>> -> memref<10000x128xf32, #tpu.memory_space<vmem_shared>>
        tpu.enqueue_indirect_dma source(%arg12 : memref<88x128xf32, #tpu.memory_space<vmem>>) target(%dma_start3A_218 : memref<10000x128xf32, #tpu.memory_space<vmem_shared>>) offsets(%arg10 : memref<88xi32, #tpu.memory_space<vmem>>) semaphore(%run_scoped3A : memref<!tpu.dma_semaphore, #tpu.memory_space<semaphore_mem>>) {add = true}
        %dma_wait3A_219 = arith.constant 0 : i32
        %dma_wait3A_220 = arith.constant 0 : i32
        %dma_wait3A_221 = tpu.memref_slice %arg15[%dma_wait3A_219, %dma_wait3A_220] : memref<10000x128xf32, #tpu.memory_space<vmem_shared>> -> memref<10000x128xf32, #tpu.memory_space<vmem_shared>>
        tpu.wait_indirect_dma semaphore(%run_scoped3A : memref<!tpu.dma_semaphore, #tpu.memory_space<semaphore_mem>>) src(%arg12 : memref<88x128xf32, #tpu.memory_space<vmem>>) dst(%dma_wait3A_221 : memref<10000x128xf32, #tpu.memory_space<vmem_shared>>)
        tpu.yield
      }) : () -> ()
      %mul3A_197 = arith.constant 88 : i32
      %mul3A_198 = arith.muli %min3A_170, %mul3A_197 : i32
      %add3A_199 = arith.addi %mul3A_2, %mul3A_198 : i32
      %dma_start3A_200 = tpu.memref_slice %arg5[%add3A_199] : memref<154880xi32, #tpu.memory_space<hbm>> -> memref<88xi32, #tpu.memory_space<hbm>>
      %dma_start3A_201 = tpu.memref_slice %arg5[%add3A_199] : memref<154880xi32, #tpu.memory_space<hbm>> -> memref<88xi32, #tpu.memory_space<hbm>>
      tpu.enqueue_dma source(%dma_start3A_201 : memref<88xi32, #tpu.memory_space<hbm>>) target(%arg10 : memref<88xi32, #tpu.memory_space<vmem>>) target_semaphore(%arg23 : memref<!tpu.dma_semaphore, #tpu.memory_space<semaphore_mem>>)
      %dma_wait3A_202 = arith.constant 0 : i32
      %dma_wait3A_203 = tpu.memref_slice %arg4[%dma_wait3A_202] : memref<154880xi32, #tpu.memory_space<hbm>> -> memref<88xi32, #tpu.memory_space<hbm>>
      %dma_wait3A_204 = arith.constant 0 : i32
      %dma_wait3A_205 = tpu.memref_slice %arg4[%dma_wait3A_204] : memref<154880xi32, #tpu.memory_space<hbm>> -> memref<88xi32, #tpu.memory_space<hbm>>
      tpu.wait_dma2 semaphore(%arg21 : memref<!tpu.dma_semaphore, #tpu.memory_space<semaphore_mem>>) src(%dma_wait3A_205 : memref<88xi32, #tpu.memory_space<hbm>>) dst(%arg8 : memref<88xi32, #tpu.memory_space<vmem>>)
      %dma_start3A_206 = arith.constant 0 : i32
      %dma_start3A_207 = arith.constant 0 : i32
      %dma_start3A_208 = tpu.memref_slice %arg2[%dma_start3A_206, %dma_start3A_207] : memref<10000x128xf32, #tpu.memory_space<hbm>> -> memref<10000x128xf32, #tpu.memory_space<hbm>>
      tpu.enqueue_indirect_dma source(%dma_start3A_208 : memref<10000x128xf32, #tpu.memory_space<hbm>>) target(%arg12 : memref<88x128xf32, #tpu.memory_space<vmem>>) offsets(%arg8 : memref<88xi32, #tpu.memory_space<vmem>>) semaphore(%arg17 : memref<!tpu.dma_semaphore, #tpu.memory_space<semaphore_mem>>)
      %mul3A_209 = arith.constant 88 : i32
      %mul3A_210 = arith.muli %min3A_170, %mul3A_209 : i32
      %add3A_211 = arith.addi %mul3A_2, %mul3A_210 : i32
      %dma_start3A_212 = arith.constant 0 : i32
      %dma_start3A_213 = tpu.memref_slice %arg3[%add3A_211, %dma_start3A_212] : memref<154880x128xf32, #tpu.memory_space<hbm>> -> memref<88x128xf32, #tpu.memory_space<hbm>>
      %dma_start3A_214 = arith.constant 0 : i32
      %dma_start3A_215 = tpu.memref_slice %arg3[%add3A_211, %dma_start3A_214] : memref<154880x128xf32, #tpu.memory_space<hbm>> -> memref<88x128xf32, #tpu.memory_space<hbm>>
      tpu.enqueue_dma source(%dma_start3A_215 : memref<88x128xf32, #tpu.memory_space<hbm>>) target(%arg14 : memref<88x128xf32, #tpu.memory_space<vmem>>) target_semaphore(%arg19 : memref<!tpu.dma_semaphore, #tpu.memory_space<semaphore_mem>>)
    }
    %scan3A_62 = arith.constant 27 : i32
    %dma_wait3A_63 = arith.constant 0 : i32
    %dma_wait3A_64 = arith.constant 0 : i32
    %dma_wait3A_65 = tpu.memref_slice %arg2[%dma_wait3A_63, %dma_wait3A_64] : memref<10000x128xf32, #tpu.memory_space<hbm>> -> memref<88x128xf32, #tpu.memory_space<hbm>>
    %dma_wait3A_66 = arith.constant 0 : i32
    %dma_wait3A_67 = arith.constant 0 : i32
    %dma_wait3A_68 = tpu.memref_slice %arg2[%dma_wait3A_66, %dma_wait3A_67] : memref<10000x128xf32, #tpu.memory_space<hbm>> -> memref<88x128xf32, #tpu.memory_space<hbm>>
    tpu.wait_dma2 semaphore(%arg16 : memref<!tpu.dma_semaphore, #tpu.memory_space<semaphore_mem>>) src(%dma_wait3A_68 : memref<88x128xf32, #tpu.memory_space<hbm>>) dst(%arg11 : memref<88x128xf32, #tpu.memory_space<vmem>>)
    %dma_wait3A_69 = arith.constant 0 : i32
    %dma_wait3A_70 = arith.constant 0 : i32
    %dma_wait3A_71 = tpu.memref_slice %arg3[%dma_wait3A_69, %dma_wait3A_70] : memref<154880x128xf32, #tpu.memory_space<hbm>> -> memref<88x128xf32, #tpu.memory_space<hbm>>
    %dma_wait3A_72 = arith.constant 0 : i32
    %dma_wait3A_73 = arith.constant 0 : i32
    %dma_wait3A_74 = tpu.memref_slice %arg3[%dma_wait3A_72, %dma_wait3A_73] : memref<154880x128xf32, #tpu.memory_space<hbm>> -> memref<88x128xf32, #tpu.memory_space<hbm>>
    tpu.wait_dma2 semaphore(%arg18 : memref<!tpu.dma_semaphore, #tpu.memory_space<semaphore_mem>>) src(%dma_wait3A_74 : memref<88x128xf32, #tpu.memory_space<hbm>>) dst(%arg13 : memref<88x128xf32, #tpu.memory_space<vmem>>)
    %scan3A_75 = arith.constant 0 : i32
    %scan3A_76 = arith.constant 88 : i32
    %scan3A_77 = arith.addi %scan3A_75, %scan3A_76 : i32
    %scan3A_78 = arith.constant 1 : i32
    scf.for %scan3A_110 = %scan3A_75 to %scan3A_77 step %scan3A_78  : i32 {
      %mul3A_111 = arith.constant 1 : i32
      %mul3A_112 = arith.muli %scan3A_110, %mul3A_111 : i32
      %add3A_113 = arith.constant 0 : i32
      %add3A_114 = arith.addi %add3A_113, %mul3A_112 : i32
      %get3A = arith.index_cast %add3A_114 : i32 to index
      %get3A_115 = arith.constant 0 : index
      %get3A_116 = tpu.vector_load %arg11[%get3A, %get3A_115] {strides = array<i32>} : memref<88x128xf32, #tpu.memory_space<vmem>>, vector<1x16xf32>,
      %get3A_117 = vector.shape_cast %get3A_116 : vector<1x16xf32> to vector<16xf32>
      %get3A_118 = arith.index_cast %add3A_114 : i32 to index
      %get3A_119 = arith.constant 0 : index
      %get3A_120 = tpu.vector_load %arg13[%get3A_118, %get3A_119] {strides = array<i32>} : memref<88x128xf32, #tpu.memory_space<vmem>>, vector<1x16xf32>,
      %get3A_121 = vector.shape_cast %get3A_120 : vector<1x16xf32> to vector<16xf32>
      %mul3A_122 = arith.mulf %get3A_117, %get3A_121 : vector<16xf32>
      %swap3A = arith.index_cast %add3A_114 : i32 to index
      %swap3A_123 = arith.constant 0 : index
      %swap3A_124 = tpu.vector_load %arg11[%swap3A, %swap3A_123] {strides = array<i32>} : memref<88x128xf32, #tpu.memory_space<vmem>>, vector<1x16xf32>,
      %swap3A_125 = vector.shape_cast %swap3A_124 : vector<1x16xf32> to vector<16xf32>
      %swap3A_126 = vector.shape_cast %mul3A_122 : vector<16xf32> to vector<1x16xf32>
      tpu.vector_store %arg11[%swap3A, %swap3A_123], %swap3A_126 {strides = array<i32>} : memref<88x128xf32, #tpu.memory_space<vmem>>, vector<1x16xf32>,
      %get3A_127 = arith.index_cast %add3A_114 : i32 to index
      %get3A_128 = arith.constant 16 : index
      %get3A_129 = tpu.vector_load %arg11[%get3A_127, %get3A_128] {strides = array<i32>} : memref<88x128xf32, #tpu.memory_space<vmem>>, vector<1x16xf32>,
      %get3A_130 = vector.shape_cast %get3A_129 : vector<1x16xf32> to vector<16xf32>
      %get3A_131 = arith.index_cast %add3A_114 : i32 to index
      %get3A_132 = arith.constant 16 : index
      %get3A_133 = tpu.vector_load %arg13[%get3A_131, %get3A_132] {strides = array<i32>} : memref<88x128xf32, #tpu.memory_space<vmem>>, vector<1x16xf32>,
      %get3A_134 = vector.shape_cast %get3A_133 : vector<1x16xf32> to vector<16xf32>
      %mul3A_135 = arith.mulf %get3A_130, %get3A_134 : vector<16xf32>
      %swap3A_136 = arith.index_cast %add3A_114 : i32 to index
      %swap3A_137 = arith.constant 16 : index
      %swap3A_138 = tpu.vector_load %arg11[%swap3A_136, %swap3A_137] {strides = array<i32>} : memref<88x128xf32, #tpu.memory_space<vmem>>, vector<1x16xf32>,
      %swap3A_139 = vector.shape_cast %swap3A_138 : vector<1x16xf32> to vector<16xf32>
      %swap3A_140 = vector.shape_cast %mul3A_135 : vector<16xf32> to vector<1x16xf32>
      tpu.vector_store %arg11[%swap3A_136, %swap3A_137], %swap3A_140 {strides = array<i32>} : memref<88x128xf32, #tpu.memory_space<vmem>>, vector<1x16xf32>,
      %get3A_141 = arith.index_cast %add3A_114 : i32 to index
      %get3A_142 = arith.constant 32 : index
      %get3A_143 = tpu.vector_load %arg11[%get3A_141, %get3A_142] {strides = array<i32>} : memref<88x128xf32, #tpu.memory_space<vmem>>, vector<1x16xf32>,
      %get3A_144 = vector.shape_cast %get3A_143 : vector<1x16xf32> to vector<16xf32>
      %get3A_145 = arith.index_cast %add3A_114 : i32 to index
      %get3A_146 = arith.constant 32 : index
      %get3A_147 = tpu.vector_load %arg13[%get3A_145, %get3A_146] {strides = array<i32>} : memref<88x128xf32, #tpu.memory_space<vmem>>, vector<1x16xf32>,
      %get3A_148 = vector.shape_cast %get3A_147 : vector<1x16xf32> to vector<16xf32>
      %mul3A_149 = arith.mulf %get3A_144, %get3A_148 : vector<16xf32>
      %swap3A_150 = arith.index_cast %add3A_114 : i32 to index
      %swap3A_151 = arith.constant 32 : index
      %swap3A_152 = tpu.vector_load %arg11[%swap3A_150, %swap3A_151] {strides = array<i32>} : memref<88x128xf32, #tpu.memory_space<vmem>>, vector<1x16xf32>,
      %swap3A_153 = vector.shape_cast %swap3A_152 : vector<1x16xf32> to vector<16xf32>
      %swap3A_154 = vector.shape_cast %mul3A_149 : vector<16xf32> to vector<1x16xf32>
      tpu.vector_store %arg11[%swap3A_150, %swap3A_151], %swap3A_154 {strides = array<i32>} : memref<88x128xf32, #tpu.memory_space<vmem>>, vector<1x16xf32>,
      %get3A_155 = arith.index_cast %add3A_114 : i32 to index
      %get3A_156 = arith.constant 48 : index
      %get3A_157 = tpu.vector_load %arg11[%get3A_155, %get3A_156] {strides = array<i32>} : memref<88x128xf32, #tpu.memory_space<vmem>>, vector<1x16xf32>,
      %get3A_158 = vector.shape_cast %get3A_157 : vector<1x16xf32> to vector<16xf32>
      %get3A_159 = arith.index_cast %add3A_114 : i32 to index
      %get3A_160 = arith.constant 48 : index
      %get3A_161 = tpu.vector_load %arg13[%get3A_159, %get3A_160] {strides = array<i32>} : memref<88x128xf32, #tpu.memory_space<vmem>>, vector<1x16xf32>,
      %get3A_162 = vector.shape_cast %get3A_161 : vector<1x16xf32> to vector<16xf32>
      %mul3A_163 = arith.mulf %get3A_158, %get3A_162 : vector<16xf32>
      %swap3A_164 = arith.index_cast %add3A_114 : i32 to index
      %swap3A_165 = arith.constant 48 : index
      %swap3A_166 = tpu.vector_load %arg11[%swap3A_164, %swap3A_165] {strides = array<i32>} : memref<88x128xf32, #tpu.memory_space<vmem>>, vector<1x16xf32>,
      %swap3A_167 = vector.shape_cast %swap3A_166 : vector<1x16xf32> to vector<16xf32>
      %swap3A_168 = vector.shape_cast %mul3A_163 : vector<16xf32> to vector<1x16xf32>
      tpu.vector_store %arg11[%swap3A_164, %swap3A_165], %swap3A_168 {strides = array<i32>} : memref<88x128xf32, #tpu.memory_space<vmem>>, vector<1x16xf32>,
      %get3A_169 = arith.index_cast %add3A_114 : i32 to index
      %get3A_170 = arith.constant 64 : index
      %get3A_171 = tpu.vector_load %arg11[%get3A_169, %get3A_170] {strides = array<i32>} : memref<88x128xf32, #tpu.memory_space<vmem>>, vector<1x16xf32>,
      %get3A_172 = vector.shape_cast %get3A_171 : vector<1x16xf32> to vector<16xf32>
      %get3A_173 = arith.index_cast %add3A_114 : i32 to index
      %get3A_174 = arith.constant 64 : index
      %get3A_175 = tpu.vector_load %arg13[%get3A_173, %get3A_174] {strides = array<i32>} : memref<88x128xf32, #tpu.memory_space<vmem>>, vector<1x16xf32>,
      %get3A_176 = vector.shape_cast %get3A_175 : vector<1x16xf32> to vector<16xf32>
      %mul3A_177 = arith.mulf %get3A_172, %get3A_176 : vector<16xf32>
      %swap3A_178 = arith.index_cast %add3A_114 : i32 to index
      %swap3A_179 = arith.constant 64 : index
      %swap3A_180 = tpu.vector_load %arg11[%swap3A_178, %swap3A_179] {strides = array<i32>} : memref<88x128xf32, #tpu.memory_space<vmem>>, vector<1x16xf32>,
      %swap3A_181 = vector.shape_cast %swap3A_180 : vector<1x16xf32> to vector<16xf32>
      %swap3A_182 = vector.shape_cast %mul3A_177 : vector<16xf32> to vector<1x16xf32>
      tpu.vector_store %arg11[%swap3A_178, %swap3A_179], %swap3A_182 {strides = array<i32>} : memref<88x128xf32, #tpu.memory_space<vmem>>, vector<1x16xf32>,
      %get3A_183 = arith.index_cast %add3A_114 : i32 to index
      %get3A_184 = arith.constant 80 : index
      %get3A_185 = tpu.vector_load %arg11[%get3A_183, %get3A_184] {strides = array<i32>} : memref<88x128xf32, #tpu.memory_space<vmem>>, vector<1x16xf32>,
      %get3A_186 = vector.shape_cast %get3A_185 : vector<1x16xf32> to vector<16xf32>
      %get3A_187 = arith.index_cast %add3A_114 : i32 to index
      %get3A_188 = arith.constant 80 : index
      %get3A_189 = tpu.vector_load %arg13[%get3A_187, %get3A_188] {strides = array<i32>} : memref<88x128xf32, #tpu.memory_space<vmem>>, vector<1x16xf32>,
      %get3A_190 = vector.shape_cast %get3A_189 : vector<1x16xf32> to vector<16xf32>
      %mul3A_191 = arith.mulf %get3A_186, %get3A_190 : vector<16xf32>
      %swap3A_192 = arith.index_cast %add3A_114 : i32 to index
      %swap3A_193 = arith.constant 80 : index
      %swap3A_194 = tpu.vector_load %arg11[%swap3A_192, %swap3A_193] {strides = array<i32>} : memref<88x128xf32, #tpu.memory_space<vmem>>, vector<1x16xf32>,
      %swap3A_195 = vector.shape_cast %swap3A_194 : vector<1x16xf32> to vector<16xf32>
      %swap3A_196 = vector.shape_cast %mul3A_191 : vector<16xf32> to vector<1x16xf32>
      tpu.vector_store %arg11[%swap3A_192, %swap3A_193], %swap3A_196 {strides = array<i32>} : memref<88x128xf32, #tpu.memory_space<vmem>>, vector<1x16xf32>,
      %get3A_197 = arith.index_cast %add3A_114 : i32 to index
      %get3A_198 = arith.constant 96 : index
      %get3A_199 = tpu.vector_load %arg11[%get3A_197, %get3A_198] {strides = array<i32>} : memref<88x128xf32, #tpu.memory_space<vmem>>, vector<1x16xf32>,
      %get3A_200 = vector.shape_cast %get3A_199 : vector<1x16xf32> to vector<16xf32>
      %get3A_201 = arith.index_cast %add3A_114 : i32 to index
      %get3A_202 = arith.constant 96 : index
      %get3A_203 = tpu.vector_load %arg13[%get3A_201, %get3A_202] {strides = array<i32>} : memref<88x128xf32, #tpu.memory_space<vmem>>, vector<1x16xf32>,
      %get3A_204 = vector.shape_cast %get3A_203 : vector<1x16xf32> to vector<16xf32>
      %mul3A_205 = arith.mulf %get3A_200, %get3A_204 : vector<16xf32>
      %swap3A_206 = arith.index_cast %add3A_114 : i32 to index
      %swap3A_207 = arith.constant 96 : index
      %swap3A_208 = tpu.vector_load %arg11[%swap3A_206, %swap3A_207] {strides = array<i32>} : memref<88x128xf32, #tpu.memory_space<vmem>>, vector<1x16xf32>,
      %swap3A_209 = vector.shape_cast %swap3A_208 : vector<1x16xf32> to vector<16xf32>
      %swap3A_210 = vector.shape_cast %mul3A_205 : vector<16xf32> to vector<1x16xf32>
      tpu.vector_store %arg11[%swap3A_206, %swap3A_207], %swap3A_210 {strides = array<i32>} : memref<88x128xf32, #tpu.memory_space<vmem>>, vector<1x16xf32>,
      %get3A_211 = arith.index_cast %add3A_114 : i32 to index
      %get3A_212 = arith.constant 112 : index
      %get3A_213 = tpu.vector_load %arg11[%get3A_211, %get3A_212] {strides = array<i32>} : memref<88x128xf32, #tpu.memory_space<vmem>>, vector<1x16xf32>,
      %get3A_214 = vector.shape_cast %get3A_213 : vector<1x16xf32> to vector<16xf32>
      %get3A_215 = arith.index_cast %add3A_114 : i32 to index
      %get3A_216 = arith.constant 112 : index
      %get3A_217 = tpu.vector_load %arg13[%get3A_215, %get3A_216] {strides = array<i32>} : memref<88x128xf32, #tpu.memory_space<vmem>>, vector<1x16xf32>,
      %get3A_218 = vector.shape_cast %get3A_217 : vector<1x16xf32> to vector<16xf32>
      %mul3A_219 = arith.mulf %get3A_214, %get3A_218 : vector<16xf32>
      %swap3A_220 = arith.index_cast %add3A_114 : i32 to index
      %swap3A_221 = arith.constant 112 : index
      %swap3A_222 = tpu.vector_load %arg11[%swap3A_220, %swap3A_221] {strides = array<i32>} : memref<88x128xf32, #tpu.memory_space<vmem>>, vector<1x16xf32>,
      %swap3A_223 = vector.shape_cast %swap3A_222 : vector<1x16xf32> to vector<16xf32>
      %swap3A_224 = vector.shape_cast %mul3A_219 : vector<16xf32> to vector<1x16xf32>
      tpu.vector_store %arg11[%swap3A_220, %swap3A_221], %swap3A_224 {strides = array<i32>} : memref<88x128xf32, #tpu.memory_space<vmem>>, vector<1x16xf32>,
    }
    %scan3A_79 = arith.constant 88 : i32
    %dma_wait3A_80 = arith.constant 0 : i32
    %dma_wait3A_81 = tpu.memref_slice %arg5[%dma_wait3A_80] : memref<154880xi32, #tpu.memory_space<hbm>> -> memref<88xi32, #tpu.memory_space<hbm>>
    %dma_wait3A_82 = arith.constant 0 : i32
    %dma_wait3A_83 = tpu.memref_slice %arg5[%dma_wait3A_82] : memref<154880xi32, #tpu.memory_space<hbm>> -> memref<88xi32, #tpu.memory_space<hbm>>
    tpu.wait_dma2 semaphore(%arg22 : memref<!tpu.dma_semaphore, #tpu.memory_space<semaphore_mem>>) src(%dma_wait3A_83 : memref<88xi32, #tpu.memory_space<hbm>>) dst(%arg9 : memref<88xi32, #tpu.memory_space<vmem>>)
    "tpu.region"() ({
      %run_scoped3A = tpu.sem_alloc : memref<!tpu.dma_semaphore, #tpu.memory_space<semaphore_mem>>
      %dma_start3A_110 = arith.constant 0 : i32
      %dma_start3A_111 = arith.constant 0 : i32
      %dma_start3A_112 = tpu.memref_slice %arg15[%dma_start3A_110, %dma_start3A_111] : memref<10000x128xf32, #tpu.memory_space<vmem_shared>> -> memref<10000x128xf32, #tpu.memory_space<vmem_shared>>
      tpu.enqueue_indirect_dma source(%arg11 : memref<88x128xf32, #tpu.memory_space<vmem>>) target(%dma_start3A_112 : memref<10000x128xf32, #tpu.memory_space<vmem_shared>>) offsets(%arg9 : memref<88xi32, #tpu.memory_space<vmem>>) semaphore(%run_scoped3A : memref<!tpu.dma_semaphore, #tpu.memory_space<semaphore_mem>>) {add = true}
      %dma_wait3A_113 = arith.constant 0 : i32
      %dma_wait3A_114 = arith.constant 0 : i32
      %dma_wait3A_115 = tpu.memref_slice %arg15[%dma_wait3A_113, %dma_wait3A_114] : memref<10000x128xf32, #tpu.memory_space<vmem_shared>> -> memref<10000x128xf32, #tpu.memory_space<vmem_shared>>
      tpu.wait_indirect_dma semaphore(%run_scoped3A : memref<!tpu.dma_semaphore, #tpu.memory_space<semaphore_mem>>) src(%arg11 : memref<88x128xf32, #tpu.memory_space<vmem>>) dst(%dma_wait3A_115 : memref<10000x128xf32, #tpu.memory_space<vmem_shared>>)
      tpu.yield
    }) : () -> ()
    %dma_wait3A_84 = arith.constant 0 : i32
    %dma_wait3A_85 = arith.constant 0 : i32
    %dma_wait3A_86 = tpu.memref_slice %arg2[%dma_wait3A_84, %dma_wait3A_85] : memref<10000x128xf32, #tpu.memory_space<hbm>> -> memref<88x128xf32, #tpu.memory_space<hbm>>
    %dma_wait3A_87 = arith.constant 0 : i32
    %dma_wait3A_88 = arith.constant 0 : i32
    %dma_wait3A_89 = tpu.memref_slice %arg2[%dma_wait3A_87, %dma_wait3A_88] : memref<10000x128xf32, #tpu.memory_space<hbm>> -> memref<88x128xf32, #tpu.memory_space<hbm>>
    tpu.wait_dma2 semaphore(%arg17 : memref<!tpu.dma_semaphore, #tpu.memory_space<semaphore_mem>>) src(%dma_wait3A_89 : memref<88x128xf32, #tpu.memory_space<hbm>>) dst(%arg12 : memref<88x128xf32, #tpu.memory_space<vmem>>)
    %dma_wait3A_90 = arith.constant 0 : i32
    %dma_wait3A_91 = arith.constant 0 : i32
    %dma_wait3A_92 = tpu.memref_slice %arg3[%dma_wait3A_90, %dma_wait3A_91] : memref<154880x128xf32, #tpu.memory_space<hbm>> -> memref<88x128xf32, #tpu.memory_space<hbm>>
    %dma_wait3A_93 = arith.constant 0 : i32
    %dma_wait3A_94 = arith.constant 0 : i32
    %dma_wait3A_95 = tpu.memref_slice %arg3[%dma_wait3A_93, %dma_wait3A_94] : memref<154880x128xf32, #tpu.memory_space<hbm>> -> memref<88x128xf32, #tpu.memory_space<hbm>>
    tpu.wait_dma2 semaphore(%arg19 : memref<!tpu.dma_semaphore, #tpu.memory_space<semaphore_mem>>) src(%dma_wait3A_95 : memref<88x128xf32, #tpu.memory_space<hbm>>) dst(%arg14 : memref<88x128xf32, #tpu.memory_space<vmem>>)
    %dma_wait3A_96 = arith.constant 0 : i32
    %dma_wait3A_97 = tpu.memref_slice %arg5[%dma_wait3A_96] : memref<154880xi32, #tpu.memory_space<hbm>> -> memref<88xi32, #tpu.memory_space<hbm>>
    %dma_wait3A_98 = arith.constant 0 : i32
    %dma_wait3A_99 = tpu.memref_slice %arg5[%dma_wait3A_98] : memref<154880xi32, #tpu.memory_space<hbm>> -> memref<88xi32, #tpu.memory_space<hbm>>
    tpu.wait_dma2 semaphore(%arg23 : memref<!tpu.dma_semaphore, #tpu.memory_space<semaphore_mem>>) src(%dma_wait3A_99 : memref<88xi32, #tpu.memory_space<hbm>>) dst(%arg10 : memref<88xi32, #tpu.memory_space<vmem>>)
    %barrier3A_100 = arith.constant 0 : index
    tpu.barrier barrier_id(%barrier3A_100)
    %mul3A_101 = arith.constant 624 : i32
    %mul3A_102 = arith.muli %arg1, %mul3A_101 : i32
    %mul3A_103 = arith.constant 624 : i32
    %mul3A_104 = arith.muli %arg1, %mul3A_103 : i32
    "tpu.region"() ({
      %run_scoped3A = tpu.sem_alloc : memref<!tpu.dma_semaphore, #tpu.memory_space<semaphore_mem>>
      %dma_start3A_110 = arith.constant 0 : i32
      %dma_start3A_111 = tpu.memref_slice %arg6[%arg0, %mul3A_104, %dma_start3A_110] : memref<2x10000x128xf32, #tpu.memory_space<hbm>> -> memref<1x624x128xf32, #tpu.memory_space<hbm>>
      %dma_start3A_112 = tpu.memref_squeeze %dma_start3A_111 : memref<1x624x128xf32, #tpu.memory_space<hbm>> -> memref<624x128xf32, #tpu.memory_space<hbm>>
      %dma_start3A_113 = arith.constant 0 : i32
      %dma_start3A_114 = tpu.memref_slice %arg15[%mul3A_102, %dma_start3A_113] : memref<10000x128xf32, #tpu.memory_space<vmem_shared>> -> memref<624x128xf32, #tpu.memory_space<vmem_shared>>
      tpu.enqueue_dma source(%dma_start3A_114 : memref<624x128xf32, #tpu.memory_space<vmem_shared>>) target(%dma_start3A_112 : memref<624x128xf32, #tpu.memory_space<hbm>>) target_semaphore(%run_scoped3A : memref<!tpu.dma_semaphore, #tpu.memory_space<semaphore_mem>>)
      %dma_wait3A_115 = arith.constant 0 : i32
      %dma_wait3A_116 = tpu.memref_slice %arg6[%arg0, %mul3A_104, %dma_wait3A_115] : memref<2x10000x128xf32, #tpu.memory_space<hbm>> -> memref<1x624x128xf32, #tpu.memory_space<hbm>>
      %dma_wait3A_117 = tpu.memref_squeeze %dma_wait3A_116 : memref<1x624x128xf32, #tpu.memory_space<hbm>> -> memref<624x128xf32, #tpu.memory_space<hbm>>
      %dma_wait3A_118 = arith.constant 0 : i32
      %dma_wait3A_119 = tpu.memref_slice %arg15[%mul3A_102, %dma_wait3A_118] : memref<10000x128xf32, #tpu.memory_space<vmem_shared>> -> memref<624x128xf32, #tpu.memory_space<vmem_shared>>
      tpu.wait_dma2 semaphore(%run_scoped3A : memref<!tpu.dma_semaphore, #tpu.memory_space<semaphore_mem>>) src(%dma_wait3A_119 : memref<624x128xf32, #tpu.memory_space<vmem_shared>>) dst(%dma_wait3A_117 : memref<624x128xf32, #tpu.memory_space<hbm>>)
      tpu.yield
    }) : () -> ()
    %eq3A_105 = arith.constant 0 : i32
    %eq3A_106 = arith.cmpi eq, %arg1, %eq3A_105 : i32
    %convert_element_type3A_107 = arith.extui %eq3A_106 : i1 to i32
    %cond3A_108 = arith.constant 0 : i32
    %cond3A_109 = arith.cmpi ne, %convert_element_type3A_107, %cond3A_108 : i32
    scf.if %cond3A_109 {
      "tpu.region"() ({
        %run_scoped3A = tpu.sem_alloc : memref<!tpu.dma_semaphore, #tpu.memory_space<semaphore_mem>>
        %dma_start3A_110 = arith.constant 9984 : i32
        %dma_start3A_111 = arith.constant 0 : i32
        %dma_start3A_112 = tpu.memref_slice %arg6[%arg0, %dma_start3A_110, %dma_start3A_111] : memref<2x10000x128xf32, #tpu.memory_space<hbm>> -> memref<1x16x128xf32, #tpu.memory_space<hbm>>
        %dma_start3A_113 = tpu.memref_squeeze %dma_start3A_112 : memref<1x16x128xf32, #tpu.memory_space<hbm>> -> memref<16x128xf32, #tpu.memory_space<hbm>>
        %dma_start3A_114 = arith.constant 9984 : i32
        %dma_start3A_115 = arith.constant 0 : i32
        %dma_start3A_116 = tpu.memref_slice %arg15[%dma_start3A_114, %dma_start3A_115] : memref<10000x128xf32, #tpu.memory_space<vmem_shared>> -> memref<16x128xf32, #tpu.memory_space<vmem_shared>>
        tpu.enqueue_dma source(%dma_start3A_116 : memref<16x128xf32, #tpu.memory_space<vmem_shared>>) target(%dma_start3A_113 : memref<16x128xf32, #tpu.memory_space<hbm>>) target_semaphore(%run_scoped3A : memref<!tpu.dma_semaphore, #tpu.memory_space<semaphore_mem>>)
        %dma_wait3A_117 = arith.constant 9984 : i32
        %dma_wait3A_118 = arith.constant 0 : i32
        %dma_wait3A_119 = tpu.memref_slice %arg6[%arg0, %dma_wait3A_117, %dma_wait3A_118] : memref<2x10000x128xf32, #tpu.memory_space<hbm>> -> memref<1x16x128xf32, #tpu.memory_space<hbm>>
        %dma_wait3A_120 = tpu.memref_squeeze %dma_wait3A_119 : memref<1x16x128xf32, #tpu.memory_space<hbm>> -> memref<16x128xf32, #tpu.memory_space<hbm>>
        %dma_wait3A_121 = arith.constant 9984 : i32
        %dma_wait3A_122 = arith.constant 0 : i32
        %dma_wait3A_123 = tpu.memref_slice %arg15[%dma_wait3A_121, %dma_wait3A_122] : memref<10000x128xf32, #tpu.memory_space<vmem_shared>> -> memref<16x128xf32, #tpu.memory_space<vmem_shared>>
        tpu.wait_dma2 semaphore(%run_scoped3A : memref<!tpu.dma_semaphore, #tpu.memory_space<semaphore_mem>>) src(%dma_wait3A_123 : memref<16x128xf32, #tpu.memory_space<vmem_shared>>) dst(%dma_wait3A_120 : memref<16x128xf32, #tpu.memory_space<hbm>>)
        tpu.yield
      }) : () -> ()
    } else {
    }
    return
  }
}

module attributes {stable_mosaic.version = 14 : i64} {
  func.func @_filters_body(%arg0: i32, %arg1: memref<1x1920xf32, #tpu.memory_space<vmem>>, %arg2: memref<1x64xf32, #tpu.memory_space<vmem>>, %arg3: memref<1x64xf32, #tpu.memory_space<vmem>>, %arg4: memref<64x128xf32, #tpu.memory_space<vmem>>, %arg5: memref<1x128xf32, #tpu.memory_space<vmem>>, %arg6: memref<128x128xf32, #tpu.memory_space<vmem>>, %arg7: memref<1x128xf32, #tpu.memory_space<vmem>>, %arg8: memref<1920x128xf32, #tpu.memory_space<vmem>>) attributes {dimension_semantics = [#tpu.dimension_semantics<arbitrary>], iteration_bounds = array<i64: 86>, scalar_prefetch = 0 : i64, scratch_operands = 0 : i64, tpu.core_type = #tpu.core_type<tc>, window_params = [{transform_indices = @transform_0, window_bounds = array<i64: 1, 1920>}, {pipeline_mode = #tpu.pipeline_mode<synchronous>, transform_indices = @transform_1, window_bounds = array<i64: 1, 64>}, {pipeline_mode = #tpu.pipeline_mode<synchronous>, transform_indices = @transform_2, window_bounds = array<i64: 1, 64>}, {pipeline_mode = #tpu.pipeline_mode<synchronous>, transform_indices = @transform_3, window_bounds = array<i64: 64, 128>}, {pipeline_mode = #tpu.pipeline_mode<synchronous>, transform_indices = @transform_4, window_bounds = array<i64: 1, 128>}, {pipeline_mode = #tpu.pipeline_mode<synchronous>, transform_indices = @transform_5, window_bounds = array<i64: 128, 128>}, {pipeline_mode = #tpu.pipeline_mode<synchronous>, transform_indices = @transform_6, window_bounds = array<i64: 1, 128>}, {transform_indices = @transform_7, window_bounds = array<i64: 1920, 128>}]} {
    %get3A = arith.constant 0 : index
    %get3A_0 = arith.constant 0 : index
    %get3A_1 = vector.load %arg1[%get3A, %get3A_0] : memref<1x1920xf32, #tpu.memory_space<vmem>>, vector<1x1920xf32>
    %reshape3A = vector.shape_cast %get3A_1 : vector<1x1920xf32> to vector<1920x1xf32>
    %get3A_2 = arith.constant 0 : index
    %get3A_3 = arith.constant 0 : index
    %get3A_4 = vector.load %arg3[%get3A_2, %get3A_3] : memref<1x64xf32, #tpu.memory_space<vmem>>, vector<1x64xf32>
    %neg3A = arith.constant 0.000000e+00 : f32
    %neg3A_5 = vector.broadcast %neg3A : f32 to vector<1x64xf32>
    %neg3A_6 = arith.subf %neg3A_5, %get3A_4 : vector<1x64xf32>
    %get3A_7 = arith.constant 0 : index
    %get3A_8 = arith.constant 0 : index
    %get3A_9 = vector.load %arg2[%get3A_7, %get3A_8] : memref<1x64xf32, #tpu.memory_space<vmem>>, vector<1x64xf32>
    %sub3A = vector.broadcast %reshape3A : vector<1920x1xf32> to vector<1920x64xf32>
    %sub3A_10 = vector.broadcast %get3A_9 : vector<1x64xf32> to vector<1920x64xf32>
    %sub3A_11 = arith.subf %sub3A, %sub3A_10 : vector<1920x64xf32>
    %integer_pow3A = arith.mulf %sub3A_11, %sub3A_11 : vector<1920x64xf32>
    %mul3A = vector.broadcast %neg3A_6 : vector<1x64xf32> to vector<1920x64xf32>
    %mul3A_12 = arith.mulf %mul3A, %integer_pow3A : vector<1920x64xf32>
    %exp3A = math.exp %mul3A_12 : vector<1920x64xf32>
    %get3A_13 = arith.constant 0 : index
    %get3A_14 = arith.constant 0 : index
    %get3A_15 = vector.load %arg4[%get3A_13, %get3A_14] : memref<64x128xf32, #tpu.memory_space<vmem>>, vector<64x128xf32>
    %dot_general3A = arith.constant dense<0.000000e+00> : vector<1920x128xf32>
    %dot_general3A_16 = tpu.matmul %exp3A, %get3A_15, %dot_general3A {dimension_numbers = #tpu.dot_dimension_numbers<[1], [0], [0], [1], [0, 0, 1, 1], [], []>, transpose_lhs_hint = false} : vector<1920x64xf32>, vector<64x128xf32>, vector<1920x128xf32> -> vector<1920x128xf32>
    %get3A_17 = arith.constant 0 : index
    %get3A_18 = arith.constant 0 : index
    %get3A_19 = vector.load %arg5[%get3A_17, %get3A_18] : memref<1x128xf32, #tpu.memory_space<vmem>>, vector<1x128xf32>
    %add3A = vector.broadcast %get3A_19 : vector<1x128xf32> to vector<1920x128xf32>
    %add3A_20 = arith.addf %dot_general3A_16, %add3A : vector<1920x128xf32>
    %max3A = arith.constant 0.000000e+00 : f32
    %max3A_21 = vector.broadcast %max3A : f32 to vector<1920x128xf32>
    %max3A_22 = arith.maximumf %add3A_20, %max3A_21 : vector<1920x128xf32>
    %abs3A = math.absf %add3A_20 : vector<1920x128xf32>
    %neg3A_23 = arith.constant 0.000000e+00 : f32
    %neg3A_24 = vector.broadcast %neg3A_23 : f32 to vector<1920x128xf32>
    %neg3A_25 = arith.subf %neg3A_24, %abs3A : vector<1920x128xf32>
    %exp3A_26 = math.exp %neg3A_25 : vector<1920x128xf32>
    %log1p3A = math.log1p %exp3A_26 : vector<1920x128xf32>
    %add3A_27 = arith.addf %max3A_22, %log1p3A : vector<1920x128xf32>
    %sub3A_28 = arith.constant 0.693147182 : f32
    %sub3A_29 = vector.broadcast %sub3A_28 : f32 to vector<1920x128xf32>
    %sub3A_30 = arith.subf %add3A_27, %sub3A_29 : vector<1920x128xf32>
    %get3A_31 = arith.constant 0 : index
    %get3A_32 = arith.constant 0 : index
    %get3A_33 = vector.load %arg6[%get3A_31, %get3A_32] : memref<128x128xf32, #tpu.memory_space<vmem>>, vector<128x128xf32>
    %dot_general3A_34 = arith.constant dense<0.000000e+00> : vector<1920x128xf32>
    %dot_general3A_35 = tpu.matmul %sub3A_30, %get3A_33, %dot_general3A_34 {dimension_numbers = #tpu.dot_dimension_numbers<[1], [0], [0], [1], [0, 0, 1, 1], [], []>, transpose_lhs_hint = false} : vector<1920x128xf32>, vector<128x128xf32>, vector<1920x128xf32> -> vector<1920x128xf32>
    %get3A_36 = arith.constant 0 : index
    %get3A_37 = arith.constant 0 : index
    %get3A_38 = vector.load %arg7[%get3A_36, %get3A_37] : memref<1x128xf32, #tpu.memory_space<vmem>>, vector<1x128xf32>
    %add3A_39 = vector.broadcast %get3A_38 : vector<1x128xf32> to vector<1920x128xf32>
    %add3A_40 = arith.addf %dot_general3A_35, %add3A_39 : vector<1920x128xf32>
    %max3A_41 = arith.constant 0.000000e+00 : f32
    %max3A_42 = vector.broadcast %max3A_41 : f32 to vector<1920x128xf32>
    %max3A_43 = arith.maximumf %add3A_40, %max3A_42 : vector<1920x128xf32>
    %abs3A_44 = math.absf %add3A_40 : vector<1920x128xf32>
    %neg3A_45 = arith.constant 0.000000e+00 : f32
    %neg3A_46 = vector.broadcast %neg3A_45 : f32 to vector<1920x128xf32>
    %neg3A_47 = arith.subf %neg3A_46, %abs3A_44 : vector<1920x128xf32>
    %exp3A_48 = math.exp %neg3A_47 : vector<1920x128xf32>
    %log1p3A_49 = math.log1p %exp3A_48 : vector<1920x128xf32>
    %add3A_50 = arith.addf %max3A_43, %log1p3A_49 : vector<1920x128xf32>
    %sub3A_51 = arith.constant 0.693147182 : f32
    %sub3A_52 = vector.broadcast %sub3A_51 : f32 to vector<1920x128xf32>
    %sub3A_53 = arith.subf %add3A_50, %sub3A_52 : vector<1920x128xf32>
    %swap3A = arith.constant 0 : index
    %swap3A_54 = arith.constant 0 : index
    %swap3A_55 = vector.load %arg8[%swap3A, %swap3A_54] : memref<1920x128xf32, #tpu.memory_space<vmem>>, vector<1920x128xf32>
    tpu.vector_store %arg8[%swap3A, %swap3A_54], %sub3A_53 {strides = array<i32>} : memref<1920x128xf32, #tpu.memory_space<vmem>>, vector<1920x128xf32>,
    return
  }
  func.func @transform_0(%arg0: i32) -> (i32, i32) {
    %c0_i32 = arith.constant 0 : i32
    %c0_i32_0 = arith.constant 0 : i32
    return %c0_i32, %arg0 : i32, i32
  }
  func.func @transform_1(%arg0: i32) -> (i32, i32) {
    %c0_i32 = arith.constant 0 : i32
    %c0_i32_0 = arith.constant 0 : i32
    %c0_i32_1 = arith.constant 0 : i32
    return %c0_i32, %c0_i32_0 : i32, i32
  }
  func.func @transform_2(%arg0: i32) -> (i32, i32) {
    %c0_i32 = arith.constant 0 : i32
    %c0_i32_0 = arith.constant 0 : i32
    %c0_i32_1 = arith.constant 0 : i32
    return %c0_i32, %c0_i32_0 : i32, i32
  }
  func.func @transform_3(%arg0: i32) -> (i32, i32) {
    %c0_i32 = arith.constant 0 : i32
    %c0_i32_0 = arith.constant 0 : i32
    %c0_i32_1 = arith.constant 0 : i32
    return %c0_i32, %c0_i32_0 : i32, i32
  }
  func.func @transform_4(%arg0: i32) -> (i32, i32) {
    %c0_i32 = arith.constant 0 : i32
    %c0_i32_0 = arith.constant 0 : i32
    %c0_i32_1 = arith.constant 0 : i32
    return %c0_i32, %c0_i32_0 : i32, i32
  }
  func.func @transform_5(%arg0: i32) -> (i32, i32) {
    %c0_i32 = arith.constant 0 : i32
    %c0_i32_0 = arith.constant 0 : i32
    %c0_i32_1 = arith.constant 0 : i32
    return %c0_i32, %c0_i32_0 : i32, i32
  }
  func.func @transform_6(%arg0: i32) -> (i32, i32) {
    %c0_i32 = arith.constant 0 : i32
    %c0_i32_0 = arith.constant 0 : i32
    %c0_i32_1 = arith.constant 0 : i32
    return %c0_i32, %c0_i32_0 : i32, i32
  }
  func.func @transform_7(%arg0: i32) -> (i32, i32) {
    %c0_i32 = arith.constant 0 : i32
    %c0_i32_0 = arith.constant 0 : i32
    return %arg0, %c0_i32 : i32, i32
  }
}

module attributes {stable_mosaic.version = 14 : i64} {
  func.func @_add_body(%arg0: i32, %arg1: memref<2x2000x128xf32, #tpu.memory_space<vmem>>, %arg2: memref<2x2000x128xf32, #tpu.memory_space<vmem>>, %arg3: memref<2000x128xf32, #tpu.memory_space<vmem>>) attributes {dimension_semantics = [#tpu.dimension_semantics<arbitrary>], iteration_bounds = array<i64: 5>, scalar_prefetch = 0 : i64, scratch_operands = 0 : i64, tpu.core_type = #tpu.core_type<tc>, window_params = [{transform_indices = @transform_0, window_bounds = array<i64: 2, 2000, 128>}, {transform_indices = @transform_1, window_bounds = array<i64: 2, 2000, 128>}, {transform_indices = @transform_2, window_bounds = array<i64: 2000, 128>}]} {
    %get3A = arith.constant 0 : index
    %get3A_0 = arith.constant 0 : index
    %get3A_1 = arith.constant 0 : index
    %get3A_2 = vector.load %arg1[%get3A, %get3A_0, %get3A_1] : memref<2x2000x128xf32, #tpu.memory_space<vmem>>, vector<1x2000x128xf32>
    %get3A_3 = vector.shape_cast %get3A_2 : vector<1x2000x128xf32> to vector<2000x128xf32>
    %get3A_4 = arith.constant 1 : index
    %get3A_5 = arith.constant 0 : index
    %get3A_6 = arith.constant 0 : index
    %get3A_7 = vector.load %arg1[%get3A_4, %get3A_5, %get3A_6] : memref<2x2000x128xf32, #tpu.memory_space<vmem>>, vector<1x2000x128xf32>
    %get3A_8 = vector.shape_cast %get3A_7 : vector<1x2000x128xf32> to vector<2000x128xf32>
    %add3A = arith.addf %get3A_3, %get3A_8 : vector<2000x128xf32>
    %get3A_9 = arith.constant 0 : index
    %get3A_10 = arith.constant 0 : index
    %get3A_11 = arith.constant 0 : index
    %get3A_12 = vector.load %arg2[%get3A_9, %get3A_10, %get3A_11] : memref<2x2000x128xf32, #tpu.memory_space<vmem>>, vector<1x2000x128xf32>
    %get3A_13 = vector.shape_cast %get3A_12 : vector<1x2000x128xf32> to vector<2000x128xf32>
    %get3A_14 = arith.constant 1 : index
    %get3A_15 = arith.constant 0 : index
    %get3A_16 = arith.constant 0 : index
    %get3A_17 = vector.load %arg2[%get3A_14, %get3A_15, %get3A_16] : memref<2x2000x128xf32, #tpu.memory_space<vmem>>, vector<1x2000x128xf32>
    %get3A_18 = vector.shape_cast %get3A_17 : vector<1x2000x128xf32> to vector<2000x128xf32>
    %add3A_19 = arith.addf %get3A_13, %get3A_18 : vector<2000x128xf32>
    %add3A_20 = arith.addf %add3A, %add3A_19 : vector<2000x128xf32>
    %swap3A = arith.constant 0 : index
    %swap3A_21 = arith.constant 0 : index
    %swap3A_22 = vector.load %arg3[%swap3A, %swap3A_21] : memref<2000x128xf32, #tpu.memory_space<vmem>>, vector<2000x128xf32>
    tpu.vector_store %arg3[%swap3A, %swap3A_21], %add3A_20 {strides = array<i32>} : memref<2000x128xf32, #tpu.memory_space<vmem>>, vector<2000x128xf32>,
    return
  }
  func.func @transform_0(%arg0: i32) -> (i32, i32, i32) {
    %c0_i32 = arith.constant 0 : i32
    %c0_i32_0 = arith.constant 0 : i32
    %c0_i32_1 = arith.constant 0 : i32
    return %c0_i32, %arg0, %c0_i32_0 : i32, i32, i32
  }
  func.func @transform_1(%arg0: i32) -> (i32, i32, i32) {
    %c0_i32 = arith.constant 0 : i32
    %c0_i32_0 = arith.constant 0 : i32
    %c0_i32_1 = arith.constant 0 : i32
    return %c0_i32, %arg0, %c0_i32_0 : i32, i32, i32
  }
  func.func @transform_2(%arg0: i32) -> (i32, i32) {
    %c0_i32 = arith.constant 0 : i32
    %c0_i32_0 = arith.constant 0 : i32
    return %arg0, %c0_i32 : i32, i32
  }
}

module attributes {stable_mosaic.version = 14 : i64} {
  func.func @_filters_body(%arg0: i32, %arg1: memref<1x2816xf32, #tpu.memory_space<vmem>>, %arg2: memref<1x64xf32, #tpu.memory_space<vmem>>, %arg3: memref<1x64xf32, #tpu.memory_space<vmem>>, %arg4: memref<64x128xf32, #tpu.memory_space<vmem>>, %arg5: memref<1x128xf32, #tpu.memory_space<vmem>>, %arg6: memref<128x128xf32, #tpu.memory_space<vmem>>, %arg7: memref<1x128xf32, #tpu.memory_space<vmem>>, %arg8: memref<2816x128xf32, #tpu.memory_space<vmem>>) attributes {dimension_semantics = [#tpu.dimension_semantics<arbitrary>], iteration_bounds = array<i64: 55>, scalar_prefetch = 0 : i64, scratch_operands = 0 : i64, tpu.core_type = #tpu.core_type<tc>, window_params = [{transform_indices = @transform_0, window_bounds = array<i64: 1, 2816>}, {pipeline_mode = #tpu.pipeline_mode<synchronous>, transform_indices = @transform_1, window_bounds = array<i64: 1, 64>}, {pipeline_mode = #tpu.pipeline_mode<synchronous>, transform_indices = @transform_2, window_bounds = array<i64: 1, 64>}, {pipeline_mode = #tpu.pipeline_mode<synchronous>, transform_indices = @transform_3, window_bounds = array<i64: 64, 128>}, {pipeline_mode = #tpu.pipeline_mode<synchronous>, transform_indices = @transform_4, window_bounds = array<i64: 1, 128>}, {pipeline_mode = #tpu.pipeline_mode<synchronous>, transform_indices = @transform_5, window_bounds = array<i64: 128, 128>}, {pipeline_mode = #tpu.pipeline_mode<synchronous>, transform_indices = @transform_6, window_bounds = array<i64: 1, 128>}, {transform_indices = @transform_7, window_bounds = array<i64: 2816, 128>}]} {
    %get3A = arith.constant 0 : index
    %get3A_0 = arith.constant 0 : index
    %get3A_1 = vector.load %arg1[%get3A, %get3A_0] : memref<1x2816xf32, #tpu.memory_space<vmem>>, vector<1x2816xf32>
    %reshape3A = vector.shape_cast %get3A_1 : vector<1x2816xf32> to vector<2816x1xf32>
    %get3A_2 = arith.constant 0 : index
    %get3A_3 = arith.constant 0 : index
    %get3A_4 = vector.load %arg3[%get3A_2, %get3A_3] : memref<1x64xf32, #tpu.memory_space<vmem>>, vector<1x64xf32>
    %neg3A = arith.constant 0.000000e+00 : f32
    %neg3A_5 = vector.broadcast %neg3A : f32 to vector<1x64xf32>
    %neg3A_6 = arith.subf %neg3A_5, %get3A_4 : vector<1x64xf32>
    %get3A_7 = arith.constant 0 : index
    %get3A_8 = arith.constant 0 : index
    %get3A_9 = vector.load %arg2[%get3A_7, %get3A_8] : memref<1x64xf32, #tpu.memory_space<vmem>>, vector<1x64xf32>
    %sub3A = vector.broadcast %reshape3A : vector<2816x1xf32> to vector<2816x64xf32>
    %sub3A_10 = vector.broadcast %get3A_9 : vector<1x64xf32> to vector<2816x64xf32>
    %sub3A_11 = arith.subf %sub3A, %sub3A_10 : vector<2816x64xf32>
    %integer_pow3A = arith.mulf %sub3A_11, %sub3A_11 : vector<2816x64xf32>
    %mul3A = vector.broadcast %neg3A_6 : vector<1x64xf32> to vector<2816x64xf32>
    %mul3A_12 = arith.mulf %mul3A, %integer_pow3A : vector<2816x64xf32>
    %exp3A = math.exp %mul3A_12 : vector<2816x64xf32>
    %get3A_13 = arith.constant 0 : index
    %get3A_14 = arith.constant 0 : index
    %get3A_15 = vector.load %arg4[%get3A_13, %get3A_14] : memref<64x128xf32, #tpu.memory_space<vmem>>, vector<64x128xf32>
    %dot_general3A = arith.constant dense<0.000000e+00> : vector<2816x128xf32>
    %dot_general3A_16 = tpu.matmul %exp3A, %get3A_15, %dot_general3A {dimension_numbers = #tpu.dot_dimension_numbers<[1], [0], [0], [1], [0, 0, 1, 1], [], []>, transpose_lhs_hint = false} : vector<2816x64xf32>, vector<64x128xf32>, vector<2816x128xf32> -> vector<2816x128xf32>
    %get3A_17 = arith.constant 0 : index
    %get3A_18 = arith.constant 0 : index
    %get3A_19 = vector.load %arg5[%get3A_17, %get3A_18] : memref<1x128xf32, #tpu.memory_space<vmem>>, vector<1x128xf32>
    %add3A = vector.broadcast %get3A_19 : vector<1x128xf32> to vector<2816x128xf32>
    %add3A_20 = arith.addf %dot_general3A_16, %add3A : vector<2816x128xf32>
    %max3A = arith.constant 0.000000e+00 : f32
    %max3A_21 = vector.broadcast %max3A : f32 to vector<2816x128xf32>
    %max3A_22 = arith.maximumf %add3A_20, %max3A_21 : vector<2816x128xf32>
    %abs3A = math.absf %add3A_20 : vector<2816x128xf32>
    %neg3A_23 = arith.constant 0.000000e+00 : f32
    %neg3A_24 = vector.broadcast %neg3A_23 : f32 to vector<2816x128xf32>
    %neg3A_25 = arith.subf %neg3A_24, %abs3A : vector<2816x128xf32>
    %exp3A_26 = math.exp %neg3A_25 : vector<2816x128xf32>
    %log1p3A = math.log1p %exp3A_26 : vector<2816x128xf32>
    %add3A_27 = arith.addf %max3A_22, %log1p3A : vector<2816x128xf32>
    %sub3A_28 = arith.constant 0.693147182 : f32
    %sub3A_29 = vector.broadcast %sub3A_28 : f32 to vector<2816x128xf32>
    %sub3A_30 = arith.subf %add3A_27, %sub3A_29 : vector<2816x128xf32>
    %get3A_31 = arith.constant 0 : index
    %get3A_32 = arith.constant 0 : index
    %get3A_33 = vector.load %arg6[%get3A_31, %get3A_32] : memref<128x128xf32, #tpu.memory_space<vmem>>, vector<128x128xf32>
    %dot_general3A_34 = arith.constant dense<0.000000e+00> : vector<2816x128xf32>
    %dot_general3A_35 = tpu.matmul %sub3A_30, %get3A_33, %dot_general3A_34 {dimension_numbers = #tpu.dot_dimension_numbers<[1], [0], [0], [1], [0, 0, 1, 1], [], []>, transpose_lhs_hint = false} : vector<2816x128xf32>, vector<128x128xf32>, vector<2816x128xf32> -> vector<2816x128xf32>
    %get3A_36 = arith.constant 0 : index
    %get3A_37 = arith.constant 0 : index
    %get3A_38 = vector.load %arg7[%get3A_36, %get3A_37] : memref<1x128xf32, #tpu.memory_space<vmem>>, vector<1x128xf32>
    %add3A_39 = vector.broadcast %get3A_38 : vector<1x128xf32> to vector<2816x128xf32>
    %add3A_40 = arith.addf %dot_general3A_35, %add3A_39 : vector<2816x128xf32>
    %max3A_41 = arith.constant 0.000000e+00 : f32
    %max3A_42 = vector.broadcast %max3A_41 : f32 to vector<2816x128xf32>
    %max3A_43 = arith.maximumf %add3A_40, %max3A_42 : vector<2816x128xf32>
    %abs3A_44 = math.absf %add3A_40 : vector<2816x128xf32>
    %neg3A_45 = arith.constant 0.000000e+00 : f32
    %neg3A_46 = vector.broadcast %neg3A_45 : f32 to vector<2816x128xf32>
    %neg3A_47 = arith.subf %neg3A_46, %abs3A_44 : vector<2816x128xf32>
    %exp3A_48 = math.exp %neg3A_47 : vector<2816x128xf32>
    %log1p3A_49 = math.log1p %exp3A_48 : vector<2816x128xf32>
    %add3A_50 = arith.addf %max3A_43, %log1p3A_49 : vector<2816x128xf32>
    %sub3A_51 = arith.constant 0.693147182 : f32
    %sub3A_52 = vector.broadcast %sub3A_51 : f32 to vector<2816x128xf32>
    %sub3A_53 = arith.subf %add3A_50, %sub3A_52 : vector<2816x128xf32>
    %swap3A = arith.constant 0 : index
    %swap3A_54 = arith.constant 0 : index
    %swap3A_55 = vector.load %arg8[%swap3A, %swap3A_54] : memref<2816x128xf32, #tpu.memory_space<vmem>>, vector<2816x128xf32>
    tpu.vector_store %arg8[%swap3A, %swap3A_54], %sub3A_53 {strides = array<i32>} : memref<2816x128xf32, #tpu.memory_space<vmem>>, vector<2816x128xf32>,
    return
  }
  func.func @transform_0(%arg0: i32) -> (i32, i32) {
    %c0_i32 = arith.constant 0 : i32
    %c0_i32_0 = arith.constant 0 : i32
    return %c0_i32, %arg0 : i32, i32
  }
  func.func @transform_1(%arg0: i32) -> (i32, i32) {
    %c0_i32 = arith.constant 0 : i32
    %c0_i32_0 = arith.constant 0 : i32
    %c0_i32_1 = arith.constant 0 : i32
    return %c0_i32, %c0_i32_0 : i32, i32
  }
  func.func @transform_2(%arg0: i32) -> (i32, i32) {
    %c0_i32 = arith.constant 0 : i32
    %c0_i32_0 = arith.constant 0 : i32
    %c0_i32_1 = arith.constant 0 : i32
    return %c0_i32, %c0_i32_0 : i32, i32
  }
  func.func @transform_3(%arg0: i32) -> (i32, i32) {
    %c0_i32 = arith.constant 0 : i32
    %c0_i32_0 = arith.constant 0 : i32
    %c0_i32_1 = arith.constant 0 : i32
    return %c0_i32, %c0_i32_0 : i32, i32
  }
  func.func @transform_4(%arg0: i32) -> (i32, i32) {
    %c0_i32 = arith.constant 0 : i32
    %c0_i32_0 = arith.constant 0 : i32
    %c0_i32_1 = arith.constant 0 : i32
    return %c0_i32, %c0_i32_0 : i32, i32
  }
  func.func @transform_5(%arg0: i32) -> (i32, i32) {
    %c0_i32 = arith.constant 0 : i32
    %c0_i32_0 = arith.constant 0 : i32
    %c0_i32_1 = arith.constant 0 : i32
    return %c0_i32, %c0_i32_0 : i32, i32
  }
  func.func @transform_6(%arg0: i32) -> (i32, i32) {
    %c0_i32 = arith.constant 0 : i32
    %c0_i32_0 = arith.constant 0 : i32
    %c0_i32_1 = arith.constant 0 : i32
    return %c0_i32, %c0_i32_0 : i32, i32
  }
  func.func @transform_7(%arg0: i32) -> (i32, i32) {
    %c0_i32 = arith.constant 0 : i32
    %c0_i32_0 = arith.constant 0 : i32
    return %arg0, %c0_i32 : i32, i32
  }
}

</mosaic_0001>

<sc_bundles>
// kernel: kernel.10.cloned.1.call-start
scs
__scs_entry_jumppad:
0x0: {  	(pc) =	sbr.rel $0x88, $3  }
0x1: {  	(tag) =	ssettag $0x0;
	lr =	simm.s32 $0x1  }
0x2: {  	[smem:$0x3F97] =	sst lr;
	_ =	strace $0xD0000000  }
0x3: {  	_ = 	snop  }
0x4: {  	_ = 	snop  }
0x5: {  	_ = 	snop  }
0x6: {  	_ = 	snop  }
0x7: {  	_ = 	snop  }
__scs_overlays_trampoline_lowered:
0x8: {  	[smem:$0x3FA6] =	sst s0  }
0x9: {  	[smem:$0x3FA7] =	sst s1  }
0xa: {  	[smem:$0x3FA8] =	sst s2  }
0xb: {  	[smem:$0x3FA9] =	sst s3  }
0xc: {  	[smem:$0x3FAA] =	sst s4  }
0xd: {  	[smem:$0x3FAB] =	sst s5  }
0xe: {  	[smem:$0x3FAC] =	sst s6  }
0xf: {  	[smem:$0x3FAD] =	sst s7  }
0x10: {  	[smem:$0x3FAE] =	sst s8  }
0x11: {  	[smem:$0x3FAF] =	sst s9;
	s0 =	simm.s32 @!p0 $0x0  }
0x12: {  	s1 =	sld [smem:$0x3F95];
	s0 =	simm.s32 @p0 $0x1  }
0x13: {  	[smem:$0x3FB0] =	sst s0;
	s0 =	simm.s32 @!p1 $0x0  }
0x14: {  	s2 =	sld [smem:$0x3F94];
	s0 =	simm.s32 @p1 $0x1  }
0x15: {  	[smem:$0x3FB1] =	sst s0;
	s0 =	simm.s32 @!p2 $0x0  }
0x16: {  	s3 =	sld [smem:$0x3FDB];
	s0 =	simm.s32 @p2 $0x1  }
0x17: {  	s4 =	simm.s32 $0x1BF5;
	[smem:$0x3FB3] =	sst s0  }
0x18: {  	s0 =	sld [smem:$0x3F96];
	_ =	swait.ge [sflag:s4], $0x0  }
0x19: {  	s7 =	sld [smem:$0x3F97]  }
0x1a: {  	s8 =	sadd.s32 $0xFFFFE003, lr  }
0x1b: {  	s9 =	sadd.s32 $0xFFFFFEF7, lr;
	s5 =	simm.s32 $0xFFFFFFFF;
	p2 =	slt.u32 s8, $0xFFFFF086  }
0x1c: {  	p1 =	slt.u32 s9, $0xF7A;
	s5 =	simm.s32 @!p2 $0x0  }
0x1d: {  	s5 =	simm.s32 @p1 $0x1;
	p0 =	seq.s32 s7, s2  }
0x1e: {  	s7 =	smul.u32 @!p0 $0xF7A, s2;
	p2 =	seq.s32 @!p0 s5, $0x0  }
0x1f: {  	s9 =	smul.u32 $0xF7A, s1;
	s8 =	simm.s32 @!p0 $0x1BF5;
	p2 =	por !p2, p0  }
0x20: {  	[sflag:s8] =	ssyncset.s32 @!p0 $0xFFFFF086;
	s6 =	sadd.s32 @!p0 s3, s7;
	s7 =	simm.s32 @!p0 $0x108  }
0x21: {  	s3 =	sadd.s32 s3, s9;
	s6 =	sadd.s32 @!p0 $0x88, s6;
	s7 =	simm.s32 @p2 $0x1082  }
0x22: {  	[simem:s7], [sflag:s8] =	dma.local @!p0 [hbm:s6], $0xF7A  }
0x23: {  	s9 =	sor.u32 $0xD0000000, s2;
	s6 =	simm.s32 $0x108;
	_ =	swait.ge @!p0 [sflag:s8], $0x0  }
0x24: {  	s3 =	sadd.s32 $0x88, s3;
	s6 =	simm.s32 @!p1 $0x1082;
	[sflag:s4] =	ssyncset.s32 $0xFFFFF086  }
0x25: {  	[simem:s6], [sflag:s4] =	dma.local [hbm:s3], $0xF7A  }
0x26: {  	[smem:$0x3F97] =	sst s1;
	(tag) =	ssettag s2;
	_ =	strace s9  }
0x27: {  	s1 =	sld [smem:$0x3FA7]  }
0x28: {  	s2 =	sld [smem:$0x3FA8]  }
0x29: {  	s4 =	sld [smem:$0x3FAA]  }
0x2a: {  	p0 =	seq.s32 s5, $0x0;
	s5 =	sld [smem:$0x3FAB]  }
0x2b: {  	s6 =	sld [smem:$0x3FAC]  }
0x2c: {  	s7 =	sld [smem:$0x3FAD]  }
0x2d: {  	s3 =	simm.s32 $0x108;
	s8 =	sld [smem:$0x3FAE]  }
0x2e: {  	s3 =	simm.s32 @!p0 $0x1082;
	s9 =	sld [smem:$0x3FAF]  }
0x2f: {  	lr =	sadd.s32 s0, s3;
	s0 =	sld [smem:$0x3FA6]  }
0x30: {  	s3 =	sld [smem:$0x3FA9]  }
0x31: {  	[smem:$0x3FB2] =	sst s10  }
0x32: {  	s10 =	sld [smem:$0x3FB0];
	_ =	sdelay $0x3  }
0x33: {  	p0 =	seq.s32 s10, $0x1;
	s10 =	sld [smem:$0x3FB2];
	_ =	sdelay $0x3  }
0x34: {  	[smem:$0x3FB2] =	sst s10  }
0x35: {  	s10 =	sld [smem:$0x3FB1];
	_ =	sdelay $0x3  }
0x36: {  	p1 =	seq.s32 s10, $0x1;
	s10 =	sld [smem:$0x3FB2];
	_ =	sdelay $0x3  }
0x37: {  	[smem:$0x3FB2] =	sst s10  }
0x38: {  	s10 =	sld [smem:$0x3FB3]  }
0x39: {  	_ = 	snop;
	(pc) =	sbr.ind lr, $3  }
0x3a: {  	_ = 	snop  }
0x3b: {  	_ = 	snop  }
0x3c: {  	p2 =	seq.s32 s10, $0x1;
	s10 =	sld [smem:$0x3FB2]  }
0x3d: {  	_ =	shalt  }
0x3e: {  	_ =	shalt  }
0x3f: {  	_ =	shalt  }
0x40: {  	_ =	shalt  }
0x41: {  	_ =	shalt  }
0x42: {  	_ =	shalt  }
0x43: {  	_ =	shalt  }
0x44: {  	_ =	shalt  }
0x45: {  	_ =	shalt  }
0x46: {  	_ =	shalt  }
0x47: {  	_ =	shalt  }
0x48: {  	_ =	shalt  }
0x49: {  	_ =	shalt  }
0x4a: {  	_ =	shalt  }
0x4b: {  	_ =	shalt  }
0x4c: {  	_ =	shalt  }
0x4d: {  	_ =	shalt  }
0x4e: {  	_ =	shalt  }
0x4f: {  	_ =	shalt  }
0x50: {  	_ =	shalt  }
0x51: {  	_ =	shalt  }
0x52: {  	_ =	shalt  }
0x53: {  	_ =	shalt  }
0x54: {  	_ =	shalt  }
0x55: {  	_ =	shalt  }
0x56: {  	_ =	shalt  }
0x57: {  	_ =	shalt  }
0x58: {  	_ =	shalt  }
0x59: {  	_ =	shalt  }
0x5a: {  	_ =	shalt  }
0x5b: {  	_ =	shalt  }
0x5c: {  	_ =	shalt  }
0x5d: {  	_ =	shalt  }
0x5e: {  	_ =	shalt  }
0x5f: {  	_ =	shalt  }
0x60: {  	_ =	shalt  }
0x61: {  	_ =	shalt  }
0x62: {  	_ =	shalt  }
0x63: {  	_ =	shalt  }
0x64: {  	_ =	shalt  }
0x65: {  	_ =	shalt  }
0x66: {  	_ =	shalt  }
0x67: {  	_ =	shalt  }
0x68: {  	_ =	shalt  }
0x69: {  	_ =	shalt  }
0x6a: {  	_ =	shalt  }
0x6b: {  	_ =	shalt  }
0x6c: {  	_ =	shalt  }
0x6d: {  	_ =	shalt  }
0x6e: {  	_ =	shalt  }
0x6f: {  	_ =	shalt  }
0x70: {  	_ =	shalt  }
0x71: {  	_ =	shalt  }
0x72: {  	_ =	shalt  }
0x73: {  	_ =	shalt  }
0x74: {  	_ =	shalt  }
0x75: {  	_ =	shalt  }
0x76: {  	_ =	shalt  }
0x77: {  	_ =	shalt  }
0x78: {  	_ =	shalt  }
0x79: {  	_ =	shalt  }
0x7a: {  	_ =	shalt  }
0x7b: {  	_ =	shalt  }
0x7c: {  	_ =	shalt  }
0x7d: {  	_ =	shalt  }
0x7e: {  	_ =	shalt  }
0x7f: {  	_ =	shalt  }
0x80: {  	_ =	shalt  }
0x81: {  	_ =	shalt  }
0x82: {  	_ =	shalt  }
0x83: {  	_ =	shalt  }
0x84: {  	_ =	shalt  }
0x85: {  	_ =	shalt  }
0x86: {  	_ =	shalt  }
0x87: {  	_ =	shalt  }
.Lfunc_end0:
.L_simem_size_0:
called_computation.1_lowered:
.L_overlay_start_0:
0x88: {  	s2 =	sld [smem:$0x3FD9]  }
0x89: {  	s3 =	sld [smem:$0x3FFE];
	_ =	sdelay $0x1  }
0x8a: {  	s1 =	srdreg.scid  }
0x8b: {  	s0 =	sand.u32 $0x1, s1  }
0x8c: {  	s17 =	sshll.u32 s0, $0xA;
	s2 =	sadd.s32 s3, s2  }
0x8d: {  	s2 =	sadd.s32 s2, s17  }
0x8e: {  	[smem:$0x3FBE] =	sst s2  }
0x8f: {  	_ = 	snop  }
0x90: {  	s2 =	sld [smem:$0x3FC9]  }
0x91: {  	s18 =	sld [smem:$0x3FD0];
	(tm) =	ssettm $0x1  }
0x92: {  	s4 =	sld [smem:$0x3FFB];
	_ =	sdelay $0x3  }
0x93: {  	_ =	strace s4  }
0x94: {  	s4 =	sld [smem:$0x3FFC];
	_ =	sdelay $0x3  }
0x95: {  	_ =	strace s4  }
0x96: {  	s4 =	sld [smem:$0x3FFD];
	_ =	sdelay $0x3  }
0x97: {  	_ =	strace s4  }
0x98: {  	_ =	strace $0x8FFFFFFF  }
0x99: {  	s19 =	sld [smem:$0x3FDB];
	_ =	sdelay $0x1  }
0x9a: {  	s5 =	simm.s32 $_scs_section_size  }
0x9b: {  	s6 =	simm.s32 $_size__tile_overlayer_lowered;
	s7 =	simm.s32 $_tile_overlayer_lowered  }
0x9c: {  	s22 =	simm.s32 $0x1BFF;
	s21 =	sshll.u32 s7, $0x1;
	s4 =	sadd.s32 s5, s19  }
0x9d: {  	s8 =	simm.s32 $0x0;
	s20 =	sshll.u32 s6, $0x1;
	s6 =	sadd.s32 s21, s4  }
0x9e: {  	[timem:s8], [sflag:s22] =	dma.local [hbm:s6], s20  }
0x9f: {  	_ =	swait.ge [sflag:s22], s20  }
0xa0: {  	s5 =	ssub.s32 $0x0, s20;
	[sflag:s22] =	ssyncset.done $0x0  }
0xa1: {  	[sflag:s22] =	ssyncadd.s32 s5;
	_ =	sdelay $0x1  }
0xa2: {  	s23 =	simm.s32 $0x1B8B  }
0xa3: {  	_ =	swait.ge [sflag:s23], $0x1  }
0xa4: {  	[sflag:s23] =	ssyncset.done $0x0  }
0xa5: {  	s25 =	simm.s32 $0x1B8E;
	s24 =	sld [smem:$0x3FFE];
	[sflag:s23] =	ssyncadd.s32 $0xFFFFFFFF  }
0xa6: {  	s26 =	simm.s32 $execute0_lowered;
	[smem:$0x3FD2] =	sst s25  }
0xa7: {  	s6 =	sshll.u32 s26, $0x1;
	_ =	strace $0x80000046;
	[dreg:$0x1] =	wrdreg $0xFFFFFFFF  }
0xa8: {  	s28 =	simm.s32 $_size_execute0_lowered;
	s4 =	sadd.s32 s4, s6;
	[dreg:$0x0] =	wrdreg $0x0  }
0xa9: {  	s6 =	sshll.u32 s28, $0x1;
	[dreg:$0x2] =	wrdreg s4  }
0xaa: {  	[dreg:$0x3] =	wrdreg s6  }
0xab: {  	[dreg:$0x4] =	wrdreg $0xC0  }
0xac: {  	_ =	task [dreg:s8], $0x5FFFF  }
0xad: {  	[dreg:$0x1] =	wrdreg $0xFFFFFFFF  }
0xae: {  	[dreg:$0x0] =	wrdreg $0x60  }
0xaf: {  	[dreg:$0x2] =	wrdreg s2  }
0xb0: {  	[dreg:$0x3] =	wrdreg s24  }
0xb1: {  	[dreg:$0x4] =	wrdreg s18  }
0xb2: {  	[dreg:$0x5] =	wrdreg $0x52000  }
0xb3: {  	[dreg:$0x6] =	wrdreg $0xA  }
0xb4: {  	_ =	task.clear_ibuf [dreg:s8], $0x7FFFF;
	_ =	strace $0x90000046  }
0xb5: {  	s29 =	simm.s32 $0xA;
	_ =	strace $0x80000048  }
0xb6: {  	_ =	swait.ge [sflag:s29], $0x1  }
0xb7: {  	[sflag:s29] =	ssyncadd.s32 $0xFFFFFFFF  }
0xb8: {  	_ =	strace $0x90000048  }
0xb9: {  	_ =	sfence  }
0xba: {  	s30 =	sld [smem:$0x0];
	_ =	sdelay $0x2  }
0xbb: {  	s31 =	sshll.u32 s1, $0xD;
	s1 =	sshrl.u32 s1, $0x2  }
0xbc: {  	s3 =	sand.u32 $0x4000, s31;
	s1 =	sadd.s32 s1, s30  }
0xbd: {  	s0 =	sor.u32 s3, s0;
	s1 =	sshll.u32 s1, $0x11  }
0xbe: {  	s0 =	sor.u32 s1, s0  }
0xbf: {  	s0 =	sadd.s32 $0x8F2B, s0  }
0xc0: {  	[sflag:s0] =	ssyncadd.remote.s32 $0x1  }
0xc1: {  	_ =	sfence.sel $0xFFFF  }
0xc2: {  	[dreg:$0x0] =	wrdreg $0xFFFFFFFF;
	(pc) =	sbr.abs _section_cstart, $3  }
0xc3: {  	[dreg:$0x1] =	wrdreg $0xFFFFFFFF  }
0xc4: {  	_ =	task.clear_ibuf [dreg:s8], $0x2FFFF;
	_ =	strace $0x9FFFFFFF  }
0xc5: {  	(tm) =	ssettm $0x7FFFFFFF  }
tec
execute0_lowered:
.L_overlay_start_1:
0x0: {  	(tag) =	ssettag $0x1  }
0x1: {  	s1 =	rddreg [dreg:$0x0]  }
0x2: {  	s0 =	rddreg [dreg:$0x1]  }
0x3: {  	s2 =	rddreg [dreg:$0x2]  }
0x4: {  	s3 =	rddreg [dreg:$0x3];
	s4 =	simm.s32 $0x0  }
0x5: {  	s5 =	srdreg.scid;
	s14 =	stileid.u32;
	s28 =	simm.s32 $0x3  }
0x6: {  	s29 =	simm.s32 $0x7;
	s30 =	simm.s32 $0x2;
	[smem:$0x7FF] =	sst s4  }
0x7: {  	s5 =	sand.u32 $0x1, s5;
	s6 =	sadd.s32 $0x7400, s0;
	s9 =	smul.u32 $0x4E000, s14  }
0x8: {  	s7 =	sadd.s32 $0x2200, s0;
	s18 =	sadd.s32 $0x138000, s3;
	s24 =	smul.u32 $0x13800, s14  }
0x9: {  	p0 =	sne.s32 s14, $0x0;
	_ =	strace $0x80000047;
	s8 =	sshll.u32 s5, $0x4  }
0xa: {  	s10 =	ssub.s32 $0x2, s5;
	[dreg:$0x7] =	wrdreg s18;
	s9 =	sshrl.u32 s9, $0x2  }
0xb: {  	s5 =	smul.u32 $0x138800, s5;
	s8 =	sor.u32 s14, s8;
	s22 =	sadd.s32 s9, s3  }
0xc: {  	s12 =	smul.u32 $0x1428, s8;
	s9 =	sadd.s32 $0x12C00, s22;
	[dreg:$0x5] =	wrdreg s22  }
0xd: {  	s8 =	smul.u32 $0x14280, s8;
	s14 =	sadd.s32 $0x6400, s22;
	[dreg:$0x6] =	wrdreg s9  }
0xe: {  	s26 =	sadd.s32 s24, s5;
	s15 =	sadd.s32 $0x7800, s22;
	[dreg:$0x15] =	wrdreg s14  }
0xf: {  	s16 =	sadd.s32 $0x8C00, s22;
	s24 =	sadd.s32 $0xF000, s22;
	[dreg:$0x16] =	wrdreg s15  }
0x10: {  	s19 =	sshrl.u32 s12, $0x3;
	s21 =	sadd.s32 $0x28, s12;
	[dreg:$0x17] =	wrdreg s16  }
0x11: {  	s8 =	sadd.s32 s6, s8;
	s17 =	sadd.s32 $0x50, s12;
	[dreg:$0x1c] =	wrdreg s24  }
0x12: {  	s18 =	sadd.s32 $0x78, s12;
	s12 =	sadd.s32 $0x3C00, s22;
	[dreg:$0xc] =	wrdreg s8  }
0x13: {  	s11 =	sshrl.u32 s10, $0x1;
	s20 =	sadd.s32 s2, s19;
	[dreg:$0x13] =	wrdreg s12  }
0x14: {  	s10 =	ssub.s32 s10, s11;
	s9 =	sadd.s32 s7, s19;
	[dreg:$0x8] =	wrdreg s20  }
0x15: {  	s23 =	sshrl.u32 s21, $0x3;
	s19 =	sadd.s32 $0xA000, s22;
	[dreg:$0x9] =	wrdreg s9  }
0x16: {  	s11 =	sshll.u32 s21, $0x4;
	s21 =	sadd.s32 $0xC800, s22;
	[dreg:$0x18] =	wrdreg s19  }
0x17: {  	s8 =	sshrl.u32 s26, $0x3;
	s26 =	sadd.s32 $0x11800, s22;
	[dreg:$0x1a] =	wrdreg s21  }
0x18: {  	s31 =	simm.s32 $0x4;
	s13 =	sadd.s32 s2, s23;
	[dreg:$0x1e] =	wrdreg s26  }
0x19: {  	s0 =	sadd.s32 $0x28C400, s0;
	s9 =	sadd.s32 s7, s23;
	[dreg:$0xa] =	wrdreg s13  }
0x1a: {  	s5 =	sshrl.u32 s5, $0x3;
	s25 =	sadd.s32 s6, s11;
	[dreg:$0xb] =	wrdreg s9  }
0x1b: {  	s5 =	sadd.s32 s0, s5;
	s0 =	sadd.s32 s0, s8;
	[dreg:$0xd] =	wrdreg s25  }
0x1c: {  	s14 =	simm.s32 $0x9;
	s8 =	sadd.s32 $0x27000, s5;
	[dreg:$0xe] =	wrdreg s0  }
0x1d: {  	s15 =	simm.s32 $0x100;
	s11 =	sadd.s32 $0x2800, s22;
	[dreg:$0xf] =	wrdreg s8  }
0x1e: {  	s16 =	simm.s32 $0x80;
	s20 =	sadd.s32 $0xB400, s22;
	[dreg:$0x12] =	wrdreg s11  }
0x1f: {  	s24 =	simm.s32 $0x1600;
	s23 =	sadd.s32 $0xDC00, s22;
	[dreg:$0x19] =	wrdreg s20  }
0x20: {  	s19 =	simm.s32 $0x180;
	s9 =	smax.u32 s10, $0x1;
	[dreg:$0x1b] =	wrdreg s23  }
0x21: {  	s21 =	simm.s32 $0x28;
	s10 =	sadd.s32 $0x1400, s22;
	[dreg:$0x10] =	wrdreg s9  }
0x22: {  	s26 =	simm.s32 $0x1;
	s13 =	sadd.s32 $0x5000, s22;
	[dreg:$0x11] =	wrdreg s10  }
0x23: {  	s25 =	sadd.s32 $0x10400, s22;
	s20 =	simm.s32 $0x5;
	[dreg:$0x14] =	wrdreg s13  }
0x24: {  	s23 =	simm.s32 $0x6;
	s0 =	simm.s32 $0x8;
	[dreg:$0x1d] =	wrdreg s25  }
0x25: {  	v0 =	vimm.f32 $0.0e+00;
	s13 =	simm.s32 $0x200;
	s25 =	simm.s32 $0x3E00;
	s9 =	simm.s32 $0x0  }
.LBB2_1:
0x26: {  	[dreg:$0x1f] =	wrdreg s9;
	s5 =	simm.s32 $0x0;
	s8 =	simm.s32 $0x200  }
.LBB2_2:
0x27: {  	p1 =	sne.s32 s8, $0x4E00;
	[tilespmem:s5+$0x270] =	vst v0  }
0x28: {  	[tilespmem:s5+$0x200] =	vst v0  }
0x29: {  	[tilespmem:s5+$0x210] =	vst v0  }
.Ltmp0:
0x2a: {  	[tilespmem:s5+$0x220] =	vst v0;
	(pc) =	sbr.rel @p1 .LBB2_2-.Ltmp0, $4  }
0x2b: {  	[tilespmem:s5+$0x230] =	vst v0  }
0x2c: {  	[tilespmem:s5+$0x240] =	vst v0  }
0x2d: {  	[tilespmem:s5+$0x250] =	vst v0  }
0x2e: {  	[tilespmem:s5+$0x260] =	vst v0;
	s5 =	sshra.s32 s8, $0x2;
	s8 =	sadd.s32 $0x200, s8  }
0x2f: {  	[tilespmem:s5+$0x270] =	vst v0  }
0x30: {  	[tilespmem:s5+$0x200] =	vst v0  }
0x31: {  	[tilespmem:s5+$0x210] =	vst v0  }
0x32: {  	[tilespmem:s5+$0x220] =	vst v0  }
0x33: {  	[tilespmem:s5+$0x230] =	vst v0  }
0x34: {  	[tilespmem:s5+$0x240] =	vst v0  }
0x35: {  	[tilespmem:s5+$0x250] =	vst v0  }
0x36: {  	[tilespmem:s5+$0x260] =	vst v0  }
0x37: {  	[spmem:s22] =	stream.linear.scatter [tilespmem:s13], [sflag:$0x9], $0x1400, $0x38;
	[tilespmem:$0x18A80] =	vst v63  }
0x38: {  	_ =	swait.ge [sflag:s14], $0x1400  }
0x39: {  	[sflag:s14] =	ssyncset.done $0x0  }
0x3a: {  	s9 =	rddreg [dreg:$0x11];
	[sflag:s14] =	ssyncadd.s32 $0xFFFFEC00  }
0x3b: {  	[spmem:s9] =	stream.linear.scatter [tilespmem:s13], [sflag:$0x9], $0x1400, $0x38;
	[tilespmem:$0x18A80] =	vst v63  }
0x3c: {  	_ =	swait.ge [sflag:s14], $0x1400  }
0x3d: {  	[sflag:s14] =	ssyncset.done $0x0  }
0x3e: {  	s10 =	rddreg [dreg:$0x12];
	[sflag:s14] =	ssyncadd.s32 $0xFFFFEC00  }
0x3f: {  	[spmem:s10] =	stream.linear.scatter [tilespmem:s13], [sflag:$0x9], $0x1400, $0x38;
	[tilespmem:$0x18A80] =	vst v63  }
0x40: {  	_ =	swait.ge [sflag:s14], $0x1400  }
0x41: {  	[sflag:s14] =	ssyncset.done $0x0  }
0x42: {  	s11 =	rddreg [dreg:$0x13];
	[sflag:s14] =	ssyncadd.s32 $0xFFFFEC00  }
0x43: {  	[spmem:s11] =	stream.linear.scatter [tilespmem:s13], [sflag:$0x9], $0x1400, $0x38;
	[tilespmem:$0x18A80] =	vst v63  }
0x44: {  	_ =	swait.ge [sflag:s14], $0x1400  }
0x45: {  	[sflag:s14] =	ssyncset.done $0x0  }
0x46: {  	s12 =	rddreg [dreg:$0x14];
	[sflag:s14] =	ssyncadd.s32 $0xFFFFEC00  }
0x47: {  	[spmem:s12] =	stream.linear.scatter [tilespmem:s13], [sflag:$0x9], $0x1400, $0x38;
	[tilespmem:$0x18A80] =	vst v63  }
0x48: {  	_ =	swait.ge [sflag:s14], $0x1400  }
0x49: {  	[sflag:s14] =	ssyncset.done $0x0  }
0x4a: {  	s22 =	rddreg [dreg:$0x15];
	[sflag:s14] =	ssyncadd.s32 $0xFFFFEC00  }
0x4b: {  	[spmem:s22] =	stream.linear.scatter [tilespmem:s13], [sflag:$0x9], $0x1400, $0x38;
	[tilespmem:$0x18A80] =	vst v63  }
0x4c: {  	_ =	swait.ge [sflag:s14], $0x1400  }
0x4d: {  	[sflag:s14] =	ssyncset.done $0x0  }
0x4e: {  	s8 =	rddreg [dreg:$0x16];
	[sflag:s14] =	ssyncadd.s32 $0xFFFFEC00  }
0x4f: {  	[spmem:s8] =	stream.linear.scatter [tilespmem:s13], [sflag:$0x9], $0x1400, $0x38;
	[tilespmem:$0x18A80] =	vst v63  }
0x50: {  	_ =	swait.ge [sflag:s14], $0x1400  }
0x51: {  	[sflag:s14] =	ssyncset.done $0x0  }
0x52: {  	s9 =	rddreg [dreg:$0x17];
	[sflag:s14] =	ssyncadd.s32 $0xFFFFEC00  }
0x53: {  	[spmem:s9] =	stream.linear.scatter [tilespmem:s13], [sflag:$0x9], $0x1400, $0x38;
	[tilespmem:$0x18A80] =	vst v63  }
0x54: {  	_ =	swait.ge [sflag:s14], $0x1400  }
0x55: {  	[sflag:s14] =	ssyncset.done $0x0  }
0x56: {  	s10 =	rddreg [dreg:$0x18];
	[sflag:s14] =	ssyncadd.s32 $0xFFFFEC00  }
0x57: {  	[spmem:s10] =	stream.linear.scatter [tilespmem:s13], [sflag:$0x9], $0x1400, $0x38;
	[tilespmem:$0x18A80] =	vst v63  }
0x58: {  	_ =	swait.ge [sflag:s14], $0x1400  }
0x59: {  	[sflag:s14] =	ssyncset.done $0x0  }
0x5a: {  	s11 =	rddreg [dreg:$0x19];
	[sflag:s14] =	ssyncadd.s32 $0xFFFFEC00  }
0x5b: {  	[spmem:s11] =	stream.linear.scatter [tilespmem:s13], [sflag:$0x9], $0x1400, $0x38;
	[tilespmem:$0x18A80] =	vst v63  }
0x5c: {  	_ =	swait.ge [sflag:s14], $0x1400  }
0x5d: {  	[sflag:s14] =	ssyncset.done $0x0  }
0x5e: {  	s12 =	rddreg [dreg:$0x1a];
	[sflag:s14] =	ssyncadd.s32 $0xFFFFEC00  }
0x5f: {  	[spmem:s12] =	stream.linear.scatter [tilespmem:s13], [sflag:$0x9], $0x1400, $0x38;
	[tilespmem:$0x18A80] =	vst v63  }
0x60: {  	_ =	swait.ge [sflag:s14], $0x1400  }
0x61: {  	[sflag:s14] =	ssyncset.done $0x0  }
0x62: {  	s22 =	rddreg [dreg:$0x1b];
	[sflag:s14] =	ssyncadd.s32 $0xFFFFEC00  }
0x63: {  	[spmem:s22] =	stream.linear.scatter [tilespmem:s13], [sflag:$0x9], $0x1400, $0x38;
	[tilespmem:$0x18A80] =	vst v63  }
0x64: {  	_ =	swait.ge [sflag:s14], $0x1400  }
0x65: {  	[sflag:s14] =	ssyncset.done $0x0  }
0x66: {  	s8 =	rddreg [dreg:$0x1c];
	[sflag:s14] =	ssyncadd.s32 $0xFFFFEC00  }
0x67: {  	[spmem:s8] =	stream.linear.scatter [tilespmem:s13], [sflag:$0x9], $0x1400, $0x38;
	[tilespmem:$0x18A80] =	vst v63  }
0x68: {  	_ =	swait.ge [sflag:s14], $0x1400  }
0x69: {  	[sflag:s14] =	ssyncset.done $0x0  }
0x6a: {  	s9 =	rddreg [dreg:$0x1d];
	[sflag:s14] =	ssyncadd.s32 $0xFFFFEC00  }
0x6b: {  	[spmem:s9] =	stream.linear.scatter [tilespmem:s13], [sflag:$0x9], $0x1400, $0x38;
	[tilespmem:$0x18A80] =	vst v63  }
0x6c: {  	_ =	swait.ge [sflag:s14], $0x1400  }
0x6d: {  	[sflag:s14] =	ssyncset.done $0x0  }
0x6e: {  	s10 =	rddreg [dreg:$0x1e];
	[sflag:s14] =	ssyncadd.s32 $0xFFFFEC00  }
0x6f: {  	[spmem:s10] =	stream.linear.scatter [tilespmem:s13], [sflag:$0x9], $0x1400, $0x38;
	[tilespmem:$0x18A80] =	vst v63  }
0x70: {  	_ =	swait.ge [sflag:s14], $0x1400  }
0x71: {  	[sflag:s14] =	ssyncset.done $0x0  }
0x72: {  	s11 =	rddreg [dreg:$0x6];
	[sflag:s14] =	ssyncadd.s32 $0xFFFFEC00  }
0x73: {  	[spmem:s11] =	stream.linear.scatter [tilespmem:s13], [sflag:$0x9], $0xC00, $0x38;
	[tilespmem:$0x18A80] =	vst v63  }
0x74: {  	_ =	swait.ge [sflag:s14], $0xC00  }
0x75: {  	[sflag:s14] =	ssyncset.done $0x0  }
0x76: {  	s5 =	simm.s32 @!p0 $0x200;
	s8 =	rddreg [dreg:$0x7];
	[sflag:s14] =	ssyncadd.s32 $0xFFFFF400  }
0x77: {  	[spmem:s8] =	stream.linear.scatter @!p0 [tilespmem:s5], [sflag:$0x9], $0x800, $0x38;
	[tilespmem:$0x18A80] =	vst v63  }
0x78: {  	s5 =	simm.s32 @!p0 $0x9  }
0x79: {  	_ =	swait.ge @!p0 [sflag:s5], $0x800  }
0x7a: {  	[sflag:s5] =	ssyncset.done @!p0 $0x0  }
0x7b: {  	[sflag:s5] =	ssyncadd.s32 @!p0 $0xFFFFF800  }
0x7c: {  	[bflag:$0x0] =	sbarrier.arrive $0xFFFF  }
0x7d: {  	s9 =	simm.s32 $0x0;
	s12 =	rddreg [dreg:$0x8]  }
0x7e: {  	[tilespmem:s9], [sflag:$0x5] =	stream.linear.gather [hbm4b:s12+s9], $0x28, $0x38;
	[tilespmem:$0x18A80] =	vst v63  }
0x7f: {  	s22 =	rddreg [dreg:$0x9]  }
0x80: {  	[tilespmem:s15], [sflag:$0x7] =	stream.linear.gather [hbm4b:s22+s9], $0x28, $0x38;
	[tilespmem:$0x18A80] =	vst v63  }
0x81: {  	s8 =	rddreg [dreg:$0xa]  }
0x82: {  	[tilespmem:s16], [sflag:$0x6] =	stream.linear.gather [hbm4b:s8+s9], $0x28, $0x38;
	[tilespmem:$0x18A80] =	vst v63  }
0x83: {  	s10 =	rddreg [dreg:$0xb]  }
0x84: {  	[tilespmem:s19], [sflag:$0x8] =	stream.linear.gather [hbm4b:s10+s9], $0x28, $0x38;
	[tilespmem:$0x18A80] =	vst v63  }
0x85: {  	_ =	swait.ge [sflag:s20], $0x28  }
0x86: {  	[sflag:s20] =	ssyncset.done $0x0  }
0x87: {  	[sflag:s20] =	ssyncadd.s32 $0xFFFFFFD8  }
0x88: {  	[tilespmem:s13], [sflag:$0x1] =	stream.indirect.gather [hbm4b:s1+s21], $0x80, s9, s21, $0xb8;
	[tilespmem:$0x18A80] =	vst v63  }
0x89: {  	s12 =	simm.s32 $0x2A00;
	s11 =	rddreg [dreg:$0xc]  }
0x8a: {  	[tilespmem:s12], [sflag:$0x3] =	stream.linear.gather [hbm4b:s11+s9], $0x1400, $0x38;
	[tilespmem:$0x18A80] =	vst v63  }
0x8b: {  	_ =	swait.ge [sflag:s23], $0x28  }
0x8c: {  	[sflag:s23] =	ssyncset.done $0x0  }
0x8d: {  	[sflag:s23] =	ssyncadd.s32 $0xFFFFFFD8  }
0x8e: {  	[tilespmem:s24], [sflag:$0x2] =	stream.indirect.gather [hbm4b:s1+s21], $0x80, s16, s21, $0xb8;
	[tilespmem:$0x18A80] =	vst v63  }
0x8f: {  	s11 =	simm.s32 $0x0;
	s22 =	rddreg [dreg:$0xd]  }
0x90: {  	[tilespmem:s25], [sflag:$0x4] =	stream.linear.gather [hbm4b:s22+s9], $0x1400, $0x38;
	[tilespmem:$0x18A80] =	vst v63  }
.LBB2_4:
0x91: {  	_ =	swait.ge [sflag:s26], $0x1400  }
0x92: {  	s5 =	smul.u32 $0x50, s11;
	[sflag:s26] =	ssyncset.done $0x0  }
0x93: {  	[sflag:s26] =	ssyncadd.s32 $0xFFFFEC00  }
0x94: {  	s12 =	sadd.s32 s5, s17;
	_ =	swait.ge [sflag:s28], $0x1400  }
0x95: {  	s10 =	sshrl.u32 s12, $0x3;
	[sflag:s28] =	ssyncset.done $0x0  }
0x96: {  	s8 =	simm.s32 $0x0;
	s22 =	sadd.s32 s2, s10;
	[sflag:s28] =	ssyncadd.s32 $0xFFFFEC00  }
0x97: {  	[tilespmem:s9], [sflag:$0x5] =	stream.linear.gather [hbm4b:s22+s9], $0x28, $0x38;
	[tilespmem:$0x18A80] =	vst v63  }
0x98: {  	v8 =	vld [tilespmem:s8+$0x2A00]  }
0x99: {  	v12 =	vld [tilespmem:s8+$0x2A10]  }
0x9a: {  	v6 =	vld [tilespmem:s8+$0x2A20]  }
0x9b: {  	v5 =	vld [tilespmem:s8+$0x2A30]  }
0x9c: {  	v4 =	vld [tilespmem:s8+$0x2A40]  }
0x9d: {  	v3 =	vld [tilespmem:s8+$0x2A50]  }
0x9e: {  	v2 =	vld [tilespmem:s8+$0x2A60]  }
0x9f: {  	v1 =	vld [tilespmem:s8+$0x2A70]  }
0xa0: {  	v13 =	vld [tilespmem:s8+$0x200]  }
0xa1: {  	v14 =	vld [tilespmem:s8+$0x210]  }
0xa2: {  	v11 =	vld [tilespmem:s8+$0x220]  }
0xa3: {  	v10 =	vld [tilespmem:s8+$0x230]  }
0xa4: {  	v9 =	vld [tilespmem:s8+$0x240]  }
0xa5: {  	v7 =	vld [tilespmem:s8+$0x250];
	v13 =	vmul.f32 v8, v13  }
0xa6: {  	s5 =	simm.s32 $0x200;
	v12 =	vmul.f32 v12, v14;
	v8 =	vld [tilespmem:s8+$0x260]  }
.LBB2_5:
0xa7: {  	s22 =	sshra.s32 s5, $0x2;
	p1 =	sne.s32 s5, $0x4E00;
	[tilespmem:s8+$0x200] =	vst v13;
	v6 =	vmul.f32 v6, v11;
	v11 =	vld [tilespmem:s8+$0x270]  }
0xa8: {  	v13 =	vld [tilespmem:s22+$0x2A00];
	[tilespmem:s8+$0x210] =	vst v12;
	v5 =	vmul.f32 v5, v10  }
0xa9: {  	v12 =	vld [tilespmem:s22+$0x2A10];
	[tilespmem:s8+$0x220] =	vst v6;
	v4 =	vmul.f32 v4, v9  }
0xaa: {  	v6 =	vld [tilespmem:s22+$0x2A20];
	[tilespmem:s8+$0x230] =	vst v5;
	v3 =	vmul.f32 v3, v7  }
0xab: {  	v5 =	vld [tilespmem:s22+$0x2A30];
	[tilespmem:s8+$0x240] =	vst v4;
	v2 =	vmul.f32 v2, v8  }
0xac: {  	v4 =	vld [tilespmem:s22+$0x2A40];
	[tilespmem:s8+$0x250] =	vst v3;
	v1 =	vmul.f32 v1, v11  }
0xad: {  	v3 =	vld [tilespmem:s22+$0x2A50];
	[tilespmem:s8+$0x260] =	vst v2  }
0xae: {  	v2 =	vld [tilespmem:s22+$0x2A60];
	[tilespmem:s8+$0x270] =	vst v1;
	s8 =	smov.u32 s22  }
0xaf: {  	v1 =	vld [tilespmem:s8+$0x2A70]  }
0xb0: {  	v7 =	vld [tilespmem:s8+$0x200]  }
0xb1: {  	v8 =	vld [tilespmem:s8+$0x210]  }
.Ltmp1:
0xb2: {  	v11 =	vld [tilespmem:s8+$0x220];
	(pc) =	sbr.rel @p1 .LBB2_5-.Ltmp1, $4  }
0xb3: {  	v10 =	vld [tilespmem:s8+$0x230]  }
0xb4: {  	v9 =	vld [tilespmem:s8+$0x240]  }
0xb5: {  	v13 =	vmul.f32 v13, v7;
	v7 =	vld [tilespmem:s8+$0x250]  }
0xb6: {  	s5 =	sadd.s32 $0x200, s5;
	v12 =	vmul.f32 v12, v8;
	v8 =	vld [tilespmem:s8+$0x260]  }
0xb7: {  	[tilespmem:s8+$0x200] =	vst v13;
	v6 =	vmul.f32 v6, v11;
	v11 =	vld [tilespmem:s8+$0x270]  }
0xb8: {  	[tilespmem:s8+$0x210] =	vst v12;
	v5 =	vmul.f32 v5, v10  }
0xb9: {  	[tilespmem:s8+$0x220] =	vst v6;
	v4 =	vmul.f32 v4, v9  }
0xba: {  	[tilespmem:s8+$0x230] =	vst v5;
	v3 =	vmul.f32 v3, v7  }
0xbb: {  	[tilespmem:s8+$0x240] =	vst v4;
	v2 =	vmul.f32 v2, v8  }
0xbc: {  	[tilespmem:s8+$0x250] =	vst v3;
	v1 =	vmul.f32 v1, v11  }
0xbd: {  	[tilespmem:s8+$0x260] =	vst v2  }
0xbe: {  	[tilespmem:s8+$0x270] =	vst v1  }
0xbf: {  	_ =	swait.ge [sflag:s29], $0x28  }
0xc0: {  	[sflag:s29] =	ssyncset.done $0x0  }
0xc1: {  	[sflag:s29] =	ssyncadd.s32 $0xFFFFFFD8  }
0xc2: {  	[spmem:s3] =	stream.indirect.scatter.add.f32 [tilespmem:s13], [sflag:$0x9], $0x80, s15, s21, $0xb8;
	[tilespmem:$0x18A80] =	vst v63  }
0xc3: {  	_ =	swait.ge [sflag:s14], $0x1400  }
0xc4: {  	[sflag:s14] =	ssyncset.done $0x0  }
0xc5: {  	s5 =	sadd.s32 s7, s10;
	s8 =	simm.s32 $0x0;
	[sflag:s14] =	ssyncadd.s32 $0xFFFFEC00  }
0xc6: {  	[tilespmem:s15], [sflag:$0x7] =	stream.linear.gather [hbm4b:s5+s8], $0x28, $0x38;
	[tilespmem:$0x18A80] =	vst v63  }
0xc7: {  	_ =	swait.ge [sflag:s20], $0x28  }
0xc8: {  	[sflag:s20] =	ssyncset.done $0x0  }
0xc9: {  	s12 =	sshll.u32 s12, $0x4;
	[sflag:s20] =	ssyncadd.s32 $0xFFFFFFD8  }
0xca: {  	[tilespmem:s13], [sflag:$0x1] =	stream.indirect.gather [hbm4b:s1+s21], $0x80, s8, s21, $0xb8;
	[tilespmem:$0x18A80] =	vst v63  }
0xcb: {  	s10 =	sshll.u32 s11, $0x1;
	s22 =	simm.s32 $0x2A00;
	s5 =	sadd.s32 s6, s12  }
0xcc: {  	[tilespmem:s22], [sflag:$0x3] =	stream.linear.gather [hbm4b:s5+s8], $0x1400, $0x38;
	[tilespmem:$0x18A80] =	vst v63  }
0xcd: {  	s12 =	smin.u32 s10, $0x7D;
	_ =	swait.ge [sflag:s30], $0x1400  }
0xce: {  	s5 =	smul.u32 $0x28, s12;
	[sflag:s30] =	ssyncset.done $0x0  }
0xcf: {  	[sflag:s30] =	ssyncadd.s32 $0xFFFFEC00  }
0xd0: {  	s12 =	sadd.s32 s5, s18;
	_ =	swait.ge [sflag:s31], $0x1400  }
0xd1: {  	s10 =	sshrl.u32 s12, $0x3;
	[sflag:s31] =	ssyncset.done $0x0  }
0xd2: {  	s22 =	sadd.s32 s2, s10;
	[sflag:s31] =	ssyncadd.s32 $0xFFFFEC00  }
0xd3: {  	[tilespmem:s16], [sflag:$0x6] =	stream.linear.gather [hbm4b:s22+s8], $0x28, $0x38;
	[tilespmem:$0x18A80] =	vst v63  }
0xd4: {  	s8 =	simm.s32 $0x0  }
0xd5: {  	v8 =	vld [tilespmem:s8+$0x3E00]  }
0xd6: {  	v12 =	vld [tilespmem:s8+$0x3E10]  }
0xd7: {  	v6 =	vld [tilespmem:s8+$0x3E20]  }
0xd8: {  	v5 =	vld [tilespmem:s8+$0x3E30]  }
0xd9: {  	v4 =	vld [tilespmem:s8+$0x3E40]  }
0xda: {  	v3 =	vld [tilespmem:s8+$0x3E50]  }
0xdb: {  	v2 =	vld [tilespmem:s8+$0x3E60]  }
0xdc: {  	v1 =	vld [tilespmem:s8+$0x3E70]  }
0xdd: {  	v13 =	vld [tilespmem:s8+$0x1600]  }
0xde: {  	v14 =	vld [tilespmem:s8+$0x1610]  }
0xdf: {  	v11 =	vld [tilespmem:s8+$0x1620]  }
0xe0: {  	v10 =	vld [tilespmem:s8+$0x1630]  }
0xe1: {  	v9 =	vld [tilespmem:s8+$0x1640]  }
0xe2: {  	v7 =	vld [tilespmem:s8+$0x1650];
	v13 =	vmul.f32 v8, v13  }
0xe3: {  	s5 =	simm.s32 $0x200;
	v12 =	vmul.f32 v12, v14;
	v8 =	vld [tilespmem:s8+$0x1660]  }
.LBB2_7:
0xe4: {  	s22 =	sshra.s32 s5, $0x2;
	p1 =	sne.s32 s5, $0x4E00;
	[tilespmem:s8+$0x1600] =	vst v13;
	v6 =	vmul.f32 v6, v11;
	v11 =	vld [tilespmem:s8+$0x1670]  }
0xe5: {  	v13 =	vld [tilespmem:s22+$0x3E00];
	[tilespmem:s8+$0x1610] =	vst v12;
	v5 =	vmul.f32 v5, v10  }
0xe6: {  	v12 =	vld [tilespmem:s22+$0x3E10];
	[tilespmem:s8+$0x1620] =	vst v6;
	v4 =	vmul.f32 v4, v9  }
0xe7: {  	v6 =	vld [tilespmem:s22+$0x3E20];
	[tilespmem:s8+$0x1630] =	vst v5;
	v3 =	vmul.f32 v3, v7  }
0xe8: {  	v5 =	vld [tilespmem:s22+$0x3E30];
	[tilespmem:s8+$0x1640] =	vst v4;
	v2 =	vmul.f32 v2, v8  }
0xe9: {  	v4 =	vld [tilespmem:s22+$0x3E40];
	[tilespmem:s8+$0x1650] =	vst v3;
	v1 =	vmul.f32 v1, v11  }
0xea: {  	v3 =	vld [tilespmem:s22+$0x3E50];
	[tilespmem:s8+$0x1660] =	vst v2  }
0xeb: {  	v2 =	vld [tilespmem:s22+$0x3E60];
	[tilespmem:s8+$0x1670] =	vst v1;
	s8 =	smov.u32 s22  }
0xec: {  	v1 =	vld [tilespmem:s8+$0x3E70]  }
0xed: {  	v7 =	vld [tilespmem:s8+$0x1600]  }
0xee: {  	v8 =	vld [tilespmem:s8+$0x1610]  }
.Ltmp2:
0xef: {  	v11 =	vld [tilespmem:s8+$0x1620];
	(pc) =	sbr.rel @p1 .LBB2_7-.Ltmp2, $4  }
0xf0: {  	v10 =	vld [tilespmem:s8+$0x1630]  }
0xf1: {  	v9 =	vld [tilespmem:s8+$0x1640]  }
0xf2: {  	v13 =	vmul.f32 v13, v7;
	v7 =	vld [tilespmem:s8+$0x1650]  }
0xf3: {  	s5 =	sadd.s32 $0x200, s5;
	v12 =	vmul.f32 v12, v8;
	v8 =	vld [tilespmem:s8+$0x1660]  }
0xf4: {  	[tilespmem:s8+$0x1600] =	vst v13;
	v6 =	vmul.f32 v6, v11;
	v63 =	vld [tilespmem:s8+$0x1670]  }
0xf5: {  	[tilespmem:s8+$0x1610] =	vst v12;
	v5 =	vmul.f32 v5, v10  }
0xf6: {  	[tilespmem:s8+$0x1620] =	vst v6;
	v4 =	vmul.f32 v4, v9  }
0xf7: {  	[tilespmem:s8+$0x1630] =	vst v5;
	v3 =	vmul.f32 v3, v7  }
0xf8: {  	[tilespmem:s8+$0x1640] =	vst v4;
	v2 =	vmul.f32 v2, v8  }
0xf9: {  	[tilespmem:s8+$0x1650] =	vst v3;
	v1 =	vmul.f32 v1, v63  }
0xfa: {  	[tilespmem:s8+$0x1660] =	vst v2  }
0xfb: {  	[tilespmem:s8+$0x1670] =	vst v1  }
0xfc: {  	_ =	swait.ge [sflag:s0], $0x28  }
0xfd: {  	[sflag:s0] =	ssyncset.done $0x0  }
0xfe: {  	[sflag:s0] =	ssyncadd.s32 $0xFFFFFFD8  }
0xff: {  	[spmem:s3] =	stream.indirect.scatter.add.f32 [tilespmem:s24], [sflag:$0x9], $0x80, s19, s21, $0xb8;
	[tilespmem:$0x18A80] =	vst v63  }
0x100: {  	_ =	swait.ge [sflag:s14], $0x1400  }
0x101: {  	[sflag:s14] =	ssyncset.done $0x0  }
0x102: {  	s5 =	sadd.s32 s7, s10;
	s11 =	sadd.s32 $0x1, s11;
	[sflag:s14] =	ssyncadd.s32 $0xFFFFEC00  }
0x103: {  	[tilespmem:s19], [sflag:$0x8] =	stream.linear.gather [hbm4b:s5+s4], $0x28, $0x38;
	[tilespmem:$0x18A80] =	vst v63  }
0x104: {  	p1 =	sne.s32 s11, $0x40;
	_ =	swait.ge [sflag:s23], $0x28  }
.Ltmp3:
0x105: {  	[sflag:s23] =	ssyncset.done $0x0;
	(pc) =	sbr.rel @p1 .LBB2_4-.Ltmp3, $4  }
0x106: {  	s22 =	sshll.u32 s12, $0x4;
	[sflag:s23] =	ssyncadd.s32 $0xFFFFFFD8  }
0x107: {  	[tilespmem:s24], [sflag:$0x2] =	stream.indirect.gather [hbm4b:s1+s21], $0x80, s16, s21, $0xb8;
	[tilespmem:$0x18A80] =	vst v63  }
0x108: {  	s5 =	sadd.s32 s6, s22  }
0x109: {  	[tilespmem:s25], [sflag:$0x4] =	stream.linear.gather [hbm4b:s5+s4], $0x1400, $0x38;
	[tilespmem:$0x18A80] =	vst v63  }
0x10a: {  	_ =	swait.ge [sflag:s26], $0x1400  }
0x10b: {  	[sflag:s26] =	ssyncset.done $0x0  }
0x10c: {  	[sflag:s26] =	ssyncadd.s32 $0xFFFFEC00  }
0x10d: {  	_ =	swait.ge [sflag:s28], $0x1400  }
0x10e: {  	[sflag:s28] =	ssyncset.done $0x0  }
0x10f: {  	s8 =	simm.s32 $0x0;
	[sflag:s28] =	ssyncadd.s32 $0xFFFFEC00  }
0x110: {  	v8 =	vld [tilespmem:s8+$0x2A00]  }
0x111: {  	v12 =	vld [tilespmem:s8+$0x2A10]  }
0x112: {  	v6 =	vld [tilespmem:s8+$0x2A20]  }
0x113: {  	v5 =	vld [tilespmem:s8+$0x2A30]  }
0x114: {  	v4 =	vld [tilespmem:s8+$0x2A40]  }
0x115: {  	v3 =	vld [tilespmem:s8+$0x2A50]  }
0x116: {  	v2 =	vld [tilespmem:s8+$0x2A60]  }
0x117: {  	v1 =	vld [tilespmem:s8+$0x2A70]  }
0x118: {  	v13 =	vld [tilespmem:s8+$0x200]  }
0x119: {  	v14 =	vld [tilespmem:s8+$0x210]  }
0x11a: {  	v11 =	vld [tilespmem:s8+$0x220]  }
0x11b: {  	v10 =	vld [tilespmem:s8+$0x230]  }
0x11c: {  	v9 =	vld [tilespmem:s8+$0x240]  }
0x11d: {  	v7 =	vld [tilespmem:s8+$0x250];
	v13 =	vmul.f32 v8, v13  }
0x11e: {  	s5 =	simm.s32 $0x200;
	v12 =	vmul.f32 v12, v14;
	v8 =	vld [tilespmem:s8+$0x260]  }
.LBB2_10:
0x11f: {  	s9 =	sshra.s32 s5, $0x2;
	p1 =	sne.s32 s5, $0x4E00;
	[tilespmem:s8+$0x200] =	vst v13;
	v6 =	vmul.f32 v6, v11;
	v11 =	vld [tilespmem:s8+$0x270]  }
0x120: {  	v13 =	vld [tilespmem:s9+$0x2A00];
	[tilespmem:s8+$0x210] =	vst v12;
	v5 =	vmul.f32 v5, v10  }
0x121: {  	v12 =	vld [tilespmem:s9+$0x2A10];
	[tilespmem:s8+$0x220] =	vst v6;
	v4 =	vmul.f32 v4, v9  }
0x122: {  	v6 =	vld [tilespmem:s9+$0x2A20];
	[tilespmem:s8+$0x230] =	vst v5;
	v3 =	vmul.f32 v3, v7  }
0x123: {  	v5 =	vld [tilespmem:s9+$0x2A30];
	[tilespmem:s8+$0x240] =	vst v4;
	v2 =	vmul.f32 v2, v8  }
0x124: {  	v4 =	vld [tilespmem:s9+$0x2A40];
	[tilespmem:s8+$0x250] =	vst v3;
	v1 =	vmul.f32 v1, v11  }
0x125: {  	v3 =	vld [tilespmem:s9+$0x2A50];
	[tilespmem:s8+$0x260] =	vst v2  }
0x126: {  	v2 =	vld [tilespmem:s9+$0x2A60];
	[tilespmem:s8+$0x270] =	vst v1;
	s8 =	smov.u32 s9  }
0x127: {  	v1 =	vld [tilespmem:s8+$0x2A70]  }
0x128: {  	v7 =	vld [tilespmem:s8+$0x200]  }
0x129: {  	v8 =	vld [tilespmem:s8+$0x210]  }
.Ltmp4:
0x12a: {  	v11 =	vld [tilespmem:s8+$0x220];
	(pc) =	sbr.rel @p1 .LBB2_10-.Ltmp4, $4  }
0x12b: {  	v10 =	vld [tilespmem:s8+$0x230]  }
0x12c: {  	v9 =	vld [tilespmem:s8+$0x240]  }
0x12d: {  	v13 =	vmul.f32 v13, v7;
	v7 =	vld [tilespmem:s8+$0x250]  }
0x12e: {  	s5 =	sadd.s32 $0x200, s5;
	v12 =	vmul.f32 v12, v8;
	v8 =	vld [tilespmem:s8+$0x260]  }
0x12f: {  	[tilespmem:s8+$0x200] =	vst v13;
	v6 =	vmul.f32 v6, v11;
	v63 =	vld [tilespmem:s8+$0x270]  }
0x130: {  	[tilespmem:s8+$0x210] =	vst v12;
	v5 =	vmul.f32 v5, v10  }
0x131: {  	[tilespmem:s8+$0x220] =	vst v6;
	v4 =	vmul.f32 v4, v9  }
0x132: {  	[tilespmem:s8+$0x230] =	vst v5;
	v3 =	vmul.f32 v3, v7  }
0x133: {  	[tilespmem:s8+$0x240] =	vst v4;
	v2 =	vmul.f32 v2, v8  }
0x134: {  	[tilespmem:s8+$0x250] =	vst v3;
	v1 =	vmul.f32 v1, v63  }
0x135: {  	[tilespmem:s8+$0x260] =	vst v2  }
0x136: {  	[tilespmem:s8+$0x270] =	vst v1  }
0x137: {  	_ =	swait.ge [sflag:s29], $0x28  }
0x138: {  	[sflag:s29] =	ssyncset.done $0x0  }
0x139: {  	[sflag:s29] =	ssyncadd.s32 $0xFFFFFFD8  }
0x13a: {  	[spmem:s3] =	stream.indirect.scatter.add.f32 [tilespmem:s13], [sflag:$0x9], $0x80, s15, s21, $0xb8;
	[tilespmem:$0x18A80] =	vst v63  }
0x13b: {  	_ =	swait.ge [sflag:s14], $0x1400  }
0x13c: {  	[sflag:s14] =	ssyncset.done $0x0  }
0x13d: {  	[sflag:s14] =	ssyncadd.s32 $0xFFFFEC00  }
0x13e: {  	_ =	swait.ge [sflag:s30], $0x1400  }
0x13f: {  	[sflag:s30] =	ssyncset.done $0x0  }
0x140: {  	[sflag:s30] =	ssyncadd.s32 $0xFFFFEC00  }
0x141: {  	_ =	swait.ge [sflag:s31], $0x1400  }
0x142: {  	[sflag:s31] =	ssyncset.done $0x0  }
0x143: {  	[sflag:s31] =	ssyncadd.s32 $0xFFFFEC00  }
0x144: {  	_ =	swait.ge [sflag:s0], $0x28  }
0x145: {  	[sflag:s0] =	ssyncset.done $0x0  }
0x146: {  	[sflag:s0] =	ssyncadd.s32 $0xFFFFFFD8  }
0x147: {  	s5 =	stileid.u32;
	[bflag:$0x0] =	sbarrier.arrive $0xFFFF  }
0x148: {  	s5 =	sshll.u32 s5, $0x6;
	s22 =	rddreg [dreg:$0x5]  }
0x149: {  	s5 =	sor.u32 $0x1C09, s5;
	s9 =	rddreg [dreg:$0xe];
	s10 =	sshrl.u32 s22, $0x3  }
0x14a: {  	[hbm:s9], [sflag:s5] =	dma.local [spmem:s10], $0x2700  }
0x14b: {  	_ =	swait.ge [sflag:s14], $0x2700  }
0x14c: {  	[sflag:s14] =	ssyncset.done $0x0;
	s8 =	rddreg [dreg:$0x7]  }
0x14d: {  	s9 =	rddreg [dreg:$0xf];
	[sflag:s14] =	ssyncadd.s32 $0xFFFFD900;
	s8 =	sshrl.u32 @!p0 s8, $0x3  }
0x14e: {  	[hbm:s9], [sflag:s5] =	dma.local @!p0 [spmem:s8], $0x100  }
0x14f: {  	s5 =	simm.s32 @!p0 $0x9  }
0x150: {  	_ =	swait.ge @!p0 [sflag:s5], $0x100  }
0x151: {  	s11 =	rddreg [dreg:$0x1f]  }
0x152: {  	s12 =	rddreg [dreg:$0x10];
	s9 =	sadd.s32 $0x1, s11  }
0x153: {  	p1 =	sne.s32 s9, s12  }
.Ltmp5:
0x154: {  	_ = 	snop;
	(pc) =	sbr.rel @p1 .LBB2_1-.Ltmp5, $3  }
0x155: {  	_ =	sdelay $0x1  }
0x156: {  	[sflag:s5] =	ssyncset.done @!p0 $0x0  }
0x157: {  	[sflag:s5] =	ssyncadd.s32 @!p0 $0xFFFFFF00  }
0x158: {  	_ =	sfence.sel $0x180000  }
0x159: {  	[bflag:$0x0] =	sbarrier.arrive $0xFFFF  }
0x15a: {  	_ =	strace $0x90000047  }
0x15b: {  	[bflag:$0x2] =	sbarrier.arrive $0xFFFF  }
0x15c: {  	s0 =	rddreg [dreg:$0x4]  }
0x15d: {  	s0 =	sadd.s32 @!p0 $0x100000, s0  }
0x15e: {  	[sflag:s0] =	ssyncadd.tile.s32 @!p0 $0x1;
	_ =	shalt  }
.Lfunc_end2:
_tile_overlayer_lowered:
.L_overlay_start_2:
0x15f: {  	(tag) =	ssettag $0x2  }
0x160: {  	s0 =	rddreg [dreg:$0x0];
	s2 =	stileid.u32  }
0x161: {  	s1 =	rddreg [dreg:$0x1];
	p0 =	sne.s32 s2, $0x0  }
0x162: {  	s3 =	rddreg [dreg:$0x2];
	[bflag:$0x3] =	sbarrier.arrive $0xFFFF;
	s2 =	simm.s32 @!p0 $0x1C09  }
0x163: {  	[timem:s3], [sflag:s2] =	dma.local @!p0 [hbm:s0], s1  }
0x164: {  	s0 =	simm.s32 @!p0 $0x9  }
0x165: {  	_ =	swait.ge @!p0 [sflag:s0], s1  }
0x166: {  	s1 =	ssub.s32 @!p0 $0x0, s1;
	[sflag:s0] =	ssyncset.done @!p0 $0x0  }
0x167: {  	[sflag:s0] =	ssyncadd.s32 @!p0 s1  }
0x168: {  	[bflag:$0x3] =	sbarrier.arrive $0xFFFF  }
0x169: {  	_ =	shalt  }

// kernel: kernel.7.cloned.1.call-start
scs
__scs_entry_jumppad:
0x0: {  	(pc) =	sbr.rel $0x88, $3  }
0x1: {  	(tag) =	ssettag $0x0;
	lr =	simm.s32 $0x1  }
0x2: {  	[smem:$0x3F97] =	sst lr;
	_ =	strace $0xD0000000  }
0x3: {  	_ = 	snop  }
0x4: {  	_ = 	snop  }
0x5: {  	_ = 	snop  }
0x6: {  	_ = 	snop  }
0x7: {  	_ = 	snop  }
__scs_overlays_trampoline_lowered:
0x8: {  	[smem:$0x3FA6] =	sst s0  }
0x9: {  	[smem:$0x3FA7] =	sst s1  }
0xa: {  	[smem:$0x3FA8] =	sst s2  }
0xb: {  	[smem:$0x3FA9] =	sst s3  }
0xc: {  	[smem:$0x3FAA] =	sst s4  }
0xd: {  	[smem:$0x3FAB] =	sst s5  }
0xe: {  	[smem:$0x3FAC] =	sst s6  }
0xf: {  	[smem:$0x3FAD] =	sst s7  }
0x10: {  	[smem:$0x3FAE] =	sst s8  }
0x11: {  	[smem:$0x3FAF] =	sst s9;
	s0 =	simm.s32 @!p0 $0x0  }
0x12: {  	s1 =	sld [smem:$0x3F95];
	s0 =	simm.s32 @p0 $0x1  }
0x13: {  	[smem:$0x3FB0] =	sst s0;
	s0 =	simm.s32 @!p1 $0x0  }
0x14: {  	s2 =	sld [smem:$0x3F94];
	s0 =	simm.s32 @p1 $0x1  }
0x15: {  	[smem:$0x3FB1] =	sst s0;
	s0 =	simm.s32 @!p2 $0x0  }
0x16: {  	s3 =	sld [smem:$0x3FDB];
	s0 =	simm.s32 @p2 $0x1  }
0x17: {  	s4 =	simm.s32 $0x1BF5;
	[smem:$0x3FB3] =	sst s0  }
0x18: {  	s0 =	sld [smem:$0x3F96];
	_ =	swait.ge [sflag:s4], $0x0  }
0x19: {  	s7 =	sld [smem:$0x3F97]  }
0x1a: {  	s8 =	sadd.s32 $0xFFFFE003, lr  }
0x1b: {  	s9 =	sadd.s32 $0xFFFFFEF7, lr;
	s5 =	simm.s32 $0xFFFFFFFF;
	p2 =	slt.u32 s8, $0xFFFFF086  }
0x1c: {  	p1 =	slt.u32 s9, $0xF7A;
	s5 =	simm.s32 @!p2 $0x0  }
0x1d: {  	s5 =	simm.s32 @p1 $0x1;
	p0 =	seq.s32 s7, s2  }
0x1e: {  	s7 =	smul.u32 @!p0 $0xF7A, s2;
	p2 =	seq.s32 @!p0 s5, $0x0  }
0x1f: {  	s9 =	smul.u32 $0xF7A, s1;
	s8 =	simm.s32 @!p0 $0x1BF5;
	p2 =	por !p2, p0  }
0x20: {  	[sflag:s8] =	ssyncset.s32 @!p0 $0xFFFFF086;
	s6 =	sadd.s32 @!p0 s3, s7;
	s7 =	simm.s32 @!p0 $0x108  }
0x21: {  	s3 =	sadd.s32 s3, s9;
	s6 =	sadd.s32 @!p0 $0x88, s6;
	s7 =	simm.s32 @p2 $0x1082  }
0x22: {  	[simem:s7], [sflag:s8] =	dma.local @!p0 [hbm:s6], $0xF7A  }
0x23: {  	s9 =	sor.u32 $0xD0000000, s2;
	s6 =	simm.s32 $0x108;
	_ =	swait.ge @!p0 [sflag:s8], $0x0  }
0x24: {  	s3 =	sadd.s32 $0x88, s3;
	s6 =	simm.s32 @!p1 $0x1082;
	[sflag:s4] =	ssyncset.s32 $0xFFFFF086  }
0x25: {  	[simem:s6], [sflag:s4] =	dma.local [hbm:s3], $0xF7A  }
0x26: {  	[smem:$0x3F97] =	sst s1;
	(tag) =	ssettag s2;
	_ =	strace s9  }
0x27: {  	s1 =	sld [smem:$0x3FA7]  }
0x28: {  	s2 =	sld [smem:$0x3FA8]  }
0x29: {  	s4 =	sld [smem:$0x3FAA]  }
0x2a: {  	p0 =	seq.s32 s5, $0x0;
	s5 =	sld [smem:$0x3FAB]  }
0x2b: {  	s6 =	sld [smem:$0x3FAC]  }
0x2c: {  	s7 =	sld [smem:$0x3FAD]  }
0x2d: {  	s3 =	simm.s32 $0x108;
	s8 =	sld [smem:$0x3FAE]  }
0x2e: {  	s3 =	simm.s32 @!p0 $0x1082;
	s9 =	sld [smem:$0x3FAF]  }
0x2f: {  	lr =	sadd.s32 s0, s3;
	s0 =	sld [smem:$0x3FA6]  }
0x30: {  	s3 =	sld [smem:$0x3FA9]  }
0x31: {  	[smem:$0x3FB2] =	sst s10  }
0x32: {  	s10 =	sld [smem:$0x3FB0];
	_ =	sdelay $0x3  }
0x33: {  	p0 =	seq.s32 s10, $0x1;
	s10 =	sld [smem:$0x3FB2];
	_ =	sdelay $0x3  }
0x34: {  	[smem:$0x3FB2] =	sst s10  }
0x35: {  	s10 =	sld [smem:$0x3FB1];
	_ =	sdelay $0x3  }
0x36: {  	p1 =	seq.s32 s10, $0x1;
	s10 =	sld [smem:$0x3FB2];
	_ =	sdelay $0x3  }
0x37: {  	[smem:$0x3FB2] =	sst s10  }
0x38: {  	s10 =	sld [smem:$0x3FB3]  }
0x39: {  	_ = 	snop;
	(pc) =	sbr.ind lr, $3  }
0x3a: {  	_ = 	snop  }
0x3b: {  	_ = 	snop  }
0x3c: {  	p2 =	seq.s32 s10, $0x1;
	s10 =	sld [smem:$0x3FB2]  }
0x3d: {  	_ =	shalt  }
0x3e: {  	_ =	shalt  }
0x3f: {  	_ =	shalt  }
0x40: {  	_ =	shalt  }
0x41: {  	_ =	shalt  }
0x42: {  	_ =	shalt  }
0x43: {  	_ =	shalt  }
0x44: {  	_ =	shalt  }
0x45: {  	_ =	shalt  }
0x46: {  	_ =	shalt  }
0x47: {  	_ =	shalt  }
0x48: {  	_ =	shalt  }
0x49: {  	_ =	shalt  }
0x4a: {  	_ =	shalt  }
0x4b: {  	_ =	shalt  }
0x4c: {  	_ =	shalt  }
0x4d: {  	_ =	shalt  }
0x4e: {  	_ =	shalt  }
0x4f: {  	_ =	shalt  }
0x50: {  	_ =	shalt  }
0x51: {  	_ =	shalt  }
0x52: {  	_ =	shalt  }
0x53: {  	_ =	shalt  }
0x54: {  	_ =	shalt  }
0x55: {  	_ =	shalt  }
0x56: {  	_ =	shalt  }
0x57: {  	_ =	shalt  }
0x58: {  	_ =	shalt  }
0x59: {  	_ =	shalt  }
0x5a: {  	_ =	shalt  }
0x5b: {  	_ =	shalt  }
0x5c: {  	_ =	shalt  }
0x5d: {  	_ =	shalt  }
0x5e: {  	_ =	shalt  }
0x5f: {  	_ =	shalt  }
0x60: {  	_ =	shalt  }
0x61: {  	_ =	shalt  }
0x62: {  	_ =	shalt  }
0x63: {  	_ =	shalt  }
0x64: {  	_ =	shalt  }
0x65: {  	_ =	shalt  }
0x66: {  	_ =	shalt  }
0x67: {  	_ =	shalt  }
0x68: {  	_ =	shalt  }
0x69: {  	_ =	shalt  }
0x6a: {  	_ =	shalt  }
0x6b: {  	_ =	shalt  }
0x6c: {  	_ =	shalt  }
0x6d: {  	_ =	shalt  }
0x6e: {  	_ =	shalt  }
0x6f: {  	_ =	shalt  }
0x70: {  	_ =	shalt  }
0x71: {  	_ =	shalt  }
0x72: {  	_ =	shalt  }
0x73: {  	_ =	shalt  }
0x74: {  	_ =	shalt  }
0x75: {  	_ =	shalt  }
0x76: {  	_ =	shalt  }
0x77: {  	_ =	shalt  }
0x78: {  	_ =	shalt  }
0x79: {  	_ =	shalt  }
0x7a: {  	_ =	shalt  }
0x7b: {  	_ =	shalt  }
0x7c: {  	_ =	shalt  }
0x7d: {  	_ =	shalt  }
0x7e: {  	_ =	shalt  }
0x7f: {  	_ =	shalt  }
0x80: {  	_ =	shalt  }
0x81: {  	_ =	shalt  }
0x82: {  	_ =	shalt  }
0x83: {  	_ =	shalt  }
0x84: {  	_ =	shalt  }
0x85: {  	_ =	shalt  }
0x86: {  	_ =	shalt  }
0x87: {  	_ =	shalt  }
.Lfunc_end0:
.L_simem_size_0:
called_computation_lowered:
.L_overlay_start_0:
0x88: {  	s2 =	sld [smem:$0x3FD9]  }
0x89: {  	s3 =	sld [smem:$0x3FFE];
	_ =	sdelay $0x1  }
0x8a: {  	s1 =	srdreg.scid  }
0x8b: {  	s0 =	sand.u32 $0x1, s1  }
0x8c: {  	s17 =	sshll.u32 s0, $0xA;
	s2 =	sadd.s32 s3, s2  }
0x8d: {  	s2 =	sadd.s32 s2, s17  }
0x8e: {  	[smem:$0x3FBE] =	sst s2  }
0x8f: {  	_ = 	snop  }
0x90: {  	s18 =	sld [smem:$0x3FC9];
	(tm) =	ssettm $0x1  }
0x91: {  	s19 =	sld [smem:$0x3FFB];
	_ =	sdelay $0x3  }
0x92: {  	_ =	strace s19  }
0x93: {  	s2 =	sld [smem:$0x3FFC];
	_ =	sdelay $0x3  }
0x94: {  	_ =	strace s2  }
0x95: {  	s2 =	sld [smem:$0x3FFD];
	_ =	sdelay $0x3  }
0x96: {  	_ =	strace s2  }
0x97: {  	_ =	strace $0x8FFFFFFF  }
0x98: {  	s20 =	sld [smem:$0x3FDB];
	_ =	sdelay $0x1  }
0x99: {  	s4 =	simm.s32 $_scs_section_size  }
0x9a: {  	s5 =	simm.s32 $_size__tile_overlayer_lowered;
	s6 =	simm.s32 $_tile_overlayer_lowered  }
0x9b: {  	s7 =	simm.s32 $0x1BFF;
	s21 =	sshll.u32 s6, $0x1;
	s4 =	sadd.s32 s4, s20  }
0x9c: {  	s22 =	simm.s32 $0x0;
	s5 =	sshll.u32 s5, $0x1;
	s6 =	sadd.s32 s21, s4  }
0x9d: {  	[timem:s22], [sflag:s7] =	dma.local [hbm:s6], s5  }
0x9e: {  	_ =	swait.ge [sflag:s7], s5  }
0x9f: {  	s5 =	ssub.s32 $0x0, s5;
	[sflag:s7] =	ssyncset.done $0x0  }
0xa0: {  	[sflag:s7] =	ssyncadd.s32 s5;
	_ =	sdelay $0x1  }
0xa1: {  	s23 =	simm.s32 $0x1B8B  }
0xa2: {  	_ =	swait.ge [sflag:s23], $0x1  }
0xa3: {  	[sflag:s23] =	ssyncset.done $0x0  }
0xa4: {  	[sflag:s23] =	ssyncadd.s32 $0xFFFFFFFF  }
0xa5: {  	s5 =	sld [smem:$0x0]  }
0xa6: {  	s6 =	sand.u32 $0xFFFFFFFE, s1  }
0xa7: {  	p0 =	sne.s32 s1, s6  }
0xa8: {  	s6 =	sshll.u32 @p0 s6, $0xE  }
0xa9: {  	s6 =	sadd.s32 @p0 $0x11B8D, s6;
	s7 =	sshll.u32 @p0 s5, $0x11  }
0xaa: {  	s6 =	sor.u32 @p0 s7, s6  }
0xab: {  	[sflag:s6] =	ssyncadd.remote.s32 @p0 $0x1;
	_ =	sdelay $0x1  }
0xac: {  	s6 =	simm.s32 @p0 $0x1B8D  }
0xad: {  	_ =	swait.eq @p0 [sflag:s6], $0x1  }
0xae: {  	[sflag:s6] =	ssyncadd.s32 @p0 $0xFFFFFFFF  }
0xaf: {  	s7 =	sshll.u32 @!p0 s1, $0xE  }
0xb0: {  	s7 =	sor.u32 @!p0 $0x4000, s7;
	s6 =	simm.s32 @!p0 $0x1B8D  }
0xb1: {  	s5 =	sshll.u32 @!p0 s5, $0x11;
	s7 =	sadd.s32 @!p0 $0x11B8D, s7;
	_ =	swait.eq @!p0 [sflag:s6], $0x1  }
0xb2: {  	s5 =	sor.u32 @!p0 s5, s7;
	[sflag:s6] =	ssyncadd.s32 @!p0 $0xFFFFFFFF  }
0xb3: {  	s25 =	simm.s32 $0x1B8E;
	s24 =	sld [smem:$0x3FFE];
	[sflag:s5] =	ssyncadd.remote.s32 @!p0 $0x1  }
0xb4: {  	s26 =	simm.s32 $execute0_lowered;
	[smem:$0x3FD2] =	sst s25  }
0xb5: {  	s6 =	sshll.u32 s26, $0x1;
	_ =	strace $0x80000049;
	[dreg:$0x1] =	wrdreg $0xFFFFFFFF  }
0xb6: {  	s28 =	simm.s32 $_size_execute0_lowered;
	s4 =	sadd.s32 s4, s6;
	[dreg:$0x0] =	wrdreg $0x0  }
0xb7: {  	s6 =	sshll.u32 s28, $0x1;
	[dreg:$0x2] =	wrdreg s4  }
0xb8: {  	[dreg:$0x3] =	wrdreg s6  }
0xb9: {  	[dreg:$0x4] =	wrdreg $0xC0  }
0xba: {  	_ =	task [dreg:s22], $0x5FFFF  }
0xbb: {  	[dreg:$0x1] =	wrdreg $0xFFFFFFFF  }
0xbc: {  	[dreg:$0x0] =	wrdreg $0x60  }
0xbd: {  	[dreg:$0x2] =	wrdreg s18  }
0xbe: {  	[dreg:$0x3] =	wrdreg s24  }
0xbf: {  	[dreg:$0x4] =	wrdreg $0xB2000  }
0xc0: {  	[dreg:$0x5] =	wrdreg $0x9  }
0xc1: {  	_ =	task.clear_ibuf [dreg:s22], $0x6FFFF;
	_ =	strace $0x90000049  }
0xc2: {  	s29 =	simm.s32 $0x9;
	_ =	strace $0x8000004B  }
0xc3: {  	_ =	swait.ge [sflag:s29], $0x1  }
0xc4: {  	[sflag:s29] =	ssyncadd.s32 $0xFFFFFFFF  }
0xc5: {  	_ =	strace $0x9000004B  }
0xc6: {  	_ =	sfence  }
0xc7: {  	s30 =	sld [smem:$0x0];
	_ =	sdelay $0x2  }
0xc8: {  	s31 =	sshll.u32 s1, $0xD;
	s1 =	sshrl.u32 s1, $0x2  }
0xc9: {  	s4 =	sand.u32 $0x4000, s31;
	s1 =	sadd.s32 s1, s30  }
0xca: {  	s0 =	sor.u32 s4, s0;
	s1 =	sshll.u32 s1, $0x11  }
0xcb: {  	s0 =	sor.u32 s1, s0  }
0xcc: {  	s0 =	sadd.s32 $0x8F2B, s0  }
0xcd: {  	[sflag:s0] =	ssyncadd.remote.s32 $0x1  }
0xce: {  	_ =	sfence.sel $0xFFFF  }
0xcf: {  	[dreg:$0x0] =	wrdreg $0xFFFFFFFF;
	(pc) =	sbr.abs _section_cstart, $3  }
0xd0: {  	[dreg:$0x1] =	wrdreg $0xFFFFFFFF  }
0xd1: {  	_ =	task.clear_ibuf [dreg:s22], $0x2FFFF;
	_ =	strace $0x9FFFFFFF  }
0xd2: {  	(tm) =	ssettm $0x7FFFFFFF  }
0xd3: {  	_ =	shalt  }
tec
execute0_lowered:
.L_overlay_start_1:
0x0: {  	(tag) =	ssettag $0x1  }
0x1: {  	s1 =	rddreg [dreg:$0x0]  }
0x2: {  	s0 =	rddreg [dreg:$0x1]  }
0x3: {  	s2 =	rddreg [dreg:$0x2];
	s3 =	simm.s32 $0x0  }
0x4: {  	s4 =	srdreg.scid;
	s14 =	stileid.u32;
	s29 =	simm.s32 $0x200  }
0x5: {  	s30 =	simm.s32 $0x9;
	s31 =	simm.s32 $0x100;
	s5 =	sadd.s32 $0x2E3E00, s0  }
0x6: {  	[smem:$0x7FF] =	sst s3;
	s8 =	smul.u32 $0x4E000, s14;
	s6 =	sadd.s32 $0x2DA600, s0  }
0x7: {  	s4 =	sand.u32 $0x1, s4;
	s7 =	sadd.s32 $0x2DF200, s0;
	s0 =	sadd.s32 $0x540E00, s0  }
0x8: {  	s25 =	sadd.s32 $0x138000, s2;
	s13 =	smul.u32 $0x13800, s14;
	p0 =	sne.s32 s14, $0x0  }
0x9: {  	_ =	strace $0x8000004A;
	s9 =	sshll.u32 s4, $0x4;
	s10 =	ssub.s32 $0x2, s4  }
0xa: {  	s4 =	smul.u32 $0x138800, s4;
	[dreg:$0x6] =	wrdreg s25;
	s9 =	sor.u32 s14, s9  }
0xb: {  	s8 =	sshrl.u32 s8, $0x2;
	s11 =	sshrl.u32 s10, $0x1;
	s14 =	simm.s32 $0x2E00  }
0xc: {  	s12 =	smul.u32 $0x12E8, s9;
	s24 =	sadd.s32 s8, s2;
	s20 =	ssub.s32 s10, s11  }
0xd: {  	s9 =	smul.u32 $0x12E80, s9;
	s18 =	sadd.s32 s13, s4;
	s4 =	sshrl.u32 s4, $0x3  }
0xe: {  	s11 =	simm.s32 $0x58;
	s21 =	sadd.s32 $0x13400, s24;
	[dreg:$0x4] =	wrdreg s24  }
0xf: {  	s13 =	simm.s32 $0x6;
	s19 =	smax.u32 s20, $0x1;
	[dreg:$0x5] =	wrdreg s21  }
0x10: {  	s20 =	sadd.s32 $0x2C00, s24;
	s22 =	sshrl.u32 s12, $0x3;
	[dreg:$0xf] =	wrdreg s19  }
0x11: {  	s26 =	sadd.s32 $0x58, s12;
	s9 =	sadd.s32 s5, s9;
	[dreg:$0x10] =	wrdreg s20  }
0x12: {  	s21 =	sadd.s32 $0x5800, s24;
	s19 =	simm.s32 $0x3;
	[dreg:$0xb] =	wrdreg s9  }
0x13: {  	s20 =	simm.s32 $0x7;
	s23 =	sadd.s32 s6, s22;
	[dreg:$0x11] =	wrdreg s21  }
0x14: {  	s10 =	sadd.s32 s7, s22;
	s28 =	sshrl.u32 s26, $0x3;
	[dreg:$0x7] =	wrdreg s23  }
0x15: {  	s16 =	sshll.u32 s26, $0x4;
	s22 =	sadd.s32 $0x8400, s24;
	[dreg:$0x8] =	wrdreg s10  }
0x16: {  	s9 =	sshrl.u32 s18, $0x3;
	s26 =	sadd.s32 $0xDC00, s24;
	[dreg:$0x12] =	wrdreg s22  }
0x17: {  	s18 =	sadd.s32 $0x108, s12;
	s15 =	sadd.s32 s6, s28;
	[dreg:$0x14] =	wrdreg s26  }
0x18: {  	s21 =	simm.s32 $0x2;
	s10 =	sadd.s32 s7, s28;
	[dreg:$0x9] =	wrdreg s15  }
0x19: {  	s17 =	sadd.s32 s5, s16;
	s9 =	sadd.s32 s0, s9;
	[dreg:$0xa] =	wrdreg s10  }
0x1a: {  	s0 =	sadd.s32 s0, s4;
	s23 =	sadd.s32 $0xB000, s24;
	[dreg:$0xc] =	wrdreg s17  }
0x1b: {  	s28 =	sadd.s32 $0x10800, s24;
	s4 =	simm.s32 $0x180;
	[dreg:$0xd] =	wrdreg s9  }
0x1c: {  	s16 =	simm.s32 $0x1;
	s22 =	simm.s32 $0x4;
	[dreg:$0x13] =	wrdreg s23  }
0x1d: {  	s17 =	sadd.s32 $0xB0, s12;
	s0 =	sadd.s32 $0x27000, s0;
	[dreg:$0x15] =	wrdreg s28  }
0x1e: {  	s9 =	simm.s32 $0x5;
	s15 =	simm.s32 $0x8600;
	s23 =	simm.s32 $0x8  }
0x1f: {  	v0 =	vimm.f32 $0.0e+00;
	s12 =	simm.s32 $0x0;
	[dreg:$0xe] =	wrdreg s0;
	s0 =	simm.s32 $0x80  }
.LBB2_1:
0x20: {  	[dreg:$0x16] =	wrdreg s12;
	s8 =	simm.s32 $0x0;
	s10 =	simm.s32 $0x200  }
.LBB2_2:
0x21: {  	p1 =	sne.s32 s10, $0xAE00;
	[tilespmem:s8+$0x270] =	vst v0  }
0x22: {  	[tilespmem:s8+$0x200] =	vst v0  }
0x23: {  	[tilespmem:s8+$0x210] =	vst v0  }
.Ltmp0:
0x24: {  	[tilespmem:s8+$0x220] =	vst v0;
	(pc) =	sbr.rel @p1 .LBB2_2-.Ltmp0, $4  }
0x25: {  	[tilespmem:s8+$0x230] =	vst v0  }
0x26: {  	[tilespmem:s8+$0x240] =	vst v0  }
0x27: {  	[tilespmem:s8+$0x250] =	vst v0  }
0x28: {  	[tilespmem:s8+$0x260] =	vst v0;
	s8 =	sshra.s32 s10, $0x2;
	s10 =	sadd.s32 $0x200, s10  }
0x29: {  	[tilespmem:s8+$0x270] =	vst v0  }
0x2a: {  	[tilespmem:s8+$0x200] =	vst v0  }
0x2b: {  	[tilespmem:s8+$0x210] =	vst v0  }
0x2c: {  	[tilespmem:s8+$0x220] =	vst v0  }
0x2d: {  	[tilespmem:s8+$0x230] =	vst v0  }
0x2e: {  	[tilespmem:s8+$0x240] =	vst v0  }
0x2f: {  	[tilespmem:s8+$0x250] =	vst v0  }
0x30: {  	[tilespmem:s8+$0x260] =	vst v0  }
0x31: {  	[spmem:s24] =	stream.linear.scatter [tilespmem:s29], [sflag:$0x9], $0x2C00, $0x38;
	[tilespmem:$0x1EA80] =	vst v63  }
0x32: {  	_ =	swait.ge [sflag:s30], $0x2C00  }
0x33: {  	[sflag:s30] =	ssyncset.done $0x0  }
0x34: {  	s24 =	rddreg [dreg:$0x10];
	[sflag:s30] =	ssyncadd.s32 $0xFFFFD400  }
0x35: {  	[spmem:s24] =	stream.linear.scatter [tilespmem:s29], [sflag:$0x9], $0x2C00, $0x38;
	[tilespmem:$0x1EA80] =	vst v63  }
0x36: {  	_ =	swait.ge [sflag:s30], $0x2C00  }
0x37: {  	[sflag:s30] =	ssyncset.done $0x0  }
0x38: {  	s26 =	rddreg [dreg:$0x11];
	[sflag:s30] =	ssyncadd.s32 $0xFFFFD400  }
0x39: {  	[spmem:s26] =	stream.linear.scatter [tilespmem:s29], [sflag:$0x9], $0x2C00, $0x38;
	[tilespmem:$0x1EA80] =	vst v63  }
0x3a: {  	_ =	swait.ge [sflag:s30], $0x2C00  }
0x3b: {  	[sflag:s30] =	ssyncset.done $0x0  }
0x3c: {  	s28 =	rddreg [dreg:$0x12];
	[sflag:s30] =	ssyncadd.s32 $0xFFFFD400  }
0x3d: {  	[spmem:s28] =	stream.linear.scatter [tilespmem:s29], [sflag:$0x9], $0x2C00, $0x38;
	[tilespmem:$0x1EA80] =	vst v63  }
0x3e: {  	_ =	swait.ge [sflag:s30], $0x2C00  }
0x3f: {  	[sflag:s30] =	ssyncset.done $0x0  }
0x40: {  	s10 =	rddreg [dreg:$0x13];
	[sflag:s30] =	ssyncadd.s32 $0xFFFFD400  }
0x41: {  	[spmem:s10] =	stream.linear.scatter [tilespmem:s29], [sflag:$0x9], $0x2C00, $0x38;
	[tilespmem:$0x1EA80] =	vst v63  }
0x42: {  	_ =	swait.ge [sflag:s30], $0x2C00  }
0x43: {  	[sflag:s30] =	ssyncset.done $0x0  }
0x44: {  	s12 =	rddreg [dreg:$0x14];
	[sflag:s30] =	ssyncadd.s32 $0xFFFFD400  }
0x45: {  	[spmem:s12] =	stream.linear.scatter [tilespmem:s29], [sflag:$0x9], $0x2C00, $0x38;
	[tilespmem:$0x1EA80] =	vst v63  }
0x46: {  	_ =	swait.ge [sflag:s30], $0x2C00  }
0x47: {  	[sflag:s30] =	ssyncset.done $0x0  }
0x48: {  	s24 =	rddreg [dreg:$0x15];
	[sflag:s30] =	ssyncadd.s32 $0xFFFFD400  }
0x49: {  	[spmem:s24] =	stream.linear.scatter [tilespmem:s29], [sflag:$0x9], $0x2C00, $0x38;
	[tilespmem:$0x1EA80] =	vst v63  }
0x4a: {  	_ =	swait.ge [sflag:s30], $0x2C00  }
0x4b: {  	[sflag:s30] =	ssyncset.done $0x0  }
0x4c: {  	s26 =	rddreg [dreg:$0x5];
	[sflag:s30] =	ssyncadd.s32 $0xFFFFD400  }
0x4d: {  	[spmem:s26] =	stream.linear.scatter [tilespmem:s29], [sflag:$0x9], $0x400, $0x38;
	[tilespmem:$0x1EA80] =	vst v63  }
0x4e: {  	_ =	swait.ge [sflag:s30], $0x400  }
0x4f: {  	[sflag:s30] =	ssyncset.done $0x0  }
0x50: {  	s8 =	simm.s32 @!p0 $0x200;
	[sflag:s30] =	ssyncadd.s32 $0xFFFFFC00  }
0x51: {  	[spmem:s25] =	stream.linear.scatter @!p0 [tilespmem:s8], [sflag:$0x9], $0x800, $0x38;
	[tilespmem:$0x1EA80] =	vst v63  }
0x52: {  	s8 =	simm.s32 @!p0 $0x9  }
0x53: {  	_ =	swait.ge @!p0 [sflag:s8], $0x800  }
0x54: {  	[sflag:s8] =	ssyncset.done @!p0 $0x0  }
0x55: {  	[sflag:s8] =	ssyncadd.s32 @!p0 $0xFFFFF800  }
0x56: {  	[bflag:$0x0] =	sbarrier.arrive $0xFFFF  }
0x57: {  	s25 =	simm.s32 $0x0;
	s28 =	rddreg [dreg:$0x7]  }
0x58: {  	[tilespmem:s25], [sflag:$0x5] =	stream.linear.gather [hbm4b:s28+s25], $0x58, $0x38;
	[tilespmem:$0x1EA80] =	vst v63  }
0x59: {  	s10 =	rddreg [dreg:$0x8]  }
0x5a: {  	[tilespmem:s31], [sflag:$0x7] =	stream.linear.gather [hbm4b:s10+s25], $0x58, $0x38;
	[tilespmem:$0x1EA80] =	vst v63  }
0x5b: {  	s12 =	rddreg [dreg:$0x9]  }
0x5c: {  	[tilespmem:s0], [sflag:$0x6] =	stream.linear.gather [hbm4b:s12+s25], $0x58, $0x38;
	[tilespmem:$0x1EA80] =	vst v63  }
0x5d: {  	s24 =	rddreg [dreg:$0xa]  }
0x5e: {  	[tilespmem:s4], [sflag:$0x8] =	stream.linear.gather [hbm4b:s24+s25], $0x58, $0x38;
	[tilespmem:$0x1EA80] =	vst v63  }
0x5f: {  	_ =	swait.ge [sflag:s9], $0x58  }
0x60: {  	[sflag:s9] =	ssyncset.done $0x0  }
0x61: {  	[sflag:s9] =	ssyncadd.s32 $0xFFFFFFA8  }
0x62: {  	[tilespmem:s29], [sflag:$0x1] =	stream.indirect.gather [hbm4b:s1+s11], $0x80, s25, s11, $0xb8;
	[tilespmem:$0x1EA80] =	vst v63  }
0x63: {  	s10 =	simm.s32 $0x5A00;
	s26 =	rddreg [dreg:$0xb]  }
0x64: {  	[tilespmem:s10], [sflag:$0x3] =	stream.linear.gather [hbm4b:s26+s25], $0x2C00, $0x38;
	[tilespmem:$0x1EA80] =	vst v63  }
0x65: {  	_ =	swait.ge [sflag:s13], $0x58  }
0x66: {  	[sflag:s13] =	ssyncset.done $0x0  }
0x67: {  	[sflag:s13] =	ssyncadd.s32 $0xFFFFFFA8  }
0x68: {  	[tilespmem:s14], [sflag:$0x2] =	stream.indirect.gather [hbm4b:s1+s11], $0x80, s0, s11, $0xb8;
	[tilespmem:$0x1EA80] =	vst v63  }
0x69: {  	s26 =	simm.s32 $0x0;
	s28 =	rddreg [dreg:$0xc]  }
0x6a: {  	[tilespmem:s15], [sflag:$0x4] =	stream.linear.gather [hbm4b:s28+s25], $0x2C00, $0x38;
	[tilespmem:$0x1EA80] =	vst v63  }
.LBB2_4:
0x6b: {  	_ =	swait.ge [sflag:s16], $0x2C00  }
0x6c: {  	s8 =	smul.u32 $0xB0, s26;
	[sflag:s16] =	ssyncset.done $0x0  }
0x6d: {  	[sflag:s16] =	ssyncadd.s32 $0xFFFFD400  }
0x6e: {  	s28 =	sadd.s32 s8, s17;
	_ =	swait.ge [sflag:s19], $0x2C00  }
0x6f: {  	s10 =	sshrl.u32 s28, $0x3;
	[sflag:s19] =	ssyncset.done $0x0  }
0x70: {  	s8 =	simm.s32 $0x0;
	s24 =	sadd.s32 s6, s10;
	[sflag:s19] =	ssyncadd.s32 $0xFFFFD400  }
0x71: {  	[tilespmem:s25], [sflag:$0x5] =	stream.linear.gather [hbm4b:s24+s25], $0x58, $0x38;
	[tilespmem:$0x1EA80] =	vst v63  }
0x72: {  	v8 =	vld [tilespmem:s8+$0x5A00]  }
0x73: {  	v12 =	vld [tilespmem:s8+$0x5A10]  }
0x74: {  	v6 =	vld [tilespmem:s8+$0x5A20]  }
0x75: {  	v5 =	vld [tilespmem:s8+$0x5A30]  }
0x76: {  	v4 =	vld [tilespmem:s8+$0x5A40]  }
0x77: {  	v3 =	vld [tilespmem:s8+$0x5A50]  }
0x78: {  	v2 =	vld [tilespmem:s8+$0x5A60]  }
0x79: {  	v1 =	vld [tilespmem:s8+$0x5A70]  }
0x7a: {  	v13 =	vld [tilespmem:s8+$0x200]  }
0x7b: {  	v14 =	vld [tilespmem:s8+$0x210]  }
0x7c: {  	v11 =	vld [tilespmem:s8+$0x220]  }
0x7d: {  	v10 =	vld [tilespmem:s8+$0x230]  }
0x7e: {  	v9 =	vld [tilespmem:s8+$0x240]  }
0x7f: {  	v7 =	vld [tilespmem:s8+$0x250];
	v13 =	vmul.f32 v8, v13  }
0x80: {  	s24 =	simm.s32 $0x200;
	v12 =	vmul.f32 v12, v14;
	v8 =	vld [tilespmem:s8+$0x260]  }
.LBB2_5:
0x81: {  	s12 =	sshra.s32 s24, $0x2;
	p1 =	sne.s32 s24, $0xAE00;
	[tilespmem:s8+$0x200] =	vst v13;
	v6 =	vmul.f32 v6, v11;
	v11 =	vld [tilespmem:s8+$0x270]  }
0x82: {  	v13 =	vld [tilespmem:s12+$0x5A00];
	[tilespmem:s8+$0x210] =	vst v12;
	v5 =	vmul.f32 v5, v10  }
0x83: {  	v12 =	vld [tilespmem:s12+$0x5A10];
	[tilespmem:s8+$0x220] =	vst v6;
	v4 =	vmul.f32 v4, v9  }
0x84: {  	v6 =	vld [tilespmem:s12+$0x5A20];
	[tilespmem:s8+$0x230] =	vst v5;
	v3 =	vmul.f32 v3, v7  }
0x85: {  	v5 =	vld [tilespmem:s12+$0x5A30];
	[tilespmem:s8+$0x240] =	vst v4;
	v2 =	vmul.f32 v2, v8  }
0x86: {  	v4 =	vld [tilespmem:s12+$0x5A40];
	[tilespmem:s8+$0x250] =	vst v3;
	v1 =	vmul.f32 v1, v11  }
0x87: {  	v3 =	vld [tilespmem:s12+$0x5A50];
	[tilespmem:s8+$0x260] =	vst v2  }
0x88: {  	v2 =	vld [tilespmem:s12+$0x5A60];
	[tilespmem:s8+$0x270] =	vst v1;
	s8 =	smov.u32 s12  }
0x89: {  	v1 =	vld [tilespmem:s8+$0x5A70]  }
0x8a: {  	v7 =	vld [tilespmem:s8+$0x200]  }
0x8b: {  	v8 =	vld [tilespmem:s8+$0x210]  }
.Ltmp1:
0x8c: {  	v11 =	vld [tilespmem:s8+$0x220];
	(pc) =	sbr.rel @p1 .LBB2_5-.Ltmp1, $4  }
0x8d: {  	v10 =	vld [tilespmem:s8+$0x230]  }
0x8e: {  	v9 =	vld [tilespmem:s8+$0x240]  }
0x8f: {  	v13 =	vmul.f32 v13, v7;
	v7 =	vld [tilespmem:s8+$0x250]  }
0x90: {  	s24 =	sadd.s32 $0x200, s24;
	v12 =	vmul.f32 v12, v8;
	v8 =	vld [tilespmem:s8+$0x260]  }
0x91: {  	[tilespmem:s8+$0x200] =	vst v13;
	v6 =	vmul.f32 v6, v11;
	v11 =	vld [tilespmem:s8+$0x270]  }
0x92: {  	[tilespmem:s8+$0x210] =	vst v12;
	v5 =	vmul.f32 v5, v10  }
0x93: {  	[tilespmem:s8+$0x220] =	vst v6;
	v4 =	vmul.f32 v4, v9  }
0x94: {  	[tilespmem:s8+$0x230] =	vst v5;
	v3 =	vmul.f32 v3, v7  }
0x95: {  	[tilespmem:s8+$0x240] =	vst v4;
	v2 =	vmul.f32 v2, v8  }
0x96: {  	[tilespmem:s8+$0x250] =	vst v3;
	v1 =	vmul.f32 v1, v11  }
0x97: {  	[tilespmem:s8+$0x260] =	vst v2  }
0x98: {  	[tilespmem:s8+$0x270] =	vst v1  }
0x99: {  	_ =	swait.ge [sflag:s20], $0x58  }
0x9a: {  	[sflag:s20] =	ssyncset.done $0x0  }
0x9b: {  	[sflag:s20] =	ssyncadd.s32 $0xFFFFFFA8  }
0x9c: {  	[spmem:s2] =	stream.indirect.scatter.add.f32 [tilespmem:s29], [sflag:$0x9], $0x80, s31, s11, $0xb8;
	[tilespmem:$0x1EA80] =	vst v63  }
0x9d: {  	_ =	swait.ge [sflag:s30], $0x2C00  }
0x9e: {  	[sflag:s30] =	ssyncset.done $0x0  }
0x9f: {  	s10 =	sadd.s32 s7, s10;
	s12 =	simm.s32 $0x0;
	[sflag:s30] =	ssyncadd.s32 $0xFFFFD400  }
0xa0: {  	[tilespmem:s31], [sflag:$0x7] =	stream.linear.gather [hbm4b:s10+s12], $0x58, $0x38;
	[tilespmem:$0x1EA80] =	vst v63  }
0xa1: {  	_ =	swait.ge [sflag:s9], $0x58  }
0xa2: {  	[sflag:s9] =	ssyncset.done $0x0  }
0xa3: {  	s24 =	sshll.u32 s28, $0x4;
	[sflag:s9] =	ssyncadd.s32 $0xFFFFFFA8  }
0xa4: {  	[tilespmem:s29], [sflag:$0x1] =	stream.indirect.gather [hbm4b:s1+s11], $0x80, s12, s11, $0xb8;
	[tilespmem:$0x1EA80] =	vst v63  }
0xa5: {  	s8 =	sadd.s32 s5, s24;
	s24 =	simm.s32 $0x5A00;
	s10 =	sshll.u32 s26, $0x1  }
0xa6: {  	[tilespmem:s24], [sflag:$0x3] =	stream.linear.gather [hbm4b:s8+s12], $0x2C00, $0x38;
	[tilespmem:$0x1EA80] =	vst v63  }
0xa7: {  	s10 =	smin.u32 s10, $0x33;
	_ =	swait.ge [sflag:s21], $0x2C00  }
0xa8: {  	s8 =	smul.u32 $0x58, s10;
	[sflag:s21] =	ssyncset.done $0x0  }
0xa9: {  	[sflag:s21] =	ssyncadd.s32 $0xFFFFD400  }
0xaa: {  	s28 =	sadd.s32 s8, s18;
	_ =	swait.ge [sflag:s22], $0x2C00  }
0xab: {  	s10 =	sshrl.u32 s28, $0x3;
	[sflag:s22] =	ssyncset.done $0x0  }
0xac: {  	s8 =	simm.s32 $0x0;
	s24 =	sadd.s32 s6, s10;
	[sflag:s22] =	ssyncadd.s32 $0xFFFFD400  }
0xad: {  	[tilespmem:s0], [sflag:$0x6] =	stream.linear.gather [hbm4b:s24+s12], $0x58, $0x38;
	[tilespmem:$0x1EA80] =	vst v63  }
0xae: {  	v8 =	vld [tilespmem:s8+$0x8600]  }
0xaf: {  	v12 =	vld [tilespmem:s8+$0x8610]  }
0xb0: {  	v6 =	vld [tilespmem:s8+$0x8620]  }
0xb1: {  	v5 =	vld [tilespmem:s8+$0x8630]  }
0xb2: {  	v4 =	vld [tilespmem:s8+$0x8640]  }
0xb3: {  	v3 =	vld [tilespmem:s8+$0x8650]  }
0xb4: {  	v2 =	vld [tilespmem:s8+$0x8660]  }
0xb5: {  	v1 =	vld [tilespmem:s8+$0x8670]  }
0xb6: {  	v13 =	vld [tilespmem:s8+$0x2E00]  }
0xb7: {  	v14 =	vld [tilespmem:s8+$0x2E10]  }
0xb8: {  	v11 =	vld [tilespmem:s8+$0x2E20]  }
0xb9: {  	v10 =	vld [tilespmem:s8+$0x2E30]  }
0xba: {  	v9 =	vld [tilespmem:s8+$0x2E40]  }
0xbb: {  	v7 =	vld [tilespmem:s8+$0x2E50];
	v13 =	vmul.f32 v8, v13  }
0xbc: {  	s24 =	simm.s32 $0x200;
	v12 =	vmul.f32 v12, v14;
	v8 =	vld [tilespmem:s8+$0x2E60]  }
.LBB2_7:
0xbd: {  	s12 =	sshra.s32 s24, $0x2;
	p1 =	sne.s32 s24, $0xAE00;
	[tilespmem:s8+$0x2E00] =	vst v13;
	v6 =	vmul.f32 v6, v11;
	v11 =	vld [tilespmem:s8+$0x2E70]  }
0xbe: {  	v13 =	vld [tilespmem:s12+$0x8600];
	[tilespmem:s8+$0x2E10] =	vst v12;
	v5 =	vmul.f32 v5, v10  }
0xbf: {  	v12 =	vld [tilespmem:s12+$0x8610];
	[tilespmem:s8+$0x2E20] =	vst v6;
	v4 =	vmul.f32 v4, v9  }
0xc0: {  	v6 =	vld [tilespmem:s12+$0x8620];
	[tilespmem:s8+$0x2E30] =	vst v5;
	v3 =	vmul.f32 v3, v7  }
0xc1: {  	v5 =	vld [tilespmem:s12+$0x8630];
	[tilespmem:s8+$0x2E40] =	vst v4;
	v2 =	vmul.f32 v2, v8  }
0xc2: {  	v4 =	vld [tilespmem:s12+$0x8640];
	[tilespmem:s8+$0x2E50] =	vst v3;
	v1 =	vmul.f32 v1, v11  }
0xc3: {  	v3 =	vld [tilespmem:s12+$0x8650];
	[tilespmem:s8+$0x2E60] =	vst v2  }
0xc4: {  	v2 =	vld [tilespmem:s12+$0x8660];
	[tilespmem:s8+$0x2E70] =	vst v1;
	s8 =	smov.u32 s12  }
0xc5: {  	v1 =	vld [tilespmem:s8+$0x8670]  }
0xc6: {  	v7 =	vld [tilespmem:s8+$0x2E00]  }
0xc7: {  	v8 =	vld [tilespmem:s8+$0x2E10]  }
.Ltmp2:
0xc8: {  	v11 =	vld [tilespmem:s8+$0x2E20];
	(pc) =	sbr.rel @p1 .LBB2_7-.Ltmp2, $4  }
0xc9: {  	v10 =	vld [tilespmem:s8+$0x2E30]  }
0xca: {  	v9 =	vld [tilespmem:s8+$0x2E40]  }
0xcb: {  	v13 =	vmul.f32 v13, v7;
	v7 =	vld [tilespmem:s8+$0x2E50]  }
0xcc: {  	s24 =	sadd.s32 $0x200, s24;
	v12 =	vmul.f32 v12, v8;
	v8 =	vld [tilespmem:s8+$0x2E60]  }
0xcd: {  	[tilespmem:s8+$0x2E00] =	vst v13;
	v6 =	vmul.f32 v6, v11;
	v63 =	vld [tilespmem:s8+$0x2E70]  }
0xce: {  	[tilespmem:s8+$0x2E10] =	vst v12;
	v5 =	vmul.f32 v5, v10  }
0xcf: {  	[tilespmem:s8+$0x2E20] =	vst v6;
	v4 =	vmul.f32 v4, v9  }
0xd0: {  	[tilespmem:s8+$0x2E30] =	vst v5;
	v3 =	vmul.f32 v3, v7  }
0xd1: {  	[tilespmem:s8+$0x2E40] =	vst v4;
	v2 =	vmul.f32 v2, v8  }
0xd2: {  	[tilespmem:s8+$0x2E50] =	vst v3;
	v1 =	vmul.f32 v1, v63  }
0xd3: {  	[tilespmem:s8+$0x2E60] =	vst v2  }
0xd4: {  	[tilespmem:s8+$0x2E70] =	vst v1  }
0xd5: {  	_ =	swait.ge [sflag:s23], $0x58  }
0xd6: {  	[sflag:s23] =	ssyncset.done $0x0  }
0xd7: {  	[sflag:s23] =	ssyncadd.s32 $0xFFFFFFA8  }
0xd8: {  	[spmem:s2] =	stream.indirect.scatter.add.f32 [tilespmem:s14], [sflag:$0x9], $0x80, s4, s11, $0xb8;
	[tilespmem:$0x1EA80] =	vst v63  }
0xd9: {  	_ =	swait.ge [sflag:s30], $0x2C00  }
0xda: {  	[sflag:s30] =	ssyncset.done $0x0  }
0xdb: {  	s24 =	sadd.s32 s7, s10;
	s26 =	sadd.s32 $0x1, s26;
	[sflag:s30] =	ssyncadd.s32 $0xFFFFD400  }
0xdc: {  	[tilespmem:s4], [sflag:$0x8] =	stream.linear.gather [hbm4b:s24+s3], $0x58, $0x38;
	[tilespmem:$0x1EA80] =	vst v63  }
0xdd: {  	p1 =	sne.s32 s26, $0x1B;
	_ =	swait.ge [sflag:s13], $0x58  }
.Ltmp3:
0xde: {  	[sflag:s13] =	ssyncset.done $0x0;
	(pc) =	sbr.rel @p1 .LBB2_4-.Ltmp3, $4  }
0xdf: {  	s28 =	sshll.u32 s28, $0x4;
	[sflag:s13] =	ssyncadd.s32 $0xFFFFFFA8  }
0xe0: {  	[tilespmem:s14], [sflag:$0x2] =	stream.indirect.gather [hbm4b:s1+s11], $0x80, s0, s11, $0xb8;
	[tilespmem:$0x1EA80] =	vst v63  }
0xe1: {  	s8 =	sadd.s32 s5, s28  }
0xe2: {  	[tilespmem:s15], [sflag:$0x4] =	stream.linear.gather [hbm4b:s8+s3], $0x2C00, $0x38;
	[tilespmem:$0x1EA80] =	vst v63  }
0xe3: {  	_ =	swait.ge [sflag:s16], $0x2C00  }
0xe4: {  	[sflag:s16] =	ssyncset.done $0x0  }
0xe5: {  	[sflag:s16] =	ssyncadd.s32 $0xFFFFD400  }
0xe6: {  	_ =	swait.ge [sflag:s19], $0x2C00  }
0xe7: {  	[sflag:s19] =	ssyncset.done $0x0  }
0xe8: {  	s8 =	simm.s32 $0x0;
	[sflag:s19] =	ssyncadd.s32 $0xFFFFD400  }
0xe9: {  	v8 =	vld [tilespmem:s8+$0x5A00]  }
0xea: {  	v12 =	vld [tilespmem:s8+$0x5A10]  }
0xeb: {  	v6 =	vld [tilespmem:s8+$0x5A20]  }
0xec: {  	v5 =	vld [tilespmem:s8+$0x5A30]  }
0xed: {  	v4 =	vld [tilespmem:s8+$0x5A40]  }
0xee: {  	v3 =	vld [tilespmem:s8+$0x5A50]  }
0xef: {  	v2 =	vld [tilespmem:s8+$0x5A60]  }
0xf0: {  	v1 =	vld [tilespmem:s8+$0x5A70]  }
0xf1: {  	v13 =	vld [tilespmem:s8+$0x200]  }
0xf2: {  	v14 =	vld [tilespmem:s8+$0x210]  }
0xf3: {  	v11 =	vld [tilespmem:s8+$0x220]  }
0xf4: {  	v10 =	vld [tilespmem:s8+$0x230]  }
0xf5: {  	v9 =	vld [tilespmem:s8+$0x240]  }
0xf6: {  	v7 =	vld [tilespmem:s8+$0x250];
	v13 =	vmul.f32 v8, v13  }
0xf7: {  	s10 =	simm.s32 $0x200;
	v12 =	vmul.f32 v12, v14;
	v8 =	vld [tilespmem:s8+$0x260]  }
.LBB2_10:
0xf8: {  	s12 =	sshra.s32 s10, $0x2;
	p1 =	sne.s32 s10, $0xAE00;
	[tilespmem:s8+$0x200] =	vst v13;
	v6 =	vmul.f32 v6, v11;
	v11 =	vld [tilespmem:s8+$0x270]  }
0xf9: {  	v13 =	vld [tilespmem:s12+$0x5A00];
	[tilespmem:s8+$0x210] =	vst v12;
	v5 =	vmul.f32 v5, v10  }
0xfa: {  	v12 =	vld [tilespmem:s12+$0x5A10];
	[tilespmem:s8+$0x220] =	vst v6;
	v4 =	vmul.f32 v4, v9  }
0xfb: {  	v6 =	vld [tilespmem:s12+$0x5A20];
	[tilespmem:s8+$0x230] =	vst v5;
	v3 =	vmul.f32 v3, v7  }
0xfc: {  	v5 =	vld [tilespmem:s12+$0x5A30];
	[tilespmem:s8+$0x240] =	vst v4;
	v2 =	vmul.f32 v2, v8  }
0xfd: {  	v4 =	vld [tilespmem:s12+$0x5A40];
	[tilespmem:s8+$0x250] =	vst v3;
	v1 =	vmul.f32 v1, v11  }
0xfe: {  	v3 =	vld [tilespmem:s12+$0x5A50];
	[tilespmem:s8+$0x260] =	vst v2  }
0xff: {  	v2 =	vld [tilespmem:s12+$0x5A60];
	[tilespmem:s8+$0x270] =	vst v1;
	s8 =	smov.u32 s12  }
0x100: {  	v1 =	vld [tilespmem:s8+$0x5A70]  }
0x101: {  	v7 =	vld [tilespmem:s8+$0x200]  }
0x102: {  	v8 =	vld [tilespmem:s8+$0x210]  }
.Ltmp4:
0x103: {  	v11 =	vld [tilespmem:s8+$0x220];
	(pc) =	sbr.rel @p1 .LBB2_10-.Ltmp4, $4  }
0x104: {  	v10 =	vld [tilespmem:s8+$0x230]  }
0x105: {  	v9 =	vld [tilespmem:s8+$0x240]  }
0x106: {  	v13 =	vmul.f32 v13, v7;
	v7 =	vld [tilespmem:s8+$0x250]  }
0x107: {  	s10 =	sadd.s32 $0x200, s10;
	v12 =	vmul.f32 v12, v8;
	v8 =	vld [tilespmem:s8+$0x260]  }
0x108: {  	[tilespmem:s8+$0x200] =	vst v13;
	v6 =	vmul.f32 v6, v11;
	v63 =	vld [tilespmem:s8+$0x270]  }
0x109: {  	[tilespmem:s8+$0x210] =	vst v12;
	v5 =	vmul.f32 v5, v10  }
0x10a: {  	[tilespmem:s8+$0x220] =	vst v6;
	v4 =	vmul.f32 v4, v9  }
0x10b: {  	[tilespmem:s8+$0x230] =	vst v5;
	v3 =	vmul.f32 v3, v7  }
0x10c: {  	[tilespmem:s8+$0x240] =	vst v4;
	v2 =	vmul.f32 v2, v8  }
0x10d: {  	[tilespmem:s8+$0x250] =	vst v3;
	v1 =	vmul.f32 v1, v63  }
0x10e: {  	[tilespmem:s8+$0x260] =	vst v2  }
0x10f: {  	[tilespmem:s8+$0x270] =	vst v1  }
0x110: {  	_ =	swait.ge [sflag:s20], $0x58  }
0x111: {  	[sflag:s20] =	ssyncset.done $0x0  }
0x112: {  	[sflag:s20] =	ssyncadd.s32 $0xFFFFFFA8  }
0x113: {  	[spmem:s2] =	stream.indirect.scatter.add.f32 [tilespmem:s29], [sflag:$0x9], $0x80, s31, s11, $0xb8;
	[tilespmem:$0x1EA80] =	vst v63  }
0x114: {  	_ =	swait.ge [sflag:s30], $0x2C00  }
0x115: {  	[sflag:s30] =	ssyncset.done $0x0  }
0x116: {  	[sflag:s30] =	ssyncadd.s32 $0xFFFFD400  }
0x117: {  	_ =	swait.ge [sflag:s21], $0x2C00  }
0x118: {  	[sflag:s21] =	ssyncset.done $0x0  }
0x119: {  	[sflag:s21] =	ssyncadd.s32 $0xFFFFD400  }
0x11a: {  	_ =	swait.ge [sflag:s22], $0x2C00  }
0x11b: {  	[sflag:s22] =	ssyncset.done $0x0  }
0x11c: {  	[sflag:s22] =	ssyncadd.s32 $0xFFFFD400  }
0x11d: {  	_ =	swait.ge [sflag:s23], $0x58  }
0x11e: {  	[sflag:s23] =	ssyncset.done $0x0  }
0x11f: {  	[sflag:s23] =	ssyncadd.s32 $0xFFFFFFA8  }
0x120: {  	s25 =	stileid.u32;
	[bflag:$0x0] =	sbarrier.arrive $0xFFFF  }
0x121: {  	s8 =	sshll.u32 s25, $0x6;
	s24 =	rddreg [dreg:$0x4]  }
0x122: {  	s8 =	sor.u32 $0x1C09, s8;
	s12 =	rddreg [dreg:$0xd];
	s10 =	sshrl.u32 s24, $0x3  }
0x123: {  	[hbm:s12], [sflag:s8] =	dma.local [spmem:s10], $0x2700  }
0x124: {  	_ =	swait.ge [sflag:s30], $0x2700  }
0x125: {  	[sflag:s30] =	ssyncset.done $0x0;
	s25 =	rddreg [dreg:$0x6]  }
0x126: {  	s12 =	rddreg [dreg:$0xe];
	[sflag:s30] =	ssyncadd.s32 $0xFFFFD900;
	s10 =	sshrl.u32 @!p0 s25, $0x3  }
0x127: {  	[hbm:s12], [sflag:s8] =	dma.local @!p0 [spmem:s10], $0x100  }
0x128: {  	s8 =	simm.s32 @!p0 $0x9  }
0x129: {  	_ =	swait.ge @!p0 [sflag:s8], $0x100  }
0x12a: {  	s26 =	rddreg [dreg:$0x16]  }
0x12b: {  	s28 =	rddreg [dreg:$0xf];
	s12 =	sadd.s32 $0x1, s26  }
0x12c: {  	p1 =	sne.s32 s12, s28  }
.Ltmp5:
0x12d: {  	_ = 	snop;
	(pc) =	sbr.rel @p1 .LBB2_1-.Ltmp5, $3  }
0x12e: {  	_ =	sdelay $0x1  }
0x12f: {  	[sflag:s8] =	ssyncset.done @!p0 $0x0  }
0x130: {  	[sflag:s8] =	ssyncadd.s32 @!p0 $0xFFFFFF00  }
0x131: {  	_ =	sfence.sel $0x180000  }
0x132: {  	[bflag:$0x0] =	sbarrier.arrive $0xFFFF  }
0x133: {  	_ =	strace $0x9000004A  }
0x134: {  	[bflag:$0x2] =	sbarrier.arrive $0xFFFF  }
0x135: {  	s0 =	rddreg [dreg:$0x3]  }
0x136: {  	s0 =	sadd.s32 @!p0 $0x100000, s0  }
0x137: {  	[sflag:s0] =	ssyncadd.tile.s32 @!p0 $0x1;
	_ =	shalt  }
.Lfunc_end2:
_tile_overlayer_lowered:
.L_overlay_start_2:
0x138: {  	(tag) =	ssettag $0x2  }
0x139: {  	s0 =	rddreg [dreg:$0x0];
	s2 =	stileid.u32  }
0x13a: {  	s1 =	rddreg [dreg:$0x1];
	p0 =	sne.s32 s2, $0x0  }
0x13b: {  	s3 =	rddreg [dreg:$0x2];
	[bflag:$0x3] =	sbarrier.arrive $0xFFFF;
	s2 =	simm.s32 @!p0 $0x1C09  }
0x13c: {  	[timem:s3], [sflag:s2] =	dma.local @!p0 [hbm:s0], s1  }
0x13d: {  	s0 =	simm.s32 @!p0 $0x9  }
0x13e: {  	_ =	swait.ge @!p0 [sflag:s0], s1  }
0x13f: {  	s1 =	ssub.s32 @!p0 $0x0, s1;
	[sflag:s0] =	ssyncset.done @!p0 $0x0  }
0x140: {  	[sflag:s0] =	ssyncadd.s32 @!p0 s1  }
0x141: {  	[bflag:$0x3] =	sbarrier.arrive $0xFFFF  }
0x142: {  	_ =	shalt  }

</sc_bundles>
